<compile_context>
chip_gen: v7x
topology: tpu7x:2x2x1
jax: 0.10.2.dev20260603
libtpu: 0.0.44.dev20260713+nightly
codegen_flags: <defaults>
</compile_context>

<pallas_src>
import jax
import jax.numpy as jnp
from jax import lax
from jax.experimental import pallas as pl
from jax.experimental.pallas import tpu as pltpu
from jax.experimental.pallas import tpu_sc as plsc

_B, _P, _T = 8192, 512, 512
_NBINS = 2000
_L = 16
_NC, _NS = 2, 16
_NW = _NC * _NS
_RPW = _B // _NW
_CHUNK = 8
_NCHUNK = _RPW // _CHUNK


def _sc_body(pmz_h, pint_h, pconf_h, tmz_h, tint_h, tmsk_h, out_h,
             bpm, bpi, bpc, btm, bti, btk,
             hp, ht, acc, sem0, sem1):
  wid = lax.axis_index("s") * _NC + lax.axis_index("c")
  row0 = wid * _RPW
  zero = jnp.zeros((_L,), jnp.float32)

  for k in range(_NBINS // _L):
    hp[pl.ds(k * _L, _L)] = zero
    ht[pl.ds(k * _L, _L)] = zero

  srcs = (pmz_h, pint_h, pconf_h, tmz_h, tint_h, tmsk_h)
  bufs = (bpm, bpi, bpc, btm, bti, btk)

  def issue(c, slot, sem):
    base = row0 + c * _CHUNK
    for src, buf in zip(srcs, bufs):
      pltpu.async_copy(src.at[pl.ds(base, _CHUNK)], buf.at[slot], sem)

  def drain(c, slot, sem):
    base = row0 + c * _CHUNK
    for src, buf in zip(srcs, bufs):
      pltpu.make_async_copy(src.at[pl.ds(base, _CHUNK)], buf.at[slot], sem).wait()

  def process(c, slot):
    lbpm, lbpi, lbpc = bpm.at[slot], bpi.at[slot], bpc.at[slot]
    lbtm, lbti, lbtk = btm.at[slot], bti.at[slot], btk.at[slot]

    def row_body(r, carry2):
      @plsc.parallel_loop(0, _P, step=_L, unroll=8)
      def _build_p(i):
        sl = pl.ds(i, _L)
        idx = jnp.clip((lbpm[r, sl] * 2000.0).astype(jnp.int32), 0, _NBINS - 1)
        wv = lbpi[r, sl] * lbpc[r, sl]
        plsc.addupdate_scatter(hp, [idx], wv)

      @plsc.parallel_loop(0, _T, step=_L, unroll=8)
      def _build_t(i):
        sl = pl.ds(i, _L)
        idx = jnp.clip((lbtm[r, sl] * 2000.0).astype(jnp.int32), 0, _NBINS - 1)
        vv = lbti[r, sl] * lbtk[r, sl]
        plsc.addupdate_scatter(ht, [idx], vv)

      def _sweep(i, accs):
        app, att, apt = accs
        sl = pl.ds(i, _L)
        hv = hp[sl]
        tv = ht[sl]
        app = app + hv * hv
        att = att + tv * tv
        apt = apt + hv * tv
        hp[sl] = zero
        ht[sl] = zero
        return (app, att, apt)

      app, att, apt = plsc.parallel_loop(
          0, _NBINS, step=_L, unroll=8, carry=(zero, zero, zero))(_sweep)
      row = c * _CHUNK + r
      acc[row, 0:_L] = app
      acc[row, _L:2 * _L] = att
      acc[row, 2 * _L:3 * _L] = apt
      return carry2

    lax.fori_loop(0, _CHUNK, row_body, 0)

  npair = _NCHUNK // 2
  issue(0, 0, sem0)

  def pair_body(c2, carry):
    c0 = 2 * c2
    c1 = c0 + 1
    issue(c1, 1, sem1)
    drain(c0, 0, sem0)
    process(c0, 0)

    @pl.when(c2 < npair - 1)
    def _prefetch():
      issue(c0 + 2, 0, sem0)

    drain(c1, 1, sem1)
    process(c1, 1)
    return carry

  lax.fori_loop(0, npair, pair_body, 0)
  pltpu.sync_copy(acc, out_h.at[pl.ds(row0, _RPW)])


def _sc_hist_sums(pmz, pint, pconf, tmz, tint, tmsk):
  mesh = plsc.VectorSubcoreMesh(core_axis_name="c", subcore_axis_name="s",
                                num_cores=_NC, num_subcores=_NS)
  kfn = pl.kernel(
      _sc_body,
      out_type=jax.ShapeDtypeStruct((_B, 3 * _L), jnp.float32),
      mesh=mesh,
      scratch_types=[
          pltpu.VMEM((2, _CHUNK, _P), jnp.float32),
          pltpu.VMEM((2, _CHUNK, _P), jnp.float32),
          pltpu.VMEM((2, _CHUNK, _P), jnp.float32),
          pltpu.VMEM((2, _CHUNK, _T), jnp.float32),
          pltpu.VMEM((2, _CHUNK, _T), jnp.float32),
          pltpu.VMEM((2, _CHUNK, _T), jnp.float32),
          pltpu.VMEM((_NBINS,), jnp.float32),
          pltpu.VMEM((_NBINS,), jnp.float32),
          pltpu.VMEM((_RPW, 3 * _L), jnp.float32),
          pltpu.SemaphoreType.DMA,
          pltpu.SemaphoreType.DMA,
      ],
      compiler_params=pltpu.CompilerParams(needs_layout_passes=False),
  )
  return kfn(pmz, pint, pconf, tmz, tint, tmsk)


def _tc_finish_body(x_ref, o_ref):
  x = x_ref[...]
  pp = jnp.sum(x[:, 0:_L], axis=1, keepdims=True)
  tt = jnp.sum(x[:, _L:2 * _L], axis=1, keepdims=True)
  pt = jnp.sum(x[:, 2 * _L:3 * _L], axis=1, keepdims=True)
  a = jnp.sqrt(pp)
  b = jnp.sqrt(tt)
  ae = a + 1e-8
  be = b + 1e-8
  pn = jnp.maximum(a / ae, 1e-8)
  tn = jnp.maximum(b / be, 1e-8)
  cos = (pt / (ae * be)) / (pn * tn)
  o_ref[0, 0] = 1.0 - jnp.mean(cos)


def _tc_finish(sums):
  return pl.pallas_call(
      _tc_finish_body,
      out_shape=jax.ShapeDtypeStruct((1, 1), jnp.float32),
      out_specs=pl.BlockSpec(memory_space=pltpu.SMEM),
  )(sums)


@jax.jit
def kernel(pred_mz, pred_intensity, pred_confidence,
           target_mz, target_intensity, target_mask):
  sums = _sc_hist_sums(pred_mz, pred_intensity, pred_confidence,
                       target_mz, target_intensity, target_mask)
  return _tc_finish(sums)[0, 0]

# --- scband reference (transcript-rebuilt; emitter-appended) ---
"""Pipeline reference for scband-cosine-similarity-loss-54434415509810 (READ-ONLY COPY).

The authoritative reference and input builder live on the scoring server;
editing this copy changes nothing except your own understanding.
"""

import jax, jax.numpy as jnp
import numpy as np

WEIGHT = 1.0
BIN_SIZE = 1.0
MAX_MZ = 2000.0
NORMALIZE_BINS = True
NUM_BINS = int(MAX_MZ / BIN_SIZE)


def setup_inputs(seed: int = 0) -> dict:
    key = jax.random.key(seed)
    ks = jax.random.split(key, 6)
    B, P, T = 8192, 512, 512
    pred_mz = jax.random.uniform(ks[0], (B, P), dtype=jnp.float32)
    pred_intensity = jax.random.uniform(ks[1], (B, P), dtype=jnp.float32)
    pred_confidence = jax.random.uniform(ks[2], (B, P), dtype=jnp.float32)
    target_mz = jax.random.uniform(ks[3], (B, T), dtype=jnp.float32)
    target_intensity = jax.random.uniform(ks[4], (B, T), dtype=jnp.float32)
    target_mask = jax.random.uniform(ks[5], (B, T), dtype=jnp.float32)
    return {
        "pred_mz": pred_mz,
        "pred_intensity": pred_intensity,
        "pred_confidence": pred_confidence,
        "target_mz": target_mz,
        "target_intensity": target_intensity,
        "target_mask": target_mask,
    }


def _create_binned_spectrum(mz, intensity, confidence=None):
    B = mz.shape[0]
    mz_denorm = mz * MAX_MZ
    bin_indices = (mz_denorm / BIN_SIZE).astype(jnp.int32)
    bin_indices = jnp.clip(bin_indices, 0, NUM_BINS - 1)
    if confidence is not None:
        weighted_intensity = intensity * confidence
    else:
        weighted_intensity = intensity
    rows = jnp.broadcast_to(jnp.arange(B, dtype=jnp.int32)[:, None], bin_indices.shape)
    binned = jnp.zeros((B, NUM_BINS), dtype=jnp.float32)
    binned = binned.at[rows, bin_indices].add(weighted_intensity)
    if NORMALIZE_BINS:
        norm = jnp.linalg.norm(binned, ord=2, axis=1, keepdims=True)
        binned = binned / (norm + 1e-08)
    return binned


def reference(pred_mz, pred_intensity, pred_confidence, target_mz, target_intensity, target_mask):
    pred_binned = _create_binned_spectrum(pred_mz, pred_intensity, pred_confidence)
    target_intensity_masked = target_intensity * target_mask
    target_binned = _create_binned_spectrum(target_mz, target_intensity_masked)
    # F.cosine_similarity with eps=1e-8 clamps each norm separately
    pn = jnp.maximum(jnp.linalg.norm(pred_binned, axis=1), 1e-08)
    tn = jnp.maximum(jnp.linalg.norm(target_binned, axis=1), 1e-08)
    cosine_sim = jnp.sum(pred_binned * target_binned, axis=1) / (pn * tn)
    loss = 1.0 - jnp.mean(cosine_sim)
    return WEIGHT * loss

if __name__ == "__main__":
    import jax
    _d = setup_inputs()
    print(jax.jit(kernel)(*tuple(_d.values())))

</pallas_src>

<mosaic_0001>
#map = affine_map<(d0, d1) -> (0, 0)>
module attributes {stable_mosaic.version = 14 : i64} {
  func.func @_sc_body(%arg0: i32, %arg1: i32, %arg2: memref<8192x512xf32, #tpu.memory_space<hbm>>, %arg3: memref<8192x512xf32, #tpu.memory_space<hbm>>, %arg4: memref<8192x512xf32, #tpu.memory_space<hbm>>, %arg5: memref<8192x512xf32, #tpu.memory_space<hbm>>, %arg6: memref<8192x512xf32, #tpu.memory_space<hbm>>, %arg7: memref<8192x512xf32, #tpu.memory_space<hbm>>, %arg8: memref<8192x48xf32, #tpu.memory_space<hbm>>, %arg9: memref<2x8x512xf32, #tpu.memory_space<vmem>>, %arg10: memref<2x8x512xf32, #tpu.memory_space<vmem>>, %arg11: memref<2x8x512xf32, #tpu.memory_space<vmem>>, %arg12: memref<2x8x512xf32, #tpu.memory_space<vmem>>, %arg13: memref<2x8x512xf32, #tpu.memory_space<vmem>>, %arg14: memref<2x8x512xf32, #tpu.memory_space<vmem>>, %arg15: memref<2000xf32, #tpu.memory_space<vmem>>, %arg16: memref<2000xf32, #tpu.memory_space<vmem>>, %arg17: memref<256x48xf32, #tpu.memory_space<vmem>>, %arg18: memref<!tpu.dma_semaphore, #tpu.memory_space<semaphore_mem>>, %arg19: memref<!tpu.dma_semaphore, #tpu.memory_space<semaphore_mem>>) attributes {dimension_semantics = [#tpu.dimension_semantics<core_parallel>, #tpu.dimension_semantics<subcore_parallel>], iteration_bounds = array<i64: 2, 16>, scalar_prefetch = 0 : i64, scratch_operands = 11 : i64, tpu.core_type = #tpu.core_type<sc_vector_subcore>, window_params = [{transform_indices = #map}, {transform_indices = #map}, {transform_indices = #map}, {transform_indices = #map}, {transform_indices = #map}, {transform_indices = #map}, {transform_indices = #map}]} {
    %mul3A = arith.constant 2 : i32
    %mul3A_0 = arith.muli %arg1, %mul3A : i32
    %add3A = arith.addi %mul3A_0, %arg0 : i32
    %mul3A_1 = arith.constant 256 : i32
    %mul3A_2 = arith.muli %add3A, %mul3A_1 : i32
    %broadcast_in_dim3A = arith.constant 0.000000e+00 : f32
    %broadcast_in_dim3A_3 = vector.broadcast %broadcast_in_dim3A : f32 to vector<16xf32>
    %swap3A = arith.constant 0 : index
    %swap3A_4 = tpu.vector_load %arg15[%swap3A] {strides = array<i32>} : memref<2000xf32, #tpu.memory_space<vmem>>, vector<16xf32>,
    tpu.vector_store %arg15[%swap3A], %broadcast_in_dim3A_3 {strides = array<i32>} : memref<2000xf32, #tpu.memory_space<vmem>>, vector<16xf32>,
    %swap3A_5 = arith.constant 0 : index
    %swap3A_6 = tpu.vector_load %arg16[%swap3A_5] {strides = array<i32>} : memref<2000xf32, #tpu.memory_space<vmem>>, vector<16xf32>,
    tpu.vector_store %arg16[%swap3A_5], %broadcast_in_dim3A_3 {strides = array<i32>} : memref<2000xf32, #tpu.memory_space<vmem>>, vector<16xf32>,
    %swap3A_7 = arith.constant 16 : index
    %swap3A_8 = tpu.vector_load %arg15[%swap3A_7] {strides = array<i32>} : memref<2000xf32, #tpu.memory_space<vmem>>, vector<16xf32>,
    tpu.vector_store %arg15[%swap3A_7], %broadcast_in_dim3A_3 {strides = array<i32>} : memref<2000xf32, #tpu.memory_space<vmem>>, vector<16xf32>,
    %swap3A_9 = arith.constant 16 : index
    %swap3A_10 = tpu.vector_load %arg16[%swap3A_9] {strides = array<i32>} : memref<2000xf32, #tpu.memory_space<vmem>>, vector<16xf32>,
    tpu.vector_store %arg16[%swap3A_9], %broadcast_in_dim3A_3 {strides = array<i32>} : memref<2000xf32, #tpu.memory_space<vmem>>, vector<16xf32>,
    %swap3A_11 = arith.constant 32 : index
    %swap3A_12 = tpu.vector_load %arg15[%swap3A_11] {strides = array<i32>} : memref<2000xf32, #tpu.memory_space<vmem>>, vector<16xf32>,
    tpu.vector_store %arg15[%swap3A_11], %broadcast_in_dim3A_3 {strides = array<i32>} : memref<2000xf32, #tpu.memory_space<vmem>>, vector<16xf32>,
    %swap3A_13 = arith.constant 32 : index
    %swap3A_14 = tpu.vector_load %arg16[%swap3A_13] {strides = array<i32>} : memref<2000xf32, #tpu.memory_space<vmem>>, vector<16xf32>,
    tpu.vector_store %arg16[%swap3A_13], %broadcast_in_dim3A_3 {strides = array<i32>} : memref<2000xf32, #tpu.memory_space<vmem>>, vector<16xf32>,
    %swap3A_15 = arith.constant 48 : index
    %swap3A_16 = tpu.vector_load %arg15[%swap3A_15] {strides = array<i32>} : memref<2000xf32, #tpu.memory_space<vmem>>, vector<16xf32>,
    tpu.vector_store %arg15[%swap3A_15], %broadcast_in_dim3A_3 {strides = array<i32>} : memref<2000xf32, #tpu.memory_space<vmem>>, vector<16xf32>,
    %swap3A_17 = arith.constant 48 : index
    %swap3A_18 = tpu.vector_load %arg16[%swap3A_17] {strides = array<i32>} : memref<2000xf32, #tpu.memory_space<vmem>>, vector<16xf32>,
    tpu.vector_store %arg16[%swap3A_17], %broadcast_in_dim3A_3 {strides = array<i32>} : memref<2000xf32, #tpu.memory_space<vmem>>, vector<16xf32>,
    %swap3A_19 = arith.constant 64 : index
    %swap3A_20 = tpu.vector_load %arg15[%swap3A_19] {strides = array<i32>} : memref<2000xf32, #tpu.memory_space<vmem>>, vector<16xf32>,
    tpu.vector_store %arg15[%swap3A_19], %broadcast_in_dim3A_3 {strides = array<i32>} : memref<2000xf32, #tpu.memory_space<vmem>>, vector<16xf32>,
    %swap3A_21 = arith.constant 64 : index
    %swap3A_22 = tpu.vector_load %arg16[%swap3A_21] {strides = array<i32>} : memref<2000xf32, #tpu.memory_space<vmem>>, vector<16xf32>,
    tpu.vector_store %arg16[%swap3A_21], %broadcast_in_dim3A_3 {strides = array<i32>} : memref<2000xf32, #tpu.memory_space<vmem>>, vector<16xf32>,
    %swap3A_23 = arith.constant 80 : index
    %swap3A_24 = tpu.vector_load %arg15[%swap3A_23] {strides = array<i32>} : memref<2000xf32, #tpu.memory_space<vmem>>, vector<16xf32>,
    tpu.vector_store %arg15[%swap3A_23], %broadcast_in_dim3A_3 {strides = array<i32>} : memref<2000xf32, #tpu.memory_space<vmem>>, vector<16xf32>,
    %swap3A_25 = arith.constant 80 : index
    %swap3A_26 = tpu.vector_load %arg16[%swap3A_25] {strides = array<i32>} : memref<2000xf32, #tpu.memory_space<vmem>>, vector<16xf32>,
    tpu.vector_store %arg16[%swap3A_25], %broadcast_in_dim3A_3 {strides = array<i32>} : memref<2000xf32, #tpu.memory_space<vmem>>, vector<16xf32>,
    %swap3A_27 = arith.constant 96 : index
    %swap3A_28 = tpu.vector_load %arg15[%swap3A_27] {strides = array<i32>} : memref<2000xf32, #tpu.memory_space<vmem>>, vector<16xf32>,
    tpu.vector_store %arg15[%swap3A_27], %broadcast_in_dim3A_3 {strides = array<i32>} : memref<2000xf32, #tpu.memory_space<vmem>>, vector<16xf32>,
    %swap3A_29 = arith.constant 96 : index
    %swap3A_30 = tpu.vector_load %arg16[%swap3A_29] {strides = array<i32>} : memref<2000xf32, #tpu.memory_space<vmem>>, vector<16xf32>,
    tpu.vector_store %arg16[%swap3A_29], %broadcast_in_dim3A_3 {strides = array<i32>} : memref<2000xf32, #tpu.memory_space<vmem>>, vector<16xf32>,
    %swap3A_31 = arith.constant 112 : index
    %swap3A_32 = tpu.vector_load %arg15[%swap3A_31] {strides = array<i32>} : memref<2000xf32, #tpu.memory_space<vmem>>, vector<16xf32>,
    tpu.vector_store %arg15[%swap3A_31], %broadcast_in_dim3A_3 {strides = array<i32>} : memref<2000xf32, #tpu.memory_space<vmem>>, vector<16xf32>,
    %swap3A_33 = arith.constant 112 : index
    %swap3A_34 = tpu.vector_load %arg16[%swap3A_33] {strides = array<i32>} : memref<2000xf32, #tpu.memory_space<vmem>>, vector<16xf32>,
    tpu.vector_store %arg16[%swap3A_33], %broadcast_in_dim3A_3 {strides = array<i32>} : memref<2000xf32, #tpu.memory_space<vmem>>, vector<16xf32>,
    %swap3A_35 = arith.constant 128 : index
    %swap3A_36 = tpu.vector_load %arg15[%swap3A_35] {strides = array<i32>} : memref<2000xf32, #tpu.memory_space<vmem>>, vector<16xf32>,
    tpu.vector_store %arg15[%swap3A_35], %broadcast_in_dim3A_3 {strides = array<i32>} : memref<2000xf32, #tpu.memory_space<vmem>>, vector<16xf32>,
    %swap3A_37 = arith.constant 128 : index
    %swap3A_38 = tpu.vector_load %arg16[%swap3A_37] {strides = array<i32>} : memref<2000xf32, #tpu.memory_space<vmem>>, vector<16xf32>,
    tpu.vector_store %arg16[%swap3A_37], %broadcast_in_dim3A_3 {strides = array<i32>} : memref<2000xf32, #tpu.memory_space<vmem>>, vector<16xf32>,
    %swap3A_39 = arith.constant 144 : index
    %swap3A_40 = tpu.vector_load %arg15[%swap3A_39] {strides = array<i32>} : memref<2000xf32, #tpu.memory_space<vmem>>, vector<16xf32>,
    tpu.vector_store %arg15[%swap3A_39], %broadcast_in_dim3A_3 {strides = array<i32>} : memref<2000xf32, #tpu.memory_space<vmem>>, vector<16xf32>,
    %swap3A_41 = arith.constant 144 : index
    %swap3A_42 = tpu.vector_load %arg16[%swap3A_41] {strides = array<i32>} : memref<2000xf32, #tpu.memory_space<vmem>>, vector<16xf32>,
    tpu.vector_store %arg16[%swap3A_41], %broadcast_in_dim3A_3 {strides = array<i32>} : memref<2000xf32, #tpu.memory_space<vmem>>, vector<16xf32>,
    %swap3A_43 = arith.constant 160 : index
    %swap3A_44 = tpu.vector_load %arg15[%swap3A_43] {strides = array<i32>} : memref<2000xf32, #tpu.memory_space<vmem>>, vector<16xf32>,
    tpu.vector_store %arg15[%swap3A_43], %broadcast_in_dim3A_3 {strides = array<i32>} : memref<2000xf32, #tpu.memory_space<vmem>>, vector<16xf32>,
    %swap3A_45 = arith.constant 160 : index
    %swap3A_46 = tpu.vector_load %arg16[%swap3A_45] {strides = array<i32>} : memref<2000xf32, #tpu.memory_space<vmem>>, vector<16xf32>,
    tpu.vector_store %arg16[%swap3A_45], %broadcast_in_dim3A_3 {strides = array<i32>} : memref<2000xf32, #tpu.memory_space<vmem>>, vector<16xf32>,
    %swap3A_47 = arith.constant 176 : index
    %swap3A_48 = tpu.vector_load %arg15[%swap3A_47] {strides = array<i32>} : memref<2000xf32, #tpu.memory_space<vmem>>, vector<16xf32>,
    tpu.vector_store %arg15[%swap3A_47], %broadcast_in_dim3A_3 {strides = array<i32>} : memref<2000xf32, #tpu.memory_space<vmem>>, vector<16xf32>,
    %swap3A_49 = arith.constant 176 : index
    %swap3A_50 = tpu.vector_load %arg16[%swap3A_49] {strides = array<i32>} : memref<2000xf32, #tpu.memory_space<vmem>>, vector<16xf32>,
    tpu.vector_store %arg16[%swap3A_49], %broadcast_in_dim3A_3 {strides = array<i32>} : memref<2000xf32, #tpu.memory_space<vmem>>, vector<16xf32>,
    %swap3A_51 = arith.constant 192 : index
    %swap3A_52 = tpu.vector_load %arg15[%swap3A_51] {strides = array<i32>} : memref<2000xf32, #tpu.memory_space<vmem>>, vector<16xf32>,
    tpu.vector_store %arg15[%swap3A_51], %broadcast_in_dim3A_3 {strides = array<i32>} : memref<2000xf32, #tpu.memory_space<vmem>>, vector<16xf32>,
    %swap3A_53 = arith.constant 192 : index
    %swap3A_54 = tpu.vector_load %arg16[%swap3A_53] {strides = array<i32>} : memref<2000xf32, #tpu.memory_space<vmem>>, vector<16xf32>,
    tpu.vector_store %arg16[%swap3A_53], %broadcast_in_dim3A_3 {strides = array<i32>} : memref<2000xf32, #tpu.memory_space<vmem>>, vector<16xf32>,
    %swap3A_55 = arith.constant 208 : index
    %swap3A_56 = tpu.vector_load %arg15[%swap3A_55] {strides = array<i32>} : memref<2000xf32, #tpu.memory_space<vmem>>, vector<16xf32>,
    tpu.vector_store %arg15[%swap3A_55], %broadcast_in_dim3A_3 {strides = array<i32>} : memref<2000xf32, #tpu.memory_space<vmem>>, vector<16xf32>,
    %swap3A_57 = arith.constant 208 : index
    %swap3A_58 = tpu.vector_load %arg16[%swap3A_57] {strides = array<i32>} : memref<2000xf32, #tpu.memory_space<vmem>>, vector<16xf32>,
    tpu.vector_store %arg16[%swap3A_57], %broadcast_in_dim3A_3 {strides = array<i32>} : memref<2000xf32, #tpu.memory_space<vmem>>, vector<16xf32>,
    %swap3A_59 = arith.constant 224 : index
    %swap3A_60 = tpu.vector_load %arg15[%swap3A_59] {strides = array<i32>} : memref<2000xf32, #tpu.memory_space<vmem>>, vector<16xf32>,
    tpu.vector_store %arg15[%swap3A_59], %broadcast_in_dim3A_3 {strides = array<i32>} : memref<2000xf32, #tpu.memory_space<vmem>>, vector<16xf32>,
    %swap3A_61 = arith.constant 224 : index
    %swap3A_62 = tpu.vector_load %arg16[%swap3A_61] {strides = array<i32>} : memref<2000xf32, #tpu.memory_space<vmem>>, vector<16xf32>,
    tpu.vector_store %arg16[%swap3A_61], %broadcast_in_dim3A_3 {strides = array<i32>} : memref<2000xf32, #tpu.memory_space<vmem>>, vector<16xf32>,
    %swap3A_63 = arith.constant 240 : index
    %swap3A_64 = tpu.vector_load %arg15[%swap3A_63] {strides = array<i32>} : memref<2000xf32, #tpu.memory_space<vmem>>, vector<16xf32>,
    tpu.vector_store %arg15[%swap3A_63], %broadcast_in_dim3A_3 {strides = array<i32>} : memref<2000xf32, #tpu.memory_space<vmem>>, vector<16xf32>,
    %swap3A_65 = arith.constant 240 : index
    %swap3A_66 = tpu.vector_load %arg16[%swap3A_65] {strides = array<i32>} : memref<2000xf32, #tpu.memory_space<vmem>>, vector<16xf32>,
    tpu.vector_store %arg16[%swap3A_65], %broadcast_in_dim3A_3 {strides = array<i32>} : memref<2000xf32, #tpu.memory_space<vmem>>, vector<16xf32>,
    %swap3A_67 = arith.constant 256 : index
    %swap3A_68 = tpu.vector_load %arg15[%swap3A_67] {strides = array<i32>} : memref<2000xf32, #tpu.memory_space<vmem>>, vector<16xf32>,
    tpu.vector_store %arg15[%swap3A_67], %broadcast_in_dim3A_3 {strides = array<i32>} : memref<2000xf32, #tpu.memory_space<vmem>>, vector<16xf32>,
    %swap3A_69 = arith.constant 256 : index
    %swap3A_70 = tpu.vector_load %arg16[%swap3A_69] {strides = array<i32>} : memref<2000xf32, #tpu.memory_space<vmem>>, vector<16xf32>,
    tpu.vector_store %arg16[%swap3A_69], %broadcast_in_dim3A_3 {strides = array<i32>} : memref<2000xf32, #tpu.memory_space<vmem>>, vector<16xf32>,
    %swap3A_71 = arith.constant 272 : index
    %swap3A_72 = tpu.vector_load %arg15[%swap3A_71] {strides = array<i32>} : memref<2000xf32, #tpu.memory_space<vmem>>, vector<16xf32>,
    tpu.vector_store %arg15[%swap3A_71], %broadcast_in_dim3A_3 {strides = array<i32>} : memref<2000xf32, #tpu.memory_space<vmem>>, vector<16xf32>,
    %swap3A_73 = arith.constant 272 : index
    %swap3A_74 = tpu.vector_load %arg16[%swap3A_73] {strides = array<i32>} : memref<2000xf32, #tpu.memory_space<vmem>>, vector<16xf32>,
    tpu.vector_store %arg16[%swap3A_73], %broadcast_in_dim3A_3 {strides = array<i32>} : memref<2000xf32, #tpu.memory_space<vmem>>, vector<16xf32>,
    %swap3A_75 = arith.constant 288 : index
    %swap3A_76 = tpu.vector_load %arg15[%swap3A_75] {strides = array<i32>} : memref<2000xf32, #tpu.memory_space<vmem>>, vector<16xf32>,
    tpu.vector_store %arg15[%swap3A_75], %broadcast_in_dim3A_3 {strides = array<i32>} : memref<2000xf32, #tpu.memory_space<vmem>>, vector<16xf32>,
    %swap3A_77 = arith.constant 288 : index
    %swap3A_78 = tpu.vector_load %arg16[%swap3A_77] {strides = array<i32>} : memref<2000xf32, #tpu.memory_space<vmem>>, vector<16xf32>,
    tpu.vector_store %arg16[%swap3A_77], %broadcast_in_dim3A_3 {strides = array<i32>} : memref<2000xf32, #tpu.memory_space<vmem>>, vector<16xf32>,
    %swap3A_79 = arith.constant 304 : index
    %swap3A_80 = tpu.vector_load %arg15[%swap3A_79] {strides = array<i32>} : memref<2000xf32, #tpu.memory_space<vmem>>, vector<16xf32>,
    tpu.vector_store %arg15[%swap3A_79], %broadcast_in_dim3A_3 {strides = array<i32>} : memref<2000xf32, #tpu.memory_space<vmem>>, vector<16xf32>,
    %swap3A_81 = arith.constant 304 : index
    %swap3A_82 = tpu.vector_load %arg16[%swap3A_81] {strides = array<i32>} : memref<2000xf32, #tpu.memory_space<vmem>>, vector<16xf32>,
    tpu.vector_store %arg16[%swap3A_81], %broadcast_in_dim3A_3 {strides = array<i32>} : memref<2000xf32, #tpu.memory_space<vmem>>, vector<16xf32>,
    %swap3A_83 = arith.constant 320 : index
    %swap3A_84 = tpu.vector_load %arg15[%swap3A_83] {strides = array<i32>} : memref<2000xf32, #tpu.memory_space<vmem>>, vector<16xf32>,
    tpu.vector_store %arg15[%swap3A_83], %broadcast_in_dim3A_3 {strides = array<i32>} : memref<2000xf32, #tpu.memory_space<vmem>>, vector<16xf32>,
    %swap3A_85 = arith.constant 320 : index
    %swap3A_86 = tpu.vector_load %arg16[%swap3A_85] {strides = array<i32>} : memref<2000xf32, #tpu.memory_space<vmem>>, vector<16xf32>,
    tpu.vector_store %arg16[%swap3A_85], %broadcast_in_dim3A_3 {strides = array<i32>} : memref<2000xf32, #tpu.memory_space<vmem>>, vector<16xf32>,
    %swap3A_87 = arith.constant 336 : index
    %swap3A_88 = tpu.vector_load %arg15[%swap3A_87] {strides = array<i32>} : memref<2000xf32, #tpu.memory_space<vmem>>, vector<16xf32>,
    tpu.vector_store %arg15[%swap3A_87], %broadcast_in_dim3A_3 {strides = array<i32>} : memref<2000xf32, #tpu.memory_space<vmem>>, vector<16xf32>,
    %swap3A_89 = arith.constant 336 : index
    %swap3A_90 = tpu.vector_load %arg16[%swap3A_89] {strides = array<i32>} : memref<2000xf32, #tpu.memory_space<vmem>>, vector<16xf32>,
    tpu.vector_store %arg16[%swap3A_89], %broadcast_in_dim3A_3 {strides = array<i32>} : memref<2000xf32, #tpu.memory_space<vmem>>, vector<16xf32>,
    %swap3A_91 = arith.constant 352 : index
    %swap3A_92 = tpu.vector_load %arg15[%swap3A_91] {strides = array<i32>} : memref<2000xf32, #tpu.memory_space<vmem>>, vector<16xf32>,
    tpu.vector_store %arg15[%swap3A_91], %broadcast_in_dim3A_3 {strides = array<i32>} : memref<2000xf32, #tpu.memory_space<vmem>>, vector<16xf32>,
    %swap3A_93 = arith.constant 352 : index
    %swap3A_94 = tpu.vector_load %arg16[%swap3A_93] {strides = array<i32>} : memref<2000xf32, #tpu.memory_space<vmem>>, vector<16xf32>,
    tpu.vector_store %arg16[%swap3A_93], %broadcast_in_dim3A_3 {strides = array<i32>} : memref<2000xf32, #tpu.memory_space<vmem>>, vector<16xf32>,
    %swap3A_95 = arith.constant 368 : index
    %swap3A_96 = tpu.vector_load %arg15[%swap3A_95] {strides = array<i32>} : memref<2000xf32, #tpu.memory_space<vmem>>, vector<16xf32>,
    tpu.vector_store %arg15[%swap3A_95], %broadcast_in_dim3A_3 {strides = array<i32>} : memref<2000xf32, #tpu.memory_space<vmem>>, vector<16xf32>,
    %swap3A_97 = arith.constant 368 : index
    %swap3A_98 = tpu.vector_load %arg16[%swap3A_97] {strides = array<i32>} : memref<2000xf32, #tpu.memory_space<vmem>>, vector<16xf32>,
    tpu.vector_store %arg16[%swap3A_97], %broadcast_in_dim3A_3 {strides = array<i32>} : memref<2000xf32, #tpu.memory_space<vmem>>, vector<16xf32>,
    %swap3A_99 = arith.constant 384 : index
    %swap3A_100 = tpu.vector_load %arg15[%swap3A_99] {strides = array<i32>} : memref<2000xf32, #tpu.memory_space<vmem>>, vector<16xf32>,
    tpu.vector_store %arg15[%swap3A_99], %broadcast_in_dim3A_3 {strides = array<i32>} : memref<2000xf32, #tpu.memory_space<vmem>>, vector<16xf32>,
    %swap3A_101 = arith.constant 384 : index
    %swap3A_102 = tpu.vector_load %arg16[%swap3A_101] {strides = array<i32>} : memref<2000xf32, #tpu.memory_space<vmem>>, vector<16xf32>,
    tpu.vector_store %arg16[%swap3A_101], %broadcast_in_dim3A_3 {strides = array<i32>} : memref<2000xf32, #tpu.memory_space<vmem>>, vector<16xf32>,
    %swap3A_103 = arith.constant 400 : index
    %swap3A_104 = tpu.vector_load %arg15[%swap3A_103] {strides = array<i32>} : memref<2000xf32, #tpu.memory_space<vmem>>, vector<16xf32>,
    tpu.vector_store %arg15[%swap3A_103], %broadcast_in_dim3A_3 {strides = array<i32>} : memref<2000xf32, #tpu.memory_space<vmem>>, vector<16xf32>,
    %swap3A_105 = arith.constant 400 : index
    %swap3A_106 = tpu.vector_load %arg16[%swap3A_105] {strides = array<i32>} : memref<2000xf32, #tpu.memory_space<vmem>>, vector<16xf32>,
    tpu.vector_store %arg16[%swap3A_105], %broadcast_in_dim3A_3 {strides = array<i32>} : memref<2000xf32, #tpu.memory_space<vmem>>, vector<16xf32>,
    %swap3A_107 = arith.constant 416 : index
    %swap3A_108 = tpu.vector_load %arg15[%swap3A_107] {strides = array<i32>} : memref<2000xf32, #tpu.memory_space<vmem>>, vector<16xf32>,
    tpu.vector_store %arg15[%swap3A_107], %broadcast_in_dim3A_3 {strides = array<i32>} : memref<2000xf32, #tpu.memory_space<vmem>>, vector<16xf32>,
    %swap3A_109 = arith.constant 416 : index
    %swap3A_110 = tpu.vector_load %arg16[%swap3A_109] {strides = array<i32>} : memref<2000xf32, #tpu.memory_space<vmem>>, vector<16xf32>,
    tpu.vector_store %arg16[%swap3A_109], %broadcast_in_dim3A_3 {strides = array<i32>} : memref<2000xf32, #tpu.memory_space<vmem>>, vector<16xf32>,
    %swap3A_111 = arith.constant 432 : index
    %swap3A_112 = tpu.vector_load %arg15[%swap3A_111] {strides = array<i32>} : memref<2000xf32, #tpu.memory_space<vmem>>, vector<16xf32>,
    tpu.vector_store %arg15[%swap3A_111], %broadcast_in_dim3A_3 {strides = array<i32>} : memref<2000xf32, #tpu.memory_space<vmem>>, vector<16xf32>,
    %swap3A_113 = arith.constant 432 : index
    %swap3A_114 = tpu.vector_load %arg16[%swap3A_113] {strides = array<i32>} : memref<2000xf32, #tpu.memory_space<vmem>>, vector<16xf32>,
    tpu.vector_store %arg16[%swap3A_113], %broadcast_in_dim3A_3 {strides = array<i32>} : memref<2000xf32, #tpu.memory_space<vmem>>, vector<16xf32>,
    %swap3A_115 = arith.constant 448 : index
    %swap3A_116 = tpu.vector_load %arg15[%swap3A_115] {strides = array<i32>} : memref<2000xf32, #tpu.memory_space<vmem>>, vector<16xf32>,
    tpu.vector_store %arg15[%swap3A_115], %broadcast_in_dim3A_3 {strides = array<i32>} : memref<2000xf32, #tpu.memory_space<vmem>>, vector<16xf32>,
    %swap3A_117 = arith.constant 448 : index
    %swap3A_118 = tpu.vector_load %arg16[%swap3A_117] {strides = array<i32>} : memref<2000xf32, #tpu.memory_space<vmem>>, vector<16xf32>,
    tpu.vector_store %arg16[%swap3A_117], %broadcast_in_dim3A_3 {strides = array<i32>} : memref<2000xf32, #tpu.memory_space<vmem>>, vector<16xf32>,
    %swap3A_119 = arith.constant 464 : index
    %swap3A_120 = tpu.vector_load %arg15[%swap3A_119] {strides = array<i32>} : memref<2000xf32, #tpu.memory_space<vmem>>, vector<16xf32>,
    tpu.vector_store %arg15[%swap3A_119], %broadcast_in_dim3A_3 {strides = array<i32>} : memref<2000xf32, #tpu.memory_space<vmem>>, vector<16xf32>,
    %swap3A_121 = arith.constant 464 : index
    %swap3A_122 = tpu.vector_load %arg16[%swap3A_121] {strides = array<i32>} : memref<2000xf32, #tpu.memory_space<vmem>>, vector<16xf32>,
    tpu.vector_store %arg16[%swap3A_121], %broadcast_in_dim3A_3 {strides = array<i32>} : memref<2000xf32, #tpu.memory_space<vmem>>, vector<16xf32>,
    %swap3A_123 = arith.constant 480 : index
    %swap3A_124 = tpu.vector_load %arg15[%swap3A_123] {strides = array<i32>} : memref<2000xf32, #tpu.memory_space<vmem>>, vector<16xf32>,
    tpu.vector_store %arg15[%swap3A_123], %broadcast_in_dim3A_3 {strides = array<i32>} : memref<2000xf32, #tpu.memory_space<vmem>>, vector<16xf32>,
    %swap3A_125 = arith.constant 480 : index
    %swap3A_126 = tpu.vector_load %arg16[%swap3A_125] {strides = array<i32>} : memref<2000xf32, #tpu.memory_space<vmem>>, vector<16xf32>,
    tpu.vector_store %arg16[%swap3A_125], %broadcast_in_dim3A_3 {strides = array<i32>} : memref<2000xf32, #tpu.memory_space<vmem>>, vector<16xf32>,
    %swap3A_127 = arith.constant 496 : index
    %swap3A_128 = tpu.vector_load %arg15[%swap3A_127] {strides = array<i32>} : memref<2000xf32, #tpu.memory_space<vmem>>, vector<16xf32>,
    tpu.vector_store %arg15[%swap3A_127], %broadcast_in_dim3A_3 {strides = array<i32>} : memref<2000xf32, #tpu.memory_space<vmem>>, vector<16xf32>,
    %swap3A_129 = arith.constant 496 : index
    %swap3A_130 = tpu.vector_load %arg16[%swap3A_129] {strides = array<i32>} : memref<2000xf32, #tpu.memory_space<vmem>>, vector<16xf32>,
    tpu.vector_store %arg16[%swap3A_129], %broadcast_in_dim3A_3 {strides = array<i32>} : memref<2000xf32, #tpu.memory_space<vmem>>, vector<16xf32>,
    %swap3A_131 = arith.constant 512 : index
    %swap3A_132 = tpu.vector_load %arg15[%swap3A_131] {strides = array<i32>} : memref<2000xf32, #tpu.memory_space<vmem>>, vector<16xf32>,
    tpu.vector_store %arg15[%swap3A_131], %broadcast_in_dim3A_3 {strides = array<i32>} : memref<2000xf32, #tpu.memory_space<vmem>>, vector<16xf32>,
    %swap3A_133 = arith.constant 512 : index
    %swap3A_134 = tpu.vector_load %arg16[%swap3A_133] {strides = array<i32>} : memref<2000xf32, #tpu.memory_space<vmem>>, vector<16xf32>,
    tpu.vector_store %arg16[%swap3A_133], %broadcast_in_dim3A_3 {strides = array<i32>} : memref<2000xf32, #tpu.memory_space<vmem>>, vector<16xf32>,
    %swap3A_135 = arith.constant 528 : index
    %swap3A_136 = tpu.vector_load %arg15[%swap3A_135] {strides = array<i32>} : memref<2000xf32, #tpu.memory_space<vmem>>, vector<16xf32>,
    tpu.vector_store %arg15[%swap3A_135], %broadcast_in_dim3A_3 {strides = array<i32>} : memref<2000xf32, #tpu.memory_space<vmem>>, vector<16xf32>,
    %swap3A_137 = arith.constant 528 : index
    %swap3A_138 = tpu.vector_load %arg16[%swap3A_137] {strides = array<i32>} : memref<2000xf32, #tpu.memory_space<vmem>>, vector<16xf32>,
    tpu.vector_store %arg16[%swap3A_137], %broadcast_in_dim3A_3 {strides = array<i32>} : memref<2000xf32, #tpu.memory_space<vmem>>, vector<16xf32>,
    %swap3A_139 = arith.constant 544 : index
    %swap3A_140 = tpu.vector_load %arg15[%swap3A_139] {strides = array<i32>} : memref<2000xf32, #tpu.memory_space<vmem>>, vector<16xf32>,
    tpu.vector_store %arg15[%swap3A_139], %broadcast_in_dim3A_3 {strides = array<i32>} : memref<2000xf32, #tpu.memory_space<vmem>>, vector<16xf32>,
    %swap3A_141 = arith.constant 544 : index
    %swap3A_142 = tpu.vector_load %arg16[%swap3A_141] {strides = array<i32>} : memref<2000xf32, #tpu.memory_space<vmem>>, vector<16xf32>,
    tpu.vector_store %arg16[%swap3A_141], %broadcast_in_dim3A_3 {strides = array<i32>} : memref<2000xf32, #tpu.memory_space<vmem>>, vector<16xf32>,
    %swap3A_143 = arith.constant 560 : index
    %swap3A_144 = tpu.vector_load %arg15[%swap3A_143] {strides = array<i32>} : memref<2000xf32, #tpu.memory_space<vmem>>, vector<16xf32>,
    tpu.vector_store %arg15[%swap3A_143], %broadcast_in_dim3A_3 {strides = array<i32>} : memref<2000xf32, #tpu.memory_space<vmem>>, vector<16xf32>,
    %swap3A_145 = arith.constant 560 : index
    %swap3A_146 = tpu.vector_load %arg16[%swap3A_145] {strides = array<i32>} : memref<2000xf32, #tpu.memory_space<vmem>>, vector<16xf32>,
    tpu.vector_store %arg16[%swap3A_145], %broadcast_in_dim3A_3 {strides = array<i32>} : memref<2000xf32, #tpu.memory_space<vmem>>, vector<16xf32>,
    %swap3A_147 = arith.constant 576 : index
    %swap3A_148 = tpu.vector_load %arg15[%swap3A_147] {strides = array<i32>} : memref<2000xf32, #tpu.memory_space<vmem>>, vector<16xf32>,
    tpu.vector_store %arg15[%swap3A_147], %broadcast_in_dim3A_3 {strides = array<i32>} : memref<2000xf32, #tpu.memory_space<vmem>>, vector<16xf32>,
    %swap3A_149 = arith.constant 576 : index
    %swap3A_150 = tpu.vector_load %arg16[%swap3A_149] {strides = array<i32>} : memref<2000xf32, #tpu.memory_space<vmem>>, vector<16xf32>,
    tpu.vector_store %arg16[%swap3A_149], %broadcast_in_dim3A_3 {strides = array<i32>} : memref<2000xf32, #tpu.memory_space<vmem>>, vector<16xf32>,
    %swap3A_151 = arith.constant 592 : index
    %swap3A_152 = tpu.vector_load %arg15[%swap3A_151] {strides = array<i32>} : memref<2000xf32, #tpu.memory_space<vmem>>, vector<16xf32>,
    tpu.vector_store %arg15[%swap3A_151], %broadcast_in_dim3A_3 {strides = array<i32>} : memref<2000xf32, #tpu.memory_space<vmem>>, vector<16xf32>,
    %swap3A_153 = arith.constant 592 : index
    %swap3A_154 = tpu.vector_load %arg16[%swap3A_153] {strides = array<i32>} : memref<2000xf32, #tpu.memory_space<vmem>>, vector<16xf32>,
    tpu.vector_store %arg16[%swap3A_153], %broadcast_in_dim3A_3 {strides = array<i32>} : memref<2000xf32, #tpu.memory_space<vmem>>, vector<16xf32>,
    %swap3A_155 = arith.constant 608 : index
    %swap3A_156 = tpu.vector_load %arg15[%swap3A_155] {strides = array<i32>} : memref<2000xf32, #tpu.memory_space<vmem>>, vector<16xf32>,
    tpu.vector_store %arg15[%swap3A_155], %broadcast_in_dim3A_3 {strides = array<i32>} : memref<2000xf32, #tpu.memory_space<vmem>>, vector<16xf32>,
    %swap3A_157 = arith.constant 608 : index
    %swap3A_158 = tpu.vector_load %arg16[%swap3A_157] {strides = array<i32>} : memref<2000xf32, #tpu.memory_space<vmem>>, vector<16xf32>,
    tpu.vector_store %arg16[%swap3A_157], %broadcast_in_dim3A_3 {strides = array<i32>} : memref<2000xf32, #tpu.memory_space<vmem>>, vector<16xf32>,
    %swap3A_159 = arith.constant 624 : index
    %swap3A_160 = tpu.vector_load %arg15[%swap3A_159] {strides = array<i32>} : memref<2000xf32, #tpu.memory_space<vmem>>, vector<16xf32>,
    tpu.vector_store %arg15[%swap3A_159], %broadcast_in_dim3A_3 {strides = array<i32>} : memref<2000xf32, #tpu.memory_space<vmem>>, vector<16xf32>,
    %swap3A_161 = arith.constant 624 : index
    %swap3A_162 = tpu.vector_load %arg16[%swap3A_161] {strides = array<i32>} : memref<2000xf32, #tpu.memory_space<vmem>>, vector<16xf32>,
    tpu.vector_store %arg16[%swap3A_161], %broadcast_in_dim3A_3 {strides = array<i32>} : memref<2000xf32, #tpu.memory_space<vmem>>, vector<16xf32>,
    %swap3A_163 = arith.constant 640 : index
    %swap3A_164 = tpu.vector_load %arg15[%swap3A_163] {strides = array<i32>} : memref<2000xf32, #tpu.memory_space<vmem>>, vector<16xf32>,
    tpu.vector_store %arg15[%swap3A_163], %broadcast_in_dim3A_3 {strides = array<i32>} : memref<2000xf32, #tpu.memory_space<vmem>>, vector<16xf32>,
    %swap3A_165 = arith.constant 640 : index
    %swap3A_166 = tpu.vector_load %arg16[%swap3A_165] {strides = array<i32>} : memref<2000xf32, #tpu.memory_space<vmem>>, vector<16xf32>,
    tpu.vector_store %arg16[%swap3A_165], %broadcast_in_dim3A_3 {strides = array<i32>} : memref<2000xf32, #tpu.memory_space<vmem>>, vector<16xf32>,
    %swap3A_167 = arith.constant 656 : index
    %swap3A_168 = tpu.vector_load %arg15[%swap3A_167] {strides = array<i32>} : memref<2000xf32, #tpu.memory_space<vmem>>, vector<16xf32>,
    tpu.vector_store %arg15[%swap3A_167], %broadcast_in_dim3A_3 {strides = array<i32>} : memref<2000xf32, #tpu.memory_space<vmem>>, vector<16xf32>,
    %swap3A_169 = arith.constant 656 : index
    %swap3A_170 = tpu.vector_load %arg16[%swap3A_169] {strides = array<i32>} : memref<2000xf32, #tpu.memory_space<vmem>>, vector<16xf32>,
    tpu.vector_store %arg16[%swap3A_169], %broadcast_in_dim3A_3 {strides = array<i32>} : memref<2000xf32, #tpu.memory_space<vmem>>, vector<16xf32>,
    %swap3A_171 = arith.constant 672 : index
    %swap3A_172 = tpu.vector_load %arg15[%swap3A_171] {strides = array<i32>} : memref<2000xf32, #tpu.memory_space<vmem>>, vector<16xf32>,
    tpu.vector_store %arg15[%swap3A_171], %broadcast_in_dim3A_3 {strides = array<i32>} : memref<2000xf32, #tpu.memory_space<vmem>>, vector<16xf32>,
    %swap3A_173 = arith.constant 672 : index
    %swap3A_174 = tpu.vector_load %arg16[%swap3A_173] {strides = array<i32>} : memref<2000xf32, #tpu.memory_space<vmem>>, vector<16xf32>,
    tpu.vector_store %arg16[%swap3A_173], %broadcast_in_dim3A_3 {strides = array<i32>} : memref<2000xf32, #tpu.memory_space<vmem>>, vector<16xf32>,
    %swap3A_175 = arith.constant 688 : index
    %swap3A_176 = tpu.vector_load %arg15[%swap3A_175] {strides = array<i32>} : memref<2000xf32, #tpu.memory_space<vmem>>, vector<16xf32>,
    tpu.vector_store %arg15[%swap3A_175], %broadcast_in_dim3A_3 {strides = array<i32>} : memref<2000xf32, #tpu.memory_space<vmem>>, vector<16xf32>,
    %swap3A_177 = arith.constant 688 : index
    %swap3A_178 = tpu.vector_load %arg16[%swap3A_177] {strides = array<i32>} : memref<2000xf32, #tpu.memory_space<vmem>>, vector<16xf32>,
    tpu.vector_store %arg16[%swap3A_177], %broadcast_in_dim3A_3 {strides = array<i32>} : memref<2000xf32, #tpu.memory_space<vmem>>, vector<16xf32>,
    %swap3A_179 = arith.constant 704 : index
    %swap3A_180 = tpu.vector_load %arg15[%swap3A_179] {strides = array<i32>} : memref<2000xf32, #tpu.memory_space<vmem>>, vector<16xf32>,
    tpu.vector_store %arg15[%swap3A_179], %broadcast_in_dim3A_3 {strides = array<i32>} : memref<2000xf32, #tpu.memory_space<vmem>>, vector<16xf32>,
    %swap3A_181 = arith.constant 704 : index
    %swap3A_182 = tpu.vector_load %arg16[%swap3A_181] {strides = array<i32>} : memref<2000xf32, #tpu.memory_space<vmem>>, vector<16xf32>,
    tpu.vector_store %arg16[%swap3A_181], %broadcast_in_dim3A_3 {strides = array<i32>} : memref<2000xf32, #tpu.memory_space<vmem>>, vector<16xf32>,
    %swap3A_183 = arith.constant 720 : index
    %swap3A_184 = tpu.vector_load %arg15[%swap3A_183] {strides = array<i32>} : memref<2000xf32, #tpu.memory_space<vmem>>, vector<16xf32>,
    tpu.vector_store %arg15[%swap3A_183], %broadcast_in_dim3A_3 {strides = array<i32>} : memref<2000xf32, #tpu.memory_space<vmem>>, vector<16xf32>,
    %swap3A_185 = arith.constant 720 : index
    %swap3A_186 = tpu.vector_load %arg16[%swap3A_185] {strides = array<i32>} : memref<2000xf32, #tpu.memory_space<vmem>>, vector<16xf32>,
    tpu.vector_store %arg16[%swap3A_185], %broadcast_in_dim3A_3 {strides = array<i32>} : memref<2000xf32, #tpu.memory_space<vmem>>, vector<16xf32>,
    %swap3A_187 = arith.constant 736 : index
    %swap3A_188 = tpu.vector_load %arg15[%swap3A_187] {strides = array<i32>} : memref<2000xf32, #tpu.memory_space<vmem>>, vector<16xf32>,
    tpu.vector_store %arg15[%swap3A_187], %broadcast_in_dim3A_3 {strides = array<i32>} : memref<2000xf32, #tpu.memory_space<vmem>>, vector<16xf32>,
    %swap3A_189 = arith.constant 736 : index
    %swap3A_190 = tpu.vector_load %arg16[%swap3A_189] {strides = array<i32>} : memref<2000xf32, #tpu.memory_space<vmem>>, vector<16xf32>,
    tpu.vector_store %arg16[%swap3A_189], %broadcast_in_dim3A_3 {strides = array<i32>} : memref<2000xf32, #tpu.memory_space<vmem>>, vector<16xf32>,
    %swap3A_191 = arith.constant 752 : index
    %swap3A_192 = tpu.vector_load %arg15[%swap3A_191] {strides = array<i32>} : memref<2000xf32, #tpu.memory_space<vmem>>, vector<16xf32>,
    tpu.vector_store %arg15[%swap3A_191], %broadcast_in_dim3A_3 {strides = array<i32>} : memref<2000xf32, #tpu.memory_space<vmem>>, vector<16xf32>,
    %swap3A_193 = arith.constant 752 : index
    %swap3A_194 = tpu.vector_load %arg16[%swap3A_193] {strides = array<i32>} : memref<2000xf32, #tpu.memory_space<vmem>>, vector<16xf32>,
    tpu.vector_store %arg16[%swap3A_193], %broadcast_in_dim3A_3 {strides = array<i32>} : memref<2000xf32, #tpu.memory_space<vmem>>, vector<16xf32>,
    %swap3A_195 = arith.constant 768 : index
    %swap3A_196 = tpu.vector_load %arg15[%swap3A_195] {strides = array<i32>} : memref<2000xf32, #tpu.memory_space<vmem>>, vector<16xf32>,
    tpu.vector_store %arg15[%swap3A_195], %broadcast_in_dim3A_3 {strides = array<i32>} : memref<2000xf32, #tpu.memory_space<vmem>>, vector<16xf32>,
    %swap3A_197 = arith.constant 768 : index
    %swap3A_198 = tpu.vector_load %arg16[%swap3A_197] {strides = array<i32>} : memref<2000xf32, #tpu.memory_space<vmem>>, vector<16xf32>,
    tpu.vector_store %arg16[%swap3A_197], %broadcast_in_dim3A_3 {strides = array<i32>} : memref<2000xf32, #tpu.memory_space<vmem>>, vector<16xf32>,
    %swap3A_199 = arith.constant 784 : index
    %swap3A_200 = tpu.vector_load %arg15[%swap3A_199] {strides = array<i32>} : memref<2000xf32, #tpu.memory_space<vmem>>, vector<16xf32>,
    tpu.vector_store %arg15[%swap3A_199], %broadcast_in_dim3A_3 {strides = array<i32>} : memref<2000xf32, #tpu.memory_space<vmem>>, vector<16xf32>,
    %swap3A_201 = arith.constant 784 : index
    %swap3A_202 = tpu.vector_load %arg16[%swap3A_201] {strides = array<i32>} : memref<2000xf32, #tpu.memory_space<vmem>>, vector<16xf32>,
    tpu.vector_store %arg16[%swap3A_201], %broadcast_in_dim3A_3 {strides = array<i32>} : memref<2000xf32, #tpu.memory_space<vmem>>, vector<16xf32>,
    %swap3A_203 = arith.constant 800 : index
    %swap3A_204 = tpu.vector_load %arg15[%swap3A_203] {strides = array<i32>} : memref<2000xf32, #tpu.memory_space<vmem>>, vector<16xf32>,
    tpu.vector_store %arg15[%swap3A_203], %broadcast_in_dim3A_3 {strides = array<i32>} : memref<2000xf32, #tpu.memory_space<vmem>>, vector<16xf32>,
    %swap3A_205 = arith.constant 800 : index
    %swap3A_206 = tpu.vector_load %arg16[%swap3A_205] {strides = array<i32>} : memref<2000xf32, #tpu.memory_space<vmem>>, vector<16xf32>,
    tpu.vector_store %arg16[%swap3A_205], %broadcast_in_dim3A_3 {strides = array<i32>} : memref<2000xf32, #tpu.memory_space<vmem>>, vector<16xf32>,
    %swap3A_207 = arith.constant 816 : index
    %swap3A_208 = tpu.vector_load %arg15[%swap3A_207] {strides = array<i32>} : memref<2000xf32, #tpu.memory_space<vmem>>, vector<16xf32>,
    tpu.vector_store %arg15[%swap3A_207], %broadcast_in_dim3A_3 {strides = array<i32>} : memref<2000xf32, #tpu.memory_space<vmem>>, vector<16xf32>,
    %swap3A_209 = arith.constant 816 : index
    %swap3A_210 = tpu.vector_load %arg16[%swap3A_209] {strides = array<i32>} : memref<2000xf32, #tpu.memory_space<vmem>>, vector<16xf32>,
    tpu.vector_store %arg16[%swap3A_209], %broadcast_in_dim3A_3 {strides = array<i32>} : memref<2000xf32, #tpu.memory_space<vmem>>, vector<16xf32>,
    %swap3A_211 = arith.constant 832 : index
    %swap3A_212 = tpu.vector_load %arg15[%swap3A_211] {strides = array<i32>} : memref<2000xf32, #tpu.memory_space<vmem>>, vector<16xf32>,
    tpu.vector_store %arg15[%swap3A_211], %broadcast_in_dim3A_3 {strides = array<i32>} : memref<2000xf32, #tpu.memory_space<vmem>>, vector<16xf32>,
    %swap3A_213 = arith.constant 832 : index
    %swap3A_214 = tpu.vector_load %arg16[%swap3A_213] {strides = array<i32>} : memref<2000xf32, #tpu.memory_space<vmem>>, vector<16xf32>,
    tpu.vector_store %arg16[%swap3A_213], %broadcast_in_dim3A_3 {strides = array<i32>} : memref<2000xf32, #tpu.memory_space<vmem>>, vector<16xf32>,
    %swap3A_215 = arith.constant 848 : index
    %swap3A_216 = tpu.vector_load %arg15[%swap3A_215] {strides = array<i32>} : memref<2000xf32, #tpu.memory_space<vmem>>, vector<16xf32>,
    tpu.vector_store %arg15[%swap3A_215], %broadcast_in_dim3A_3 {strides = array<i32>} : memref<2000xf32, #tpu.memory_space<vmem>>, vector<16xf32>,
    %swap3A_217 = arith.constant 848 : index
    %swap3A_218 = tpu.vector_load %arg16[%swap3A_217] {strides = array<i32>} : memref<2000xf32, #tpu.memory_space<vmem>>, vector<16xf32>,
    tpu.vector_store %arg16[%swap3A_217], %broadcast_in_dim3A_3 {strides = array<i32>} : memref<2000xf32, #tpu.memory_space<vmem>>, vector<16xf32>,
    %swap3A_219 = arith.constant 864 : index
    %swap3A_220 = tpu.vector_load %arg15[%swap3A_219] {strides = array<i32>} : memref<2000xf32, #tpu.memory_space<vmem>>, vector<16xf32>,
    tpu.vector_store %arg15[%swap3A_219], %broadcast_in_dim3A_3 {strides = array<i32>} : memref<2000xf32, #tpu.memory_space<vmem>>, vector<16xf32>,
    %swap3A_221 = arith.constant 864 : index
    %swap3A_222 = tpu.vector_load %arg16[%swap3A_221] {strides = array<i32>} : memref<2000xf32, #tpu.memory_space<vmem>>, vector<16xf32>,
    tpu.vector_store %arg16[%swap3A_221], %broadcast_in_dim3A_3 {strides = array<i32>} : memref<2000xf32, #tpu.memory_space<vmem>>, vector<16xf32>,
    %swap3A_223 = arith.constant 880 : index
    %swap3A_224 = tpu.vector_load %arg15[%swap3A_223] {strides = array<i32>} : memref<2000xf32, #tpu.memory_space<vmem>>, vector<16xf32>,
    tpu.vector_store %arg15[%swap3A_223], %broadcast_in_dim3A_3 {strides = array<i32>} : memref<2000xf32, #tpu.memory_space<vmem>>, vector<16xf32>,
    %swap3A_225 = arith.constant 880 : index
    %swap3A_226 = tpu.vector_load %arg16[%swap3A_225] {strides = array<i32>} : memref<2000xf32, #tpu.memory_space<vmem>>, vector<16xf32>,
    tpu.vector_store %arg16[%swap3A_225], %broadcast_in_dim3A_3 {strides = array<i32>} : memref<2000xf32, #tpu.memory_space<vmem>>, vector<16xf32>,
    %swap3A_227 = arith.constant 896 : index
    %swap3A_228 = tpu.vector_load %arg15[%swap3A_227] {strides = array<i32>} : memref<2000xf32, #tpu.memory_space<vmem>>, vector<16xf32>,
    tpu.vector_store %arg15[%swap3A_227], %broadcast_in_dim3A_3 {strides = array<i32>} : memref<2000xf32, #tpu.memory_space<vmem>>, vector<16xf32>,
    %swap3A_229 = arith.constant 896 : index
    %swap3A_230 = tpu.vector_load %arg16[%swap3A_229] {strides = array<i32>} : memref<2000xf32, #tpu.memory_space<vmem>>, vector<16xf32>,
    tpu.vector_store %arg16[%swap3A_229], %broadcast_in_dim3A_3 {strides = array<i32>} : memref<2000xf32, #tpu.memory_space<vmem>>, vector<16xf32>,
    %swap3A_231 = arith.constant 912 : index
    %swap3A_232 = tpu.vector_load %arg15[%swap3A_231] {strides = array<i32>} : memref<2000xf32, #tpu.memory_space<vmem>>, vector<16xf32>,
    tpu.vector_store %arg15[%swap3A_231], %broadcast_in_dim3A_3 {strides = array<i32>} : memref<2000xf32, #tpu.memory_space<vmem>>, vector<16xf32>,
    %swap3A_233 = arith.constant 912 : index
    %swap3A_234 = tpu.vector_load %arg16[%swap3A_233] {strides = array<i32>} : memref<2000xf32, #tpu.memory_space<vmem>>, vector<16xf32>,
    tpu.vector_store %arg16[%swap3A_233], %broadcast_in_dim3A_3 {strides = array<i32>} : memref<2000xf32, #tpu.memory_space<vmem>>, vector<16xf32>,
    %swap3A_235 = arith.constant 928 : index
    %swap3A_236 = tpu.vector_load %arg15[%swap3A_235] {strides = array<i32>} : memref<2000xf32, #tpu.memory_space<vmem>>, vector<16xf32>,
    tpu.vector_store %arg15[%swap3A_235], %broadcast_in_dim3A_3 {strides = array<i32>} : memref<2000xf32, #tpu.memory_space<vmem>>, vector<16xf32>,
    %swap3A_237 = arith.constant 928 : index
    %swap3A_238 = tpu.vector_load %arg16[%swap3A_237] {strides = array<i32>} : memref<2000xf32, #tpu.memory_space<vmem>>, vector<16xf32>,
    tpu.vector_store %arg16[%swap3A_237], %broadcast_in_dim3A_3 {strides = array<i32>} : memref<2000xf32, #tpu.memory_space<vmem>>, vector<16xf32>,
    %swap3A_239 = arith.constant 944 : index
    %swap3A_240 = tpu.vector_load %arg15[%swap3A_239] {strides = array<i32>} : memref<2000xf32, #tpu.memory_space<vmem>>, vector<16xf32>,
    tpu.vector_store %arg15[%swap3A_239], %broadcast_in_dim3A_3 {strides = array<i32>} : memref<2000xf32, #tpu.memory_space<vmem>>, vector<16xf32>,
    %swap3A_241 = arith.constant 944 : index
    %swap3A_242 = tpu.vector_load %arg16[%swap3A_241] {strides = array<i32>} : memref<2000xf32, #tpu.memory_space<vmem>>, vector<16xf32>,
    tpu.vector_store %arg16[%swap3A_241], %broadcast_in_dim3A_3 {strides = array<i32>} : memref<2000xf32, #tpu.memory_space<vmem>>, vector<16xf32>,
    %swap3A_243 = arith.constant 960 : index
    %swap3A_244 = tpu.vector_load %arg15[%swap3A_243] {strides = array<i32>} : memref<2000xf32, #tpu.memory_space<vmem>>, vector<16xf32>,
    tpu.vector_store %arg15[%swap3A_243], %broadcast_in_dim3A_3 {strides = array<i32>} : memref<2000xf32, #tpu.memory_space<vmem>>, vector<16xf32>,
    %swap3A_245 = arith.constant 960 : index
    %swap3A_246 = tpu.vector_load %arg16[%swap3A_245] {strides = array<i32>} : memref<2000xf32, #tpu.memory_space<vmem>>, vector<16xf32>,
    tpu.vector_store %arg16[%swap3A_245], %broadcast_in_dim3A_3 {strides = array<i32>} : memref<2000xf32, #tpu.memory_space<vmem>>, vector<16xf32>,
    %swap3A_247 = arith.constant 976 : index
    %swap3A_248 = tpu.vector_load %arg15[%swap3A_247] {strides = array<i32>} : memref<2000xf32, #tpu.memory_space<vmem>>, vector<16xf32>,
    tpu.vector_store %arg15[%swap3A_247], %broadcast_in_dim3A_3 {strides = array<i32>} : memref<2000xf32, #tpu.memory_space<vmem>>, vector<16xf32>,
    %swap3A_249 = arith.constant 976 : index
    %swap3A_250 = tpu.vector_load %arg16[%swap3A_249] {strides = array<i32>} : memref<2000xf32, #tpu.memory_space<vmem>>, vector<16xf32>,
    tpu.vector_store %arg16[%swap3A_249], %broadcast_in_dim3A_3 {strides = array<i32>} : memref<2000xf32, #tpu.memory_space<vmem>>, vector<16xf32>,
    %swap3A_251 = arith.constant 992 : index
    %swap3A_252 = tpu.vector_load %arg15[%swap3A_251] {strides = array<i32>} : memref<2000xf32, #tpu.memory_space<vmem>>, vector<16xf32>,
    tpu.vector_store %arg15[%swap3A_251], %broadcast_in_dim3A_3 {strides = array<i32>} : memref<2000xf32, #tpu.memory_space<vmem>>, vector<16xf32>,
    %swap3A_253 = arith.constant 992 : index
    %swap3A_254 = tpu.vector_load %arg16[%swap3A_253] {strides = array<i32>} : memref<2000xf32, #tpu.memory_space<vmem>>, vector<16xf32>,
    tpu.vector_store %arg16[%swap3A_253], %broadcast_in_dim3A_3 {strides = array<i32>} : memref<2000xf32, #tpu.memory_space<vmem>>, vector<16xf32>,
    %swap3A_255 = arith.constant 1008 : index
    %swap3A_256 = tpu.vector_load %arg15[%swap3A_255] {strides = array<i32>} : memref<2000xf32, #tpu.memory_space<vmem>>, vector<16xf32>,
    tpu.vector_store %arg15[%swap3A_255], %broadcast_in_dim3A_3 {strides = array<i32>} : memref<2000xf32, #tpu.memory_space<vmem>>, vector<16xf32>,
    %swap3A_257 = arith.constant 1008 : index
    %swap3A_258 = tpu.vector_load %arg16[%swap3A_257] {strides = array<i32>} : memref<2000xf32, #tpu.memory_space<vmem>>, vector<16xf32>,
    tpu.vector_store %arg16[%swap3A_257], %broadcast_in_dim3A_3 {strides = array<i32>} : memref<2000xf32, #tpu.memory_space<vmem>>, vector<16xf32>,
    %swap3A_259 = arith.constant 1024 : index
    %swap3A_260 = tpu.vector_load %arg15[%swap3A_259] {strides = array<i32>} : memref<2000xf32, #tpu.memory_space<vmem>>, vector<16xf32>,
    tpu.vector_store %arg15[%swap3A_259], %broadcast_in_dim3A_3 {strides = array<i32>} : memref<2000xf32, #tpu.memory_space<vmem>>, vector<16xf32>,
    %swap3A_261 = arith.constant 1024 : index
    %swap3A_262 = tpu.vector_load %arg16[%swap3A_261] {strides = array<i32>} : memref<2000xf32, #tpu.memory_space<vmem>>, vector<16xf32>,
    tpu.vector_store %arg16[%swap3A_261], %broadcast_in_dim3A_3 {strides = array<i32>} : memref<2000xf32, #tpu.memory_space<vmem>>, vector<16xf32>,
    %swap3A_263 = arith.constant 1040 : index
    %swap3A_264 = tpu.vector_load %arg15[%swap3A_263] {strides = array<i32>} : memref<2000xf32, #tpu.memory_space<vmem>>, vector<16xf32>,
    tpu.vector_store %arg15[%swap3A_263], %broadcast_in_dim3A_3 {strides = array<i32>} : memref<2000xf32, #tpu.memory_space<vmem>>, vector<16xf32>,
    %swap3A_265 = arith.constant 1040 : index
    %swap3A_266 = tpu.vector_load %arg16[%swap3A_265] {strides = array<i32>} : memref<2000xf32, #tpu.memory_space<vmem>>, vector<16xf32>,
    tpu.vector_store %arg16[%swap3A_265], %broadcast_in_dim3A_3 {strides = array<i32>} : memref<2000xf32, #tpu.memory_space<vmem>>, vector<16xf32>,
    %swap3A_267 = arith.constant 1056 : index
    %swap3A_268 = tpu.vector_load %arg15[%swap3A_267] {strides = array<i32>} : memref<2000xf32, #tpu.memory_space<vmem>>, vector<16xf32>,
    tpu.vector_store %arg15[%swap3A_267], %broadcast_in_dim3A_3 {strides = array<i32>} : memref<2000xf32, #tpu.memory_space<vmem>>, vector<16xf32>,
    %swap3A_269 = arith.constant 1056 : index
    %swap3A_270 = tpu.vector_load %arg16[%swap3A_269] {strides = array<i32>} : memref<2000xf32, #tpu.memory_space<vmem>>, vector<16xf32>,
    tpu.vector_store %arg16[%swap3A_269], %broadcast_in_dim3A_3 {strides = array<i32>} : memref<2000xf32, #tpu.memory_space<vmem>>, vector<16xf32>,
    %swap3A_271 = arith.constant 1072 : index
    %swap3A_272 = tpu.vector_load %arg15[%swap3A_271] {strides = array<i32>} : memref<2000xf32, #tpu.memory_space<vmem>>, vector<16xf32>,
    tpu.vector_store %arg15[%swap3A_271], %broadcast_in_dim3A_3 {strides = array<i32>} : memref<2000xf32, #tpu.memory_space<vmem>>, vector<16xf32>,
    %swap3A_273 = arith.constant 1072 : index
    %swap3A_274 = tpu.vector_load %arg16[%swap3A_273] {strides = array<i32>} : memref<2000xf32, #tpu.memory_space<vmem>>, vector<16xf32>,
    tpu.vector_store %arg16[%swap3A_273], %broadcast_in_dim3A_3 {strides = array<i32>} : memref<2000xf32, #tpu.memory_space<vmem>>, vector<16xf32>,
    %swap3A_275 = arith.constant 1088 : index
    %swap3A_276 = tpu.vector_load %arg15[%swap3A_275] {strides = array<i32>} : memref<2000xf32, #tpu.memory_space<vmem>>, vector<16xf32>,
    tpu.vector_store %arg15[%swap3A_275], %broadcast_in_dim3A_3 {strides = array<i32>} : memref<2000xf32, #tpu.memory_space<vmem>>, vector<16xf32>,
    %swap3A_277 = arith.constant 1088 : index
    %swap3A_278 = tpu.vector_load %arg16[%swap3A_277] {strides = array<i32>} : memref<2000xf32, #tpu.memory_space<vmem>>, vector<16xf32>,
    tpu.vector_store %arg16[%swap3A_277], %broadcast_in_dim3A_3 {strides = array<i32>} : memref<2000xf32, #tpu.memory_space<vmem>>, vector<16xf32>,
    %swap3A_279 = arith.constant 1104 : index
    %swap3A_280 = tpu.vector_load %arg15[%swap3A_279] {strides = array<i32>} : memref<2000xf32, #tpu.memory_space<vmem>>, vector<16xf32>,
    tpu.vector_store %arg15[%swap3A_279], %broadcast_in_dim3A_3 {strides = array<i32>} : memref<2000xf32, #tpu.memory_space<vmem>>, vector<16xf32>,
    %swap3A_281 = arith.constant 1104 : index
    %swap3A_282 = tpu.vector_load %arg16[%swap3A_281] {strides = array<i32>} : memref<2000xf32, #tpu.memory_space<vmem>>, vector<16xf32>,
    tpu.vector_store %arg16[%swap3A_281], %broadcast_in_dim3A_3 {strides = array<i32>} : memref<2000xf32, #tpu.memory_space<vmem>>, vector<16xf32>,
    %swap3A_283 = arith.constant 1120 : index
    %swap3A_284 = tpu.vector_load %arg15[%swap3A_283] {strides = array<i32>} : memref<2000xf32, #tpu.memory_space<vmem>>, vector<16xf32>,
    tpu.vector_store %arg15[%swap3A_283], %broadcast_in_dim3A_3 {strides = array<i32>} : memref<2000xf32, #tpu.memory_space<vmem>>, vector<16xf32>,
    %swap3A_285 = arith.constant 1120 : index
    %swap3A_286 = tpu.vector_load %arg16[%swap3A_285] {strides = array<i32>} : memref<2000xf32, #tpu.memory_space<vmem>>, vector<16xf32>,
    tpu.vector_store %arg16[%swap3A_285], %broadcast_in_dim3A_3 {strides = array<i32>} : memref<2000xf32, #tpu.memory_space<vmem>>, vector<16xf32>,
    %swap3A_287 = arith.constant 1136 : index
    %swap3A_288 = tpu.vector_load %arg15[%swap3A_287] {strides = array<i32>} : memref<2000xf32, #tpu.memory_space<vmem>>, vector<16xf32>,
    tpu.vector_store %arg15[%swap3A_287], %broadcast_in_dim3A_3 {strides = array<i32>} : memref<2000xf32, #tpu.memory_space<vmem>>, vector<16xf32>,
    %swap3A_289 = arith.constant 1136 : index
    %swap3A_290 = tpu.vector_load %arg16[%swap3A_289] {strides = array<i32>} : memref<2000xf32, #tpu.memory_space<vmem>>, vector<16xf32>,
    tpu.vector_store %arg16[%swap3A_289], %broadcast_in_dim3A_3 {strides = array<i32>} : memref<2000xf32, #tpu.memory_space<vmem>>, vector<16xf32>,
    %swap3A_291 = arith.constant 1152 : index
    %swap3A_292 = tpu.vector_load %arg15[%swap3A_291] {strides = array<i32>} : memref<2000xf32, #tpu.memory_space<vmem>>, vector<16xf32>,
    tpu.vector_store %arg15[%swap3A_291], %broadcast_in_dim3A_3 {strides = array<i32>} : memref<2000xf32, #tpu.memory_space<vmem>>, vector<16xf32>,
    %swap3A_293 = arith.constant 1152 : index
    %swap3A_294 = tpu.vector_load %arg16[%swap3A_293] {strides = array<i32>} : memref<2000xf32, #tpu.memory_space<vmem>>, vector<16xf32>,
    tpu.vector_store %arg16[%swap3A_293], %broadcast_in_dim3A_3 {strides = array<i32>} : memref<2000xf32, #tpu.memory_space<vmem>>, vector<16xf32>,
    %swap3A_295 = arith.constant 1168 : index
    %swap3A_296 = tpu.vector_load %arg15[%swap3A_295] {strides = array<i32>} : memref<2000xf32, #tpu.memory_space<vmem>>, vector<16xf32>,
    tpu.vector_store %arg15[%swap3A_295], %broadcast_in_dim3A_3 {strides = array<i32>} : memref<2000xf32, #tpu.memory_space<vmem>>, vector<16xf32>,
    %swap3A_297 = arith.constant 1168 : index
    %swap3A_298 = tpu.vector_load %arg16[%swap3A_297] {strides = array<i32>} : memref<2000xf32, #tpu.memory_space<vmem>>, vector<16xf32>,
    tpu.vector_store %arg16[%swap3A_297], %broadcast_in_dim3A_3 {strides = array<i32>} : memref<2000xf32, #tpu.memory_space<vmem>>, vector<16xf32>,
    %swap3A_299 = arith.constant 1184 : index
    %swap3A_300 = tpu.vector_load %arg15[%swap3A_299] {strides = array<i32>} : memref<2000xf32, #tpu.memory_space<vmem>>, vector<16xf32>,
    tpu.vector_store %arg15[%swap3A_299], %broadcast_in_dim3A_3 {strides = array<i32>} : memref<2000xf32, #tpu.memory_space<vmem>>, vector<16xf32>,
    %swap3A_301 = arith.constant 1184 : index
    %swap3A_302 = tpu.vector_load %arg16[%swap3A_301] {strides = array<i32>} : memref<2000xf32, #tpu.memory_space<vmem>>, vector<16xf32>,
    tpu.vector_store %arg16[%swap3A_301], %broadcast_in_dim3A_3 {strides = array<i32>} : memref<2000xf32, #tpu.memory_space<vmem>>, vector<16xf32>,
    %swap3A_303 = arith.constant 1200 : index
    %swap3A_304 = tpu.vector_load %arg15[%swap3A_303] {strides = array<i32>} : memref<2000xf32, #tpu.memory_space<vmem>>, vector<16xf32>,
    tpu.vector_store %arg15[%swap3A_303], %broadcast_in_dim3A_3 {strides = array<i32>} : memref<2000xf32, #tpu.memory_space<vmem>>, vector<16xf32>,
    %swap3A_305 = arith.constant 1200 : index
    %swap3A_306 = tpu.vector_load %arg16[%swap3A_305] {strides = array<i32>} : memref<2000xf32, #tpu.memory_space<vmem>>, vector<16xf32>,
    tpu.vector_store %arg16[%swap3A_305], %broadcast_in_dim3A_3 {strides = array<i32>} : memref<2000xf32, #tpu.memory_space<vmem>>, vector<16xf32>,
    %swap3A_307 = arith.constant 1216 : index
    %swap3A_308 = tpu.vector_load %arg15[%swap3A_307] {strides = array<i32>} : memref<2000xf32, #tpu.memory_space<vmem>>, vector<16xf32>,
    tpu.vector_store %arg15[%swap3A_307], %broadcast_in_dim3A_3 {strides = array<i32>} : memref<2000xf32, #tpu.memory_space<vmem>>, vector<16xf32>,
    %swap3A_309 = arith.constant 1216 : index
    %swap3A_310 = tpu.vector_load %arg16[%swap3A_309] {strides = array<i32>} : memref<2000xf32, #tpu.memory_space<vmem>>, vector<16xf32>,
    tpu.vector_store %arg16[%swap3A_309], %broadcast_in_dim3A_3 {strides = array<i32>} : memref<2000xf32, #tpu.memory_space<vmem>>, vector<16xf32>,
    %swap3A_311 = arith.constant 1232 : index
    %swap3A_312 = tpu.vector_load %arg15[%swap3A_311] {strides = array<i32>} : memref<2000xf32, #tpu.memory_space<vmem>>, vector<16xf32>,
    tpu.vector_store %arg15[%swap3A_311], %broadcast_in_dim3A_3 {strides = array<i32>} : memref<2000xf32, #tpu.memory_space<vmem>>, vector<16xf32>,
    %swap3A_313 = arith.constant 1232 : index
    %swap3A_314 = tpu.vector_load %arg16[%swap3A_313] {strides = array<i32>} : memref<2000xf32, #tpu.memory_space<vmem>>, vector<16xf32>,
    tpu.vector_store %arg16[%swap3A_313], %broadcast_in_dim3A_3 {strides = array<i32>} : memref<2000xf32, #tpu.memory_space<vmem>>, vector<16xf32>,
    %swap3A_315 = arith.constant 1248 : index
    %swap3A_316 = tpu.vector_load %arg15[%swap3A_315] {strides = array<i32>} : memref<2000xf32, #tpu.memory_space<vmem>>, vector<16xf32>,
    tpu.vector_store %arg15[%swap3A_315], %broadcast_in_dim3A_3 {strides = array<i32>} : memref<2000xf32, #tpu.memory_space<vmem>>, vector<16xf32>,
    %swap3A_317 = arith.constant 1248 : index
    %swap3A_318 = tpu.vector_load %arg16[%swap3A_317] {strides = array<i32>} : memref<2000xf32, #tpu.memory_space<vmem>>, vector<16xf32>,
    tpu.vector_store %arg16[%swap3A_317], %broadcast_in_dim3A_3 {strides = array<i32>} : memref<2000xf32, #tpu.memory_space<vmem>>, vector<16xf32>,
    %swap3A_319 = arith.constant 1264 : index
    %swap3A_320 = tpu.vector_load %arg15[%swap3A_319] {strides = array<i32>} : memref<2000xf32, #tpu.memory_space<vmem>>, vector<16xf32>,
    tpu.vector_store %arg15[%swap3A_319], %broadcast_in_dim3A_3 {strides = array<i32>} : memref<2000xf32, #tpu.memory_space<vmem>>, vector<16xf32>,
    %swap3A_321 = arith.constant 1264 : index
    %swap3A_322 = tpu.vector_load %arg16[%swap3A_321] {strides = array<i32>} : memref<2000xf32, #tpu.memory_space<vmem>>, vector<16xf32>,
    tpu.vector_store %arg16[%swap3A_321], %broadcast_in_dim3A_3 {strides = array<i32>} : memref<2000xf32, #tpu.memory_space<vmem>>, vector<16xf32>,
    %swap3A_323 = arith.constant 1280 : index
    %swap3A_324 = tpu.vector_load %arg15[%swap3A_323] {strides = array<i32>} : memref<2000xf32, #tpu.memory_space<vmem>>, vector<16xf32>,
    tpu.vector_store %arg15[%swap3A_323], %broadcast_in_dim3A_3 {strides = array<i32>} : memref<2000xf32, #tpu.memory_space<vmem>>, vector<16xf32>,
    %swap3A_325 = arith.constant 1280 : index
    %swap3A_326 = tpu.vector_load %arg16[%swap3A_325] {strides = array<i32>} : memref<2000xf32, #tpu.memory_space<vmem>>, vector<16xf32>,
    tpu.vector_store %arg16[%swap3A_325], %broadcast_in_dim3A_3 {strides = array<i32>} : memref<2000xf32, #tpu.memory_space<vmem>>, vector<16xf32>,
    %swap3A_327 = arith.constant 1296 : index
    %swap3A_328 = tpu.vector_load %arg15[%swap3A_327] {strides = array<i32>} : memref<2000xf32, #tpu.memory_space<vmem>>, vector<16xf32>,
    tpu.vector_store %arg15[%swap3A_327], %broadcast_in_dim3A_3 {strides = array<i32>} : memref<2000xf32, #tpu.memory_space<vmem>>, vector<16xf32>,
    %swap3A_329 = arith.constant 1296 : index
    %swap3A_330 = tpu.vector_load %arg16[%swap3A_329] {strides = array<i32>} : memref<2000xf32, #tpu.memory_space<vmem>>, vector<16xf32>,
    tpu.vector_store %arg16[%swap3A_329], %broadcast_in_dim3A_3 {strides = array<i32>} : memref<2000xf32, #tpu.memory_space<vmem>>, vector<16xf32>,
    %swap3A_331 = arith.constant 1312 : index
    %swap3A_332 = tpu.vector_load %arg15[%swap3A_331] {strides = array<i32>} : memref<2000xf32, #tpu.memory_space<vmem>>, vector<16xf32>,
    tpu.vector_store %arg15[%swap3A_331], %broadcast_in_dim3A_3 {strides = array<i32>} : memref<2000xf32, #tpu.memory_space<vmem>>, vector<16xf32>,
    %swap3A_333 = arith.constant 1312 : index
    %swap3A_334 = tpu.vector_load %arg16[%swap3A_333] {strides = array<i32>} : memref<2000xf32, #tpu.memory_space<vmem>>, vector<16xf32>,
    tpu.vector_store %arg16[%swap3A_333], %broadcast_in_dim3A_3 {strides = array<i32>} : memref<2000xf32, #tpu.memory_space<vmem>>, vector<16xf32>,
    %swap3A_335 = arith.constant 1328 : index
    %swap3A_336 = tpu.vector_load %arg15[%swap3A_335] {strides = array<i32>} : memref<2000xf32, #tpu.memory_space<vmem>>, vector<16xf32>,
    tpu.vector_store %arg15[%swap3A_335], %broadcast_in_dim3A_3 {strides = array<i32>} : memref<2000xf32, #tpu.memory_space<vmem>>, vector<16xf32>,
    %swap3A_337 = arith.constant 1328 : index
    %swap3A_338 = tpu.vector_load %arg16[%swap3A_337] {strides = array<i32>} : memref<2000xf32, #tpu.memory_space<vmem>>, vector<16xf32>,
    tpu.vector_store %arg16[%swap3A_337], %broadcast_in_dim3A_3 {strides = array<i32>} : memref<2000xf32, #tpu.memory_space<vmem>>, vector<16xf32>,
    %swap3A_339 = arith.constant 1344 : index
    %swap3A_340 = tpu.vector_load %arg15[%swap3A_339] {strides = array<i32>} : memref<2000xf32, #tpu.memory_space<vmem>>, vector<16xf32>,
    tpu.vector_store %arg15[%swap3A_339], %broadcast_in_dim3A_3 {strides = array<i32>} : memref<2000xf32, #tpu.memory_space<vmem>>, vector<16xf32>,
    %swap3A_341 = arith.constant 1344 : index
    %swap3A_342 = tpu.vector_load %arg16[%swap3A_341] {strides = array<i32>} : memref<2000xf32, #tpu.memory_space<vmem>>, vector<16xf32>,
    tpu.vector_store %arg16[%swap3A_341], %broadcast_in_dim3A_3 {strides = array<i32>} : memref<2000xf32, #tpu.memory_space<vmem>>, vector<16xf32>,
    %swap3A_343 = arith.constant 1360 : index
    %swap3A_344 = tpu.vector_load %arg15[%swap3A_343] {strides = array<i32>} : memref<2000xf32, #tpu.memory_space<vmem>>, vector<16xf32>,
    tpu.vector_store %arg15[%swap3A_343], %broadcast_in_dim3A_3 {strides = array<i32>} : memref<2000xf32, #tpu.memory_space<vmem>>, vector<16xf32>,
    %swap3A_345 = arith.constant 1360 : index
    %swap3A_346 = tpu.vector_load %arg16[%swap3A_345] {strides = array<i32>} : memref<2000xf32, #tpu.memory_space<vmem>>, vector<16xf32>,
    tpu.vector_store %arg16[%swap3A_345], %broadcast_in_dim3A_3 {strides = array<i32>} : memref<2000xf32, #tpu.memory_space<vmem>>, vector<16xf32>,
    %swap3A_347 = arith.constant 1376 : index
    %swap3A_348 = tpu.vector_load %arg15[%swap3A_347] {strides = array<i32>} : memref<2000xf32, #tpu.memory_space<vmem>>, vector<16xf32>,
    tpu.vector_store %arg15[%swap3A_347], %broadcast_in_dim3A_3 {strides = array<i32>} : memref<2000xf32, #tpu.memory_space<vmem>>, vector<16xf32>,
    %swap3A_349 = arith.constant 1376 : index
    %swap3A_350 = tpu.vector_load %arg16[%swap3A_349] {strides = array<i32>} : memref<2000xf32, #tpu.memory_space<vmem>>, vector<16xf32>,
    tpu.vector_store %arg16[%swap3A_349], %broadcast_in_dim3A_3 {strides = array<i32>} : memref<2000xf32, #tpu.memory_space<vmem>>, vector<16xf32>,
    %swap3A_351 = arith.constant 1392 : index
    %swap3A_352 = tpu.vector_load %arg15[%swap3A_351] {strides = array<i32>} : memref<2000xf32, #tpu.memory_space<vmem>>, vector<16xf32>,
    tpu.vector_store %arg15[%swap3A_351], %broadcast_in_dim3A_3 {strides = array<i32>} : memref<2000xf32, #tpu.memory_space<vmem>>, vector<16xf32>,
    %swap3A_353 = arith.constant 1392 : index
    %swap3A_354 = tpu.vector_load %arg16[%swap3A_353] {strides = array<i32>} : memref<2000xf32, #tpu.memory_space<vmem>>, vector<16xf32>,
    tpu.vector_store %arg16[%swap3A_353], %broadcast_in_dim3A_3 {strides = array<i32>} : memref<2000xf32, #tpu.memory_space<vmem>>, vector<16xf32>,
    %swap3A_355 = arith.constant 1408 : index
    %swap3A_356 = tpu.vector_load %arg15[%swap3A_355] {strides = array<i32>} : memref<2000xf32, #tpu.memory_space<vmem>>, vector<16xf32>,
    tpu.vector_store %arg15[%swap3A_355], %broadcast_in_dim3A_3 {strides = array<i32>} : memref<2000xf32, #tpu.memory_space<vmem>>, vector<16xf32>,
    %swap3A_357 = arith.constant 1408 : index
    %swap3A_358 = tpu.vector_load %arg16[%swap3A_357] {strides = array<i32>} : memref<2000xf32, #tpu.memory_space<vmem>>, vector<16xf32>,
    tpu.vector_store %arg16[%swap3A_357], %broadcast_in_dim3A_3 {strides = array<i32>} : memref<2000xf32, #tpu.memory_space<vmem>>, vector<16xf32>,
    %swap3A_359 = arith.constant 1424 : index
    %swap3A_360 = tpu.vector_load %arg15[%swap3A_359] {strides = array<i32>} : memref<2000xf32, #tpu.memory_space<vmem>>, vector<16xf32>,
    tpu.vector_store %arg15[%swap3A_359], %broadcast_in_dim3A_3 {strides = array<i32>} : memref<2000xf32, #tpu.memory_space<vmem>>, vector<16xf32>,
    %swap3A_361 = arith.constant 1424 : index
    %swap3A_362 = tpu.vector_load %arg16[%swap3A_361] {strides = array<i32>} : memref<2000xf32, #tpu.memory_space<vmem>>, vector<16xf32>,
    tpu.vector_store %arg16[%swap3A_361], %broadcast_in_dim3A_3 {strides = array<i32>} : memref<2000xf32, #tpu.memory_space<vmem>>, vector<16xf32>,
    %swap3A_363 = arith.constant 1440 : index
    %swap3A_364 = tpu.vector_load %arg15[%swap3A_363] {strides = array<i32>} : memref<2000xf32, #tpu.memory_space<vmem>>, vector<16xf32>,
    tpu.vector_store %arg15[%swap3A_363], %broadcast_in_dim3A_3 {strides = array<i32>} : memref<2000xf32, #tpu.memory_space<vmem>>, vector<16xf32>,
    %swap3A_365 = arith.constant 1440 : index
    %swap3A_366 = tpu.vector_load %arg16[%swap3A_365] {strides = array<i32>} : memref<2000xf32, #tpu.memory_space<vmem>>, vector<16xf32>,
    tpu.vector_store %arg16[%swap3A_365], %broadcast_in_dim3A_3 {strides = array<i32>} : memref<2000xf32, #tpu.memory_space<vmem>>, vector<16xf32>,
    %swap3A_367 = arith.constant 1456 : index
    %swap3A_368 = tpu.vector_load %arg15[%swap3A_367] {strides = array<i32>} : memref<2000xf32, #tpu.memory_space<vmem>>, vector<16xf32>,
    tpu.vector_store %arg15[%swap3A_367], %broadcast_in_dim3A_3 {strides = array<i32>} : memref<2000xf32, #tpu.memory_space<vmem>>, vector<16xf32>,
    %swap3A_369 = arith.constant 1456 : index
    %swap3A_370 = tpu.vector_load %arg16[%swap3A_369] {strides = array<i32>} : memref<2000xf32, #tpu.memory_space<vmem>>, vector<16xf32>,
    tpu.vector_store %arg16[%swap3A_369], %broadcast_in_dim3A_3 {strides = array<i32>} : memref<2000xf32, #tpu.memory_space<vmem>>, vector<16xf32>,
    %swap3A_371 = arith.constant 1472 : index
    %swap3A_372 = tpu.vector_load %arg15[%swap3A_371] {strides = array<i32>} : memref<2000xf32, #tpu.memory_space<vmem>>, vector<16xf32>,
    tpu.vector_store %arg15[%swap3A_371], %broadcast_in_dim3A_3 {strides = array<i32>} : memref<2000xf32, #tpu.memory_space<vmem>>, vector<16xf32>,
    %swap3A_373 = arith.constant 1472 : index
    %swap3A_374 = tpu.vector_load %arg16[%swap3A_373] {strides = array<i32>} : memref<2000xf32, #tpu.memory_space<vmem>>, vector<16xf32>,
    tpu.vector_store %arg16[%swap3A_373], %broadcast_in_dim3A_3 {strides = array<i32>} : memref<2000xf32, #tpu.memory_space<vmem>>, vector<16xf32>,
    %swap3A_375 = arith.constant 1488 : index
    %swap3A_376 = tpu.vector_load %arg15[%swap3A_375] {strides = array<i32>} : memref<2000xf32, #tpu.memory_space<vmem>>, vector<16xf32>,
    tpu.vector_store %arg15[%swap3A_375], %broadcast_in_dim3A_3 {strides = array<i32>} : memref<2000xf32, #tpu.memory_space<vmem>>, vector<16xf32>,
    %swap3A_377 = arith.constant 1488 : index
    %swap3A_378 = tpu.vector_load %arg16[%swap3A_377] {strides = array<i32>} : memref<2000xf32, #tpu.memory_space<vmem>>, vector<16xf32>,
    tpu.vector_store %arg16[%swap3A_377], %broadcast_in_dim3A_3 {strides = array<i32>} : memref<2000xf32, #tpu.memory_space<vmem>>, vector<16xf32>,
    %swap3A_379 = arith.constant 1504 : index
    %swap3A_380 = tpu.vector_load %arg15[%swap3A_379] {strides = array<i32>} : memref<2000xf32, #tpu.memory_space<vmem>>, vector<16xf32>,
    tpu.vector_store %arg15[%swap3A_379], %broadcast_in_dim3A_3 {strides = array<i32>} : memref<2000xf32, #tpu.memory_space<vmem>>, vector<16xf32>,
    %swap3A_381 = arith.constant 1504 : index
    %swap3A_382 = tpu.vector_load %arg16[%swap3A_381] {strides = array<i32>} : memref<2000xf32, #tpu.memory_space<vmem>>, vector<16xf32>,
    tpu.vector_store %arg16[%swap3A_381], %broadcast_in_dim3A_3 {strides = array<i32>} : memref<2000xf32, #tpu.memory_space<vmem>>, vector<16xf32>,
    %swap3A_383 = arith.constant 1520 : index
    %swap3A_384 = tpu.vector_load %arg15[%swap3A_383] {strides = array<i32>} : memref<2000xf32, #tpu.memory_space<vmem>>, vector<16xf32>,
    tpu.vector_store %arg15[%swap3A_383], %broadcast_in_dim3A_3 {strides = array<i32>} : memref<2000xf32, #tpu.memory_space<vmem>>, vector<16xf32>,
    %swap3A_385 = arith.constant 1520 : index
    %swap3A_386 = tpu.vector_load %arg16[%swap3A_385] {strides = array<i32>} : memref<2000xf32, #tpu.memory_space<vmem>>, vector<16xf32>,
    tpu.vector_store %arg16[%swap3A_385], %broadcast_in_dim3A_3 {strides = array<i32>} : memref<2000xf32, #tpu.memory_space<vmem>>, vector<16xf32>,
    %swap3A_387 = arith.constant 1536 : index
    %swap3A_388 = tpu.vector_load %arg15[%swap3A_387] {strides = array<i32>} : memref<2000xf32, #tpu.memory_space<vmem>>, vector<16xf32>,
    tpu.vector_store %arg15[%swap3A_387], %broadcast_in_dim3A_3 {strides = array<i32>} : memref<2000xf32, #tpu.memory_space<vmem>>, vector<16xf32>,
    %swap3A_389 = arith.constant 1536 : index
    %swap3A_390 = tpu.vector_load %arg16[%swap3A_389] {strides = array<i32>} : memref<2000xf32, #tpu.memory_space<vmem>>, vector<16xf32>,
    tpu.vector_store %arg16[%swap3A_389], %broadcast_in_dim3A_3 {strides = array<i32>} : memref<2000xf32, #tpu.memory_space<vmem>>, vector<16xf32>,
    %swap3A_391 = arith.constant 1552 : index
    %swap3A_392 = tpu.vector_load %arg15[%swap3A_391] {strides = array<i32>} : memref<2000xf32, #tpu.memory_space<vmem>>, vector<16xf32>,
    tpu.vector_store %arg15[%swap3A_391], %broadcast_in_dim3A_3 {strides = array<i32>} : memref<2000xf32, #tpu.memory_space<vmem>>, vector<16xf32>,
    %swap3A_393 = arith.constant 1552 : index
    %swap3A_394 = tpu.vector_load %arg16[%swap3A_393] {strides = array<i32>} : memref<2000xf32, #tpu.memory_space<vmem>>, vector<16xf32>,
    tpu.vector_store %arg16[%swap3A_393], %broadcast_in_dim3A_3 {strides = array<i32>} : memref<2000xf32, #tpu.memory_space<vmem>>, vector<16xf32>,
    %swap3A_395 = arith.constant 1568 : index
    %swap3A_396 = tpu.vector_load %arg15[%swap3A_395] {strides = array<i32>} : memref<2000xf32, #tpu.memory_space<vmem>>, vector<16xf32>,
    tpu.vector_store %arg15[%swap3A_395], %broadcast_in_dim3A_3 {strides = array<i32>} : memref<2000xf32, #tpu.memory_space<vmem>>, vector<16xf32>,
    %swap3A_397 = arith.constant 1568 : index
    %swap3A_398 = tpu.vector_load %arg16[%swap3A_397] {strides = array<i32>} : memref<2000xf32, #tpu.memory_space<vmem>>, vector<16xf32>,
    tpu.vector_store %arg16[%swap3A_397], %broadcast_in_dim3A_3 {strides = array<i32>} : memref<2000xf32, #tpu.memory_space<vmem>>, vector<16xf32>,
    %swap3A_399 = arith.constant 1584 : index
    %swap3A_400 = tpu.vector_load %arg15[%swap3A_399] {strides = array<i32>} : memref<2000xf32, #tpu.memory_space<vmem>>, vector<16xf32>,
    tpu.vector_store %arg15[%swap3A_399], %broadcast_in_dim3A_3 {strides = array<i32>} : memref<2000xf32, #tpu.memory_space<vmem>>, vector<16xf32>,
    %swap3A_401 = arith.constant 1584 : index
    %swap3A_402 = tpu.vector_load %arg16[%swap3A_401] {strides = array<i32>} : memref<2000xf32, #tpu.memory_space<vmem>>, vector<16xf32>,
    tpu.vector_store %arg16[%swap3A_401], %broadcast_in_dim3A_3 {strides = array<i32>} : memref<2000xf32, #tpu.memory_space<vmem>>, vector<16xf32>,
    %swap3A_403 = arith.constant 1600 : index
    %swap3A_404 = tpu.vector_load %arg15[%swap3A_403] {strides = array<i32>} : memref<2000xf32, #tpu.memory_space<vmem>>, vector<16xf32>,
    tpu.vector_store %arg15[%swap3A_403], %broadcast_in_dim3A_3 {strides = array<i32>} : memref<2000xf32, #tpu.memory_space<vmem>>, vector<16xf32>,
    %swap3A_405 = arith.constant 1600 : index
    %swap3A_406 = tpu.vector_load %arg16[%swap3A_405] {strides = array<i32>} : memref<2000xf32, #tpu.memory_space<vmem>>, vector<16xf32>,
    tpu.vector_store %arg16[%swap3A_405], %broadcast_in_dim3A_3 {strides = array<i32>} : memref<2000xf32, #tpu.memory_space<vmem>>, vector<16xf32>,
    %swap3A_407 = arith.constant 1616 : index
    %swap3A_408 = tpu.vector_load %arg15[%swap3A_407] {strides = array<i32>} : memref<2000xf32, #tpu.memory_space<vmem>>, vector<16xf32>,
    tpu.vector_store %arg15[%swap3A_407], %broadcast_in_dim3A_3 {strides = array<i32>} : memref<2000xf32, #tpu.memory_space<vmem>>, vector<16xf32>,
    %swap3A_409 = arith.constant 1616 : index
    %swap3A_410 = tpu.vector_load %arg16[%swap3A_409] {strides = array<i32>} : memref<2000xf32, #tpu.memory_space<vmem>>, vector<16xf32>,
    tpu.vector_store %arg16[%swap3A_409], %broadcast_in_dim3A_3 {strides = array<i32>} : memref<2000xf32, #tpu.memory_space<vmem>>, vector<16xf32>,
    %swap3A_411 = arith.constant 1632 : index
    %swap3A_412 = tpu.vector_load %arg15[%swap3A_411] {strides = array<i32>} : memref<2000xf32, #tpu.memory_space<vmem>>, vector<16xf32>,
    tpu.vector_store %arg15[%swap3A_411], %broadcast_in_dim3A_3 {strides = array<i32>} : memref<2000xf32, #tpu.memory_space<vmem>>, vector<16xf32>,
    %swap3A_413 = arith.constant 1632 : index
    %swap3A_414 = tpu.vector_load %arg16[%swap3A_413] {strides = array<i32>} : memref<2000xf32, #tpu.memory_space<vmem>>, vector<16xf32>,
    tpu.vector_store %arg16[%swap3A_413], %broadcast_in_dim3A_3 {strides = array<i32>} : memref<2000xf32, #tpu.memory_space<vmem>>, vector<16xf32>,
    %swap3A_415 = arith.constant 1648 : index
    %swap3A_416 = tpu.vector_load %arg15[%swap3A_415] {strides = array<i32>} : memref<2000xf32, #tpu.memory_space<vmem>>, vector<16xf32>,
    tpu.vector_store %arg15[%swap3A_415], %broadcast_in_dim3A_3 {strides = array<i32>} : memref<2000xf32, #tpu.memory_space<vmem>>, vector<16xf32>,
    %swap3A_417 = arith.constant 1648 : index
    %swap3A_418 = tpu.vector_load %arg16[%swap3A_417] {strides = array<i32>} : memref<2000xf32, #tpu.memory_space<vmem>>, vector<16xf32>,
    tpu.vector_store %arg16[%swap3A_417], %broadcast_in_dim3A_3 {strides = array<i32>} : memref<2000xf32, #tpu.memory_space<vmem>>, vector<16xf32>,
    %swap3A_419 = arith.constant 1664 : index
    %swap3A_420 = tpu.vector_load %arg15[%swap3A_419] {strides = array<i32>} : memref<2000xf32, #tpu.memory_space<vmem>>, vector<16xf32>,
    tpu.vector_store %arg15[%swap3A_419], %broadcast_in_dim3A_3 {strides = array<i32>} : memref<2000xf32, #tpu.memory_space<vmem>>, vector<16xf32>,
    %swap3A_421 = arith.constant 1664 : index
    %swap3A_422 = tpu.vector_load %arg16[%swap3A_421] {strides = array<i32>} : memref<2000xf32, #tpu.memory_space<vmem>>, vector<16xf32>,
    tpu.vector_store %arg16[%swap3A_421], %broadcast_in_dim3A_3 {strides = array<i32>} : memref<2000xf32, #tpu.memory_space<vmem>>, vector<16xf32>,
    %swap3A_423 = arith.constant 1680 : index
    %swap3A_424 = tpu.vector_load %arg15[%swap3A_423] {strides = array<i32>} : memref<2000xf32, #tpu.memory_space<vmem>>, vector<16xf32>,
    tpu.vector_store %arg15[%swap3A_423], %broadcast_in_dim3A_3 {strides = array<i32>} : memref<2000xf32, #tpu.memory_space<vmem>>, vector<16xf32>,
    %swap3A_425 = arith.constant 1680 : index
    %swap3A_426 = tpu.vector_load %arg16[%swap3A_425] {strides = array<i32>} : memref<2000xf32, #tpu.memory_space<vmem>>, vector<16xf32>,
    tpu.vector_store %arg16[%swap3A_425], %broadcast_in_dim3A_3 {strides = array<i32>} : memref<2000xf32, #tpu.memory_space<vmem>>, vector<16xf32>,
    %swap3A_427 = arith.constant 1696 : index
    %swap3A_428 = tpu.vector_load %arg15[%swap3A_427] {strides = array<i32>} : memref<2000xf32, #tpu.memory_space<vmem>>, vector<16xf32>,
    tpu.vector_store %arg15[%swap3A_427], %broadcast_in_dim3A_3 {strides = array<i32>} : memref<2000xf32, #tpu.memory_space<vmem>>, vector<16xf32>,
    %swap3A_429 = arith.constant 1696 : index
    %swap3A_430 = tpu.vector_load %arg16[%swap3A_429] {strides = array<i32>} : memref<2000xf32, #tpu.memory_space<vmem>>, vector<16xf32>,
    tpu.vector_store %arg16[%swap3A_429], %broadcast_in_dim3A_3 {strides = array<i32>} : memref<2000xf32, #tpu.memory_space<vmem>>, vector<16xf32>,
    %swap3A_431 = arith.constant 1712 : index
    %swap3A_432 = tpu.vector_load %arg15[%swap3A_431] {strides = array<i32>} : memref<2000xf32, #tpu.memory_space<vmem>>, vector<16xf32>,
    tpu.vector_store %arg15[%swap3A_431], %broadcast_in_dim3A_3 {strides = array<i32>} : memref<2000xf32, #tpu.memory_space<vmem>>, vector<16xf32>,
    %swap3A_433 = arith.constant 1712 : index
    %swap3A_434 = tpu.vector_load %arg16[%swap3A_433] {strides = array<i32>} : memref<2000xf32, #tpu.memory_space<vmem>>, vector<16xf32>,
    tpu.vector_store %arg16[%swap3A_433], %broadcast_in_dim3A_3 {strides = array<i32>} : memref<2000xf32, #tpu.memory_space<vmem>>, vector<16xf32>,
    %swap3A_435 = arith.constant 1728 : index
    %swap3A_436 = tpu.vector_load %arg15[%swap3A_435] {strides = array<i32>} : memref<2000xf32, #tpu.memory_space<vmem>>, vector<16xf32>,
    tpu.vector_store %arg15[%swap3A_435], %broadcast_in_dim3A_3 {strides = array<i32>} : memref<2000xf32, #tpu.memory_space<vmem>>, vector<16xf32>,
    %swap3A_437 = arith.constant 1728 : index
    %swap3A_438 = tpu.vector_load %arg16[%swap3A_437] {strides = array<i32>} : memref<2000xf32, #tpu.memory_space<vmem>>, vector<16xf32>,
    tpu.vector_store %arg16[%swap3A_437], %broadcast_in_dim3A_3 {strides = array<i32>} : memref<2000xf32, #tpu.memory_space<vmem>>, vector<16xf32>,
    %swap3A_439 = arith.constant 1744 : index
    %swap3A_440 = tpu.vector_load %arg15[%swap3A_439] {strides = array<i32>} : memref<2000xf32, #tpu.memory_space<vmem>>, vector<16xf32>,
    tpu.vector_store %arg15[%swap3A_439], %broadcast_in_dim3A_3 {strides = array<i32>} : memref<2000xf32, #tpu.memory_space<vmem>>, vector<16xf32>,
    %swap3A_441 = arith.constant 1744 : index
    %swap3A_442 = tpu.vector_load %arg16[%swap3A_441] {strides = array<i32>} : memref<2000xf32, #tpu.memory_space<vmem>>, vector<16xf32>,
    tpu.vector_store %arg16[%swap3A_441], %broadcast_in_dim3A_3 {strides = array<i32>} : memref<2000xf32, #tpu.memory_space<vmem>>, vector<16xf32>,
    %swap3A_443 = arith.constant 1760 : index
    %swap3A_444 = tpu.vector_load %arg15[%swap3A_443] {strides = array<i32>} : memref<2000xf32, #tpu.memory_space<vmem>>, vector<16xf32>,
    tpu.vector_store %arg15[%swap3A_443], %broadcast_in_dim3A_3 {strides = array<i32>} : memref<2000xf32, #tpu.memory_space<vmem>>, vector<16xf32>,
    %swap3A_445 = arith.constant 1760 : index
    %swap3A_446 = tpu.vector_load %arg16[%swap3A_445] {strides = array<i32>} : memref<2000xf32, #tpu.memory_space<vmem>>, vector<16xf32>,
    tpu.vector_store %arg16[%swap3A_445], %broadcast_in_dim3A_3 {strides = array<i32>} : memref<2000xf32, #tpu.memory_space<vmem>>, vector<16xf32>,
    %swap3A_447 = arith.constant 1776 : index
    %swap3A_448 = tpu.vector_load %arg15[%swap3A_447] {strides = array<i32>} : memref<2000xf32, #tpu.memory_space<vmem>>, vector<16xf32>,
    tpu.vector_store %arg15[%swap3A_447], %broadcast_in_dim3A_3 {strides = array<i32>} : memref<2000xf32, #tpu.memory_space<vmem>>, vector<16xf32>,
    %swap3A_449 = arith.constant 1776 : index
    %swap3A_450 = tpu.vector_load %arg16[%swap3A_449] {strides = array<i32>} : memref<2000xf32, #tpu.memory_space<vmem>>, vector<16xf32>,
    tpu.vector_store %arg16[%swap3A_449], %broadcast_in_dim3A_3 {strides = array<i32>} : memref<2000xf32, #tpu.memory_space<vmem>>, vector<16xf32>,
    %swap3A_451 = arith.constant 1792 : index
    %swap3A_452 = tpu.vector_load %arg15[%swap3A_451] {strides = array<i32>} : memref<2000xf32, #tpu.memory_space<vmem>>, vector<16xf32>,
    tpu.vector_store %arg15[%swap3A_451], %broadcast_in_dim3A_3 {strides = array<i32>} : memref<2000xf32, #tpu.memory_space<vmem>>, vector<16xf32>,
    %swap3A_453 = arith.constant 1792 : index
    %swap3A_454 = tpu.vector_load %arg16[%swap3A_453] {strides = array<i32>} : memref<2000xf32, #tpu.memory_space<vmem>>, vector<16xf32>,
    tpu.vector_store %arg16[%swap3A_453], %broadcast_in_dim3A_3 {strides = array<i32>} : memref<2000xf32, #tpu.memory_space<vmem>>, vector<16xf32>,
    %swap3A_455 = arith.constant 1808 : index
    %swap3A_456 = tpu.vector_load %arg15[%swap3A_455] {strides = array<i32>} : memref<2000xf32, #tpu.memory_space<vmem>>, vector<16xf32>,
    tpu.vector_store %arg15[%swap3A_455], %broadcast_in_dim3A_3 {strides = array<i32>} : memref<2000xf32, #tpu.memory_space<vmem>>, vector<16xf32>,
    %swap3A_457 = arith.constant 1808 : index
    %swap3A_458 = tpu.vector_load %arg16[%swap3A_457] {strides = array<i32>} : memref<2000xf32, #tpu.memory_space<vmem>>, vector<16xf32>,
    tpu.vector_store %arg16[%swap3A_457], %broadcast_in_dim3A_3 {strides = array<i32>} : memref<2000xf32, #tpu.memory_space<vmem>>, vector<16xf32>,
    %swap3A_459 = arith.constant 1824 : index
    %swap3A_460 = tpu.vector_load %arg15[%swap3A_459] {strides = array<i32>} : memref<2000xf32, #tpu.memory_space<vmem>>, vector<16xf32>,
    tpu.vector_store %arg15[%swap3A_459], %broadcast_in_dim3A_3 {strides = array<i32>} : memref<2000xf32, #tpu.memory_space<vmem>>, vector<16xf32>,
    %swap3A_461 = arith.constant 1824 : index
    %swap3A_462 = tpu.vector_load %arg16[%swap3A_461] {strides = array<i32>} : memref<2000xf32, #tpu.memory_space<vmem>>, vector<16xf32>,
    tpu.vector_store %arg16[%swap3A_461], %broadcast_in_dim3A_3 {strides = array<i32>} : memref<2000xf32, #tpu.memory_space<vmem>>, vector<16xf32>,
    %swap3A_463 = arith.constant 1840 : index
    %swap3A_464 = tpu.vector_load %arg15[%swap3A_463] {strides = array<i32>} : memref<2000xf32, #tpu.memory_space<vmem>>, vector<16xf32>,
    tpu.vector_store %arg15[%swap3A_463], %broadcast_in_dim3A_3 {strides = array<i32>} : memref<2000xf32, #tpu.memory_space<vmem>>, vector<16xf32>,
    %swap3A_465 = arith.constant 1840 : index
    %swap3A_466 = tpu.vector_load %arg16[%swap3A_465] {strides = array<i32>} : memref<2000xf32, #tpu.memory_space<vmem>>, vector<16xf32>,
    tpu.vector_store %arg16[%swap3A_465], %broadcast_in_dim3A_3 {strides = array<i32>} : memref<2000xf32, #tpu.memory_space<vmem>>, vector<16xf32>,
    %swap3A_467 = arith.constant 1856 : index
    %swap3A_468 = tpu.vector_load %arg15[%swap3A_467] {strides = array<i32>} : memref<2000xf32, #tpu.memory_space<vmem>>, vector<16xf32>,
    tpu.vector_store %arg15[%swap3A_467], %broadcast_in_dim3A_3 {strides = array<i32>} : memref<2000xf32, #tpu.memory_space<vmem>>, vector<16xf32>,
    %swap3A_469 = arith.constant 1856 : index
    %swap3A_470 = tpu.vector_load %arg16[%swap3A_469] {strides = array<i32>} : memref<2000xf32, #tpu.memory_space<vmem>>, vector<16xf32>,
    tpu.vector_store %arg16[%swap3A_469], %broadcast_in_dim3A_3 {strides = array<i32>} : memref<2000xf32, #tpu.memory_space<vmem>>, vector<16xf32>,
    %swap3A_471 = arith.constant 1872 : index
    %swap3A_472 = tpu.vector_load %arg15[%swap3A_471] {strides = array<i32>} : memref<2000xf32, #tpu.memory_space<vmem>>, vector<16xf32>,
    tpu.vector_store %arg15[%swap3A_471], %broadcast_in_dim3A_3 {strides = array<i32>} : memref<2000xf32, #tpu.memory_space<vmem>>, vector<16xf32>,
    %swap3A_473 = arith.constant 1872 : index
    %swap3A_474 = tpu.vector_load %arg16[%swap3A_473] {strides = array<i32>} : memref<2000xf32, #tpu.memory_space<vmem>>, vector<16xf32>,
    tpu.vector_store %arg16[%swap3A_473], %broadcast_in_dim3A_3 {strides = array<i32>} : memref<2000xf32, #tpu.memory_space<vmem>>, vector<16xf32>,
    %swap3A_475 = arith.constant 1888 : index
    %swap3A_476 = tpu.vector_load %arg15[%swap3A_475] {strides = array<i32>} : memref<2000xf32, #tpu.memory_space<vmem>>, vector<16xf32>,
    tpu.vector_store %arg15[%swap3A_475], %broadcast_in_dim3A_3 {strides = array<i32>} : memref<2000xf32, #tpu.memory_space<vmem>>, vector<16xf32>,
    %swap3A_477 = arith.constant 1888 : index
    %swap3A_478 = tpu.vector_load %arg16[%swap3A_477] {strides = array<i32>} : memref<2000xf32, #tpu.memory_space<vmem>>, vector<16xf32>,
    tpu.vector_store %arg16[%swap3A_477], %broadcast_in_dim3A_3 {strides = array<i32>} : memref<2000xf32, #tpu.memory_space<vmem>>, vector<16xf32>,
    %swap3A_479 = arith.constant 1904 : index
    %swap3A_480 = tpu.vector_load %arg15[%swap3A_479] {strides = array<i32>} : memref<2000xf32, #tpu.memory_space<vmem>>, vector<16xf32>,
    tpu.vector_store %arg15[%swap3A_479], %broadcast_in_dim3A_3 {strides = array<i32>} : memref<2000xf32, #tpu.memory_space<vmem>>, vector<16xf32>,
    %swap3A_481 = arith.constant 1904 : index
    %swap3A_482 = tpu.vector_load %arg16[%swap3A_481] {strides = array<i32>} : memref<2000xf32, #tpu.memory_space<vmem>>, vector<16xf32>,
    tpu.vector_store %arg16[%swap3A_481], %broadcast_in_dim3A_3 {strides = array<i32>} : memref<2000xf32, #tpu.memory_space<vmem>>, vector<16xf32>,
    %swap3A_483 = arith.constant 1920 : index
    %swap3A_484 = tpu.vector_load %arg15[%swap3A_483] {strides = array<i32>} : memref<2000xf32, #tpu.memory_space<vmem>>, vector<16xf32>,
    tpu.vector_store %arg15[%swap3A_483], %broadcast_in_dim3A_3 {strides = array<i32>} : memref<2000xf32, #tpu.memory_space<vmem>>, vector<16xf32>,
    %swap3A_485 = arith.constant 1920 : index
    %swap3A_486 = tpu.vector_load %arg16[%swap3A_485] {strides = array<i32>} : memref<2000xf32, #tpu.memory_space<vmem>>, vector<16xf32>,
    tpu.vector_store %arg16[%swap3A_485], %broadcast_in_dim3A_3 {strides = array<i32>} : memref<2000xf32, #tpu.memory_space<vmem>>, vector<16xf32>,
    %swap3A_487 = arith.constant 1936 : index
    %swap3A_488 = tpu.vector_load %arg15[%swap3A_487] {strides = array<i32>} : memref<2000xf32, #tpu.memory_space<vmem>>, vector<16xf32>,
    tpu.vector_store %arg15[%swap3A_487], %broadcast_in_dim3A_3 {strides = array<i32>} : memref<2000xf32, #tpu.memory_space<vmem>>, vector<16xf32>,
    %swap3A_489 = arith.constant 1936 : index
    %swap3A_490 = tpu.vector_load %arg16[%swap3A_489] {strides = array<i32>} : memref<2000xf32, #tpu.memory_space<vmem>>, vector<16xf32>,
    tpu.vector_store %arg16[%swap3A_489], %broadcast_in_dim3A_3 {strides = array<i32>} : memref<2000xf32, #tpu.memory_space<vmem>>, vector<16xf32>,
    %swap3A_491 = arith.constant 1952 : index
    %swap3A_492 = tpu.vector_load %arg15[%swap3A_491] {strides = array<i32>} : memref<2000xf32, #tpu.memory_space<vmem>>, vector<16xf32>,
    tpu.vector_store %arg15[%swap3A_491], %broadcast_in_dim3A_3 {strides = array<i32>} : memref<2000xf32, #tpu.memory_space<vmem>>, vector<16xf32>,
    %swap3A_493 = arith.constant 1952 : index
    %swap3A_494 = tpu.vector_load %arg16[%swap3A_493] {strides = array<i32>} : memref<2000xf32, #tpu.memory_space<vmem>>, vector<16xf32>,
    tpu.vector_store %arg16[%swap3A_493], %broadcast_in_dim3A_3 {strides = array<i32>} : memref<2000xf32, #tpu.memory_space<vmem>>, vector<16xf32>,
    %swap3A_495 = arith.constant 1968 : index
    %swap3A_496 = tpu.vector_load %arg15[%swap3A_495] {strides = array<i32>} : memref<2000xf32, #tpu.memory_space<vmem>>, vector<16xf32>,
    tpu.vector_store %arg15[%swap3A_495], %broadcast_in_dim3A_3 {strides = array<i32>} : memref<2000xf32, #tpu.memory_space<vmem>>, vector<16xf32>,
    %swap3A_497 = arith.constant 1968 : index
    %swap3A_498 = tpu.vector_load %arg16[%swap3A_497] {strides = array<i32>} : memref<2000xf32, #tpu.memory_space<vmem>>, vector<16xf32>,
    tpu.vector_store %arg16[%swap3A_497], %broadcast_in_dim3A_3 {strides = array<i32>} : memref<2000xf32, #tpu.memory_space<vmem>>, vector<16xf32>,
    %swap3A_499 = arith.constant 1984 : index
    %swap3A_500 = tpu.vector_load %arg15[%swap3A_499] {strides = array<i32>} : memref<2000xf32, #tpu.memory_space<vmem>>, vector<16xf32>,
    tpu.vector_store %arg15[%swap3A_499], %broadcast_in_dim3A_3 {strides = array<i32>} : memref<2000xf32, #tpu.memory_space<vmem>>, vector<16xf32>,
    %swap3A_501 = arith.constant 1984 : index
    %swap3A_502 = tpu.vector_load %arg16[%swap3A_501] {strides = array<i32>} : memref<2000xf32, #tpu.memory_space<vmem>>, vector<16xf32>,
    tpu.vector_store %arg16[%swap3A_501], %broadcast_in_dim3A_3 {strides = array<i32>} : memref<2000xf32, #tpu.memory_space<vmem>>, vector<16xf32>,
    %add3A_503 = arith.constant 0 : i32
    %add3A_504 = arith.addi %mul3A_2, %add3A_503 : i32
    %dma_start3A = arith.constant 0 : i32
    %dma_start3A_505 = arith.constant 0 : i32
    %dma_start3A_506 = arith.constant 0 : i32
    %dma_start3A_507 = tpu.memref_slice %arg9[%dma_start3A, %dma_start3A_505, %dma_start3A_506] : memref<2x8x512xf32, #tpu.memory_space<vmem>> -> memref<1x8x512xf32, #tpu.memory_space<vmem>>
    %dma_start3A_508 = tpu.memref_squeeze %dma_start3A_507 : memref<1x8x512xf32, #tpu.memory_space<vmem>> -> memref<8x512xf32, #tpu.memory_space<vmem>>
    %dma_start3A_509 = arith.constant 0 : i32
    %dma_start3A_510 = tpu.memref_slice %arg2[%add3A_504, %dma_start3A_509] : memref<8192x512xf32, #tpu.memory_space<hbm>> -> memref<8x512xf32, #tpu.memory_space<hbm>>
    %dma_start3A_511 = arith.constant 0 : i32
    %dma_start3A_512 = arith.constant 0 : i32
    %dma_start3A_513 = tpu.memref_slice %arg9[%dma_start3A, %dma_start3A_511, %dma_start3A_512] : memref<2x8x512xf32, #tpu.memory_space<vmem>> -> memref<1x8x512xf32, #tpu.memory_space<vmem>>
    %dma_start3A_514 = tpu.memref_squeeze %dma_start3A_513 : memref<1x8x512xf32, #tpu.memory_space<vmem>> -> memref<8x512xf32, #tpu.memory_space<vmem>>
    %dma_start3A_515 = arith.constant 0 : i32
    %dma_start3A_516 = tpu.memref_slice %arg2[%add3A_504, %dma_start3A_515] : memref<8192x512xf32, #tpu.memory_space<hbm>> -> memref<8x512xf32, #tpu.memory_space<hbm>>
    tpu.enqueue_dma source(%dma_start3A_516 : memref<8x512xf32, #tpu.memory_space<hbm>>) target(%dma_start3A_514 : memref<8x512xf32, #tpu.memory_space<vmem>>) target_semaphore(%arg18 : memref<!tpu.dma_semaphore, #tpu.memory_space<semaphore_mem>>)
    %dma_start3A_517 = arith.constant 0 : i32
    %dma_start3A_518 = arith.constant 0 : i32
    %dma_start3A_519 = arith.constant 0 : i32
    %dma_start3A_520 = tpu.memref_slice %arg10[%dma_start3A_517, %dma_start3A_518, %dma_start3A_519] : memref<2x8x512xf32, #tpu.memory_space<vmem>> -> memref<1x8x512xf32, #tpu.memory_space<vmem>>
    %dma_start3A_521 = tpu.memref_squeeze %dma_start3A_520 : memref<1x8x512xf32, #tpu.memory_space<vmem>> -> memref<8x512xf32, #tpu.memory_space<vmem>>
    %dma_start3A_522 = arith.constant 0 : i32
    %dma_start3A_523 = tpu.memref_slice %arg3[%add3A_504, %dma_start3A_522] : memref<8192x512xf32, #tpu.memory_space<hbm>> -> memref<8x512xf32, #tpu.memory_space<hbm>>
    %dma_start3A_524 = arith.constant 0 : i32
    %dma_start3A_525 = arith.constant 0 : i32
    %dma_start3A_526 = tpu.memref_slice %arg10[%dma_start3A_517, %dma_start3A_524, %dma_start3A_525] : memref<2x8x512xf32, #tpu.memory_space<vmem>> -> memref<1x8x512xf32, #tpu.memory_space<vmem>>
    %dma_start3A_527 = tpu.memref_squeeze %dma_start3A_526 : memref<1x8x512xf32, #tpu.memory_space<vmem>> -> memref<8x512xf32, #tpu.memory_space<vmem>>
    %dma_start3A_528 = arith.constant 0 : i32
    %dma_start3A_529 = tpu.memref_slice %arg3[%add3A_504, %dma_start3A_528] : memref<8192x512xf32, #tpu.memory_space<hbm>> -> memref<8x512xf32, #tpu.memory_space<hbm>>
    tpu.enqueue_dma source(%dma_start3A_529 : memref<8x512xf32, #tpu.memory_space<hbm>>) target(%dma_start3A_527 : memref<8x512xf32, #tpu.memory_space<vmem>>) target_semaphore(%arg18 : memref<!tpu.dma_semaphore, #tpu.memory_space<semaphore_mem>>)
    %dma_start3A_530 = arith.constant 0 : i32
    %dma_start3A_531 = arith.constant 0 : i32
    %dma_start3A_532 = arith.constant 0 : i32
    %dma_start3A_533 = tpu.memref_slice %arg11[%dma_start3A_530, %dma_start3A_531, %dma_start3A_532] : memref<2x8x512xf32, #tpu.memory_space<vmem>> -> memref<1x8x512xf32, #tpu.memory_space<vmem>>
    %dma_start3A_534 = tpu.memref_squeeze %dma_start3A_533 : memref<1x8x512xf32, #tpu.memory_space<vmem>> -> memref<8x512xf32, #tpu.memory_space<vmem>>
    %dma_start3A_535 = arith.constant 0 : i32
    %dma_start3A_536 = tpu.memref_slice %arg4[%add3A_504, %dma_start3A_535] : memref<8192x512xf32, #tpu.memory_space<hbm>> -> memref<8x512xf32, #tpu.memory_space<hbm>>
    %dma_start3A_537 = arith.constant 0 : i32
    %dma_start3A_538 = arith.constant 0 : i32
    %dma_start3A_539 = tpu.memref_slice %arg11[%dma_start3A_530, %dma_start3A_537, %dma_start3A_538] : memref<2x8x512xf32, #tpu.memory_space<vmem>> -> memref<1x8x512xf32, #tpu.memory_space<vmem>>
    %dma_start3A_540 = tpu.memref_squeeze %dma_start3A_539 : memref<1x8x512xf32, #tpu.memory_space<vmem>> -> memref<8x512xf32, #tpu.memory_space<vmem>>
    %dma_start3A_541 = arith.constant 0 : i32
    %dma_start3A_542 = tpu.memref_slice %arg4[%add3A_504, %dma_start3A_541] : memref<8192x512xf32, #tpu.memory_space<hbm>> -> memref<8x512xf32, #tpu.memory_space<hbm>>
    tpu.enqueue_dma source(%dma_start3A_542 : memref<8x512xf32, #tpu.memory_space<hbm>>) target(%dma_start3A_540 : memref<8x512xf32, #tpu.memory_space<vmem>>) target_semaphore(%arg18 : memref<!tpu.dma_semaphore, #tpu.memory_space<semaphore_mem>>)
    %dma_start3A_543 = arith.constant 0 : i32
    %dma_start3A_544 = arith.constant 0 : i32
    %dma_start3A_545 = arith.constant 0 : i32
    %dma_start3A_546 = tpu.memref_slice %arg12[%dma_start3A_543, %dma_start3A_544, %dma_start3A_545] : memref<2x8x512xf32, #tpu.memory_space<vmem>> -> memref<1x8x512xf32, #tpu.memory_space<vmem>>
    %dma_start3A_547 = tpu.memref_squeeze %dma_start3A_546 : memref<1x8x512xf32, #tpu.memory_space<vmem>> -> memref<8x512xf32, #tpu.memory_space<vmem>>
    %dma_start3A_548 = arith.constant 0 : i32
    %dma_start3A_549 = tpu.memref_slice %arg5[%add3A_504, %dma_start3A_548] : memref<8192x512xf32, #tpu.memory_space<hbm>> -> memref<8x512xf32, #tpu.memory_space<hbm>>
    %dma_start3A_550 = arith.constant 0 : i32
    %dma_start3A_551 = arith.constant 0 : i32
    %dma_start3A_552 = tpu.memref_slice %arg12[%dma_start3A_543, %dma_start3A_550, %dma_start3A_551] : memref<2x8x512xf32, #tpu.memory_space<vmem>> -> memref<1x8x512xf32, #tpu.memory_space<vmem>>
    %dma_start3A_553 = tpu.memref_squeeze %dma_start3A_552 : memref<1x8x512xf32, #tpu.memory_space<vmem>> -> memref<8x512xf32, #tpu.memory_space<vmem>>
    %dma_start3A_554 = arith.constant 0 : i32
    %dma_start3A_555 = tpu.memref_slice %arg5[%add3A_504, %dma_start3A_554] : memref<8192x512xf32, #tpu.memory_space<hbm>> -> memref<8x512xf32, #tpu.memory_space<hbm>>
    tpu.enqueue_dma source(%dma_start3A_555 : memref<8x512xf32, #tpu.memory_space<hbm>>) target(%dma_start3A_553 : memref<8x512xf32, #tpu.memory_space<vmem>>) target_semaphore(%arg18 : memref<!tpu.dma_semaphore, #tpu.memory_space<semaphore_mem>>)
    %dma_start3A_556 = arith.constant 0 : i32
    %dma_start3A_557 = arith.constant 0 : i32
    %dma_start3A_558 = arith.constant 0 : i32
    %dma_start3A_559 = tpu.memref_slice %arg13[%dma_start3A_556, %dma_start3A_557, %dma_start3A_558] : memref<2x8x512xf32, #tpu.memory_space<vmem>> -> memref<1x8x512xf32, #tpu.memory_space<vmem>>
    %dma_start3A_560 = tpu.memref_squeeze %dma_start3A_559 : memref<1x8x512xf32, #tpu.memory_space<vmem>> -> memref<8x512xf32, #tpu.memory_space<vmem>>
    %dma_start3A_561 = arith.constant 0 : i32
    %dma_start3A_562 = tpu.memref_slice %arg6[%add3A_504, %dma_start3A_561] : memref<8192x512xf32, #tpu.memory_space<hbm>> -> memref<8x512xf32, #tpu.memory_space<hbm>>
    %dma_start3A_563 = arith.constant 0 : i32
    %dma_start3A_564 = arith.constant 0 : i32
    %dma_start3A_565 = tpu.memref_slice %arg13[%dma_start3A_556, %dma_start3A_563, %dma_start3A_564] : memref<2x8x512xf32, #tpu.memory_space<vmem>> -> memref<1x8x512xf32, #tpu.memory_space<vmem>>
    %dma_start3A_566 = tpu.memref_squeeze %dma_start3A_565 : memref<1x8x512xf32, #tpu.memory_space<vmem>> -> memref<8x512xf32, #tpu.memory_space<vmem>>
    %dma_start3A_567 = arith.constant 0 : i32
    %dma_start3A_568 = tpu.memref_slice %arg6[%add3A_504, %dma_start3A_567] : memref<8192x512xf32, #tpu.memory_space<hbm>> -> memref<8x512xf32, #tpu.memory_space<hbm>>
    tpu.enqueue_dma source(%dma_start3A_568 : memref<8x512xf32, #tpu.memory_space<hbm>>) target(%dma_start3A_566 : memref<8x512xf32, #tpu.memory_space<vmem>>) target_semaphore(%arg18 : memref<!tpu.dma_semaphore, #tpu.memory_space<semaphore_mem>>)
    %dma_start3A_569 = arith.constant 0 : i32
    %dma_start3A_570 = arith.constant 0 : i32
    %dma_start3A_571 = arith.constant 0 : i32
    %dma_start3A_572 = tpu.memref_slice %arg14[%dma_start3A_569, %dma_start3A_570, %dma_start3A_571] : memref<2x8x512xf32, #tpu.memory_space<vmem>> -> memref<1x8x512xf32, #tpu.memory_space<vmem>>
    %dma_start3A_573 = tpu.memref_squeeze %dma_start3A_572 : memref<1x8x512xf32, #tpu.memory_space<vmem>> -> memref<8x512xf32, #tpu.memory_space<vmem>>
    %dma_start3A_574 = arith.constant 0 : i32
    %dma_start3A_575 = tpu.memref_slice %arg7[%add3A_504, %dma_start3A_574] : memref<8192x512xf32, #tpu.memory_space<hbm>> -> memref<8x512xf32, #tpu.memory_space<hbm>>
    %dma_start3A_576 = arith.constant 0 : i32
    %dma_start3A_577 = arith.constant 0 : i32
    %dma_start3A_578 = tpu.memref_slice %arg14[%dma_start3A_569, %dma_start3A_576, %dma_start3A_577] : memref<2x8x512xf32, #tpu.memory_space<vmem>> -> memref<1x8x512xf32, #tpu.memory_space<vmem>>
    %dma_start3A_579 = tpu.memref_squeeze %dma_start3A_578 : memref<1x8x512xf32, #tpu.memory_space<vmem>> -> memref<8x512xf32, #tpu.memory_space<vmem>>
    %dma_start3A_580 = arith.constant 0 : i32
    %dma_start3A_581 = tpu.memref_slice %arg7[%add3A_504, %dma_start3A_580] : memref<8192x512xf32, #tpu.memory_space<hbm>> -> memref<8x512xf32, #tpu.memory_space<hbm>>
    tpu.enqueue_dma source(%dma_start3A_581 : memref<8x512xf32, #tpu.memory_space<hbm>>) target(%dma_start3A_579 : memref<8x512xf32, #tpu.memory_space<vmem>>) target_semaphore(%arg18 : memref<!tpu.dma_semaphore, #tpu.memory_space<semaphore_mem>>)
    %scan3A = arith.constant 0 : i32
    %scan3A_582 = arith.constant 0 : i32
    %scan3A_583 = arith.constant 16 : i32
    %scan3A_584 = arith.addi %scan3A_582, %scan3A_583 : i32
    %scan3A_585 = arith.constant 1 : i32
    scf.for %scan3A_587 = %scan3A_582 to %scan3A_584 step %scan3A_585  : i32 {
      %mul3A_588 = arith.constant 2 : i32
      %mul3A_589 = arith.muli %mul3A_588, %scan3A_587 : i32
      %add3A_590 = arith.constant 1 : i32
      %add3A_591 = arith.addi %mul3A_589, %add3A_590 : i32
      %mul3A_592 = arith.constant 8 : i32
      %mul3A_593 = arith.muli %add3A_591, %mul3A_592 : i32
      %add3A_594 = arith.addi %mul3A_2, %mul3A_593 : i32
      %dma_start3A_595 = arith.constant 1 : i32
      %dma_start3A_596 = arith.constant 0 : i32
      %dma_start3A_597 = arith.constant 0 : i32
      %dma_start3A_598 = tpu.memref_slice %arg9[%dma_start3A_595, %dma_start3A_596, %dma_start3A_597] : memref<2x8x512xf32, #tpu.memory_space<vmem>> -> memref<1x8x512xf32, #tpu.memory_space<vmem>>
      %dma_start3A_599 = tpu.memref_squeeze %dma_start3A_598 : memref<1x8x512xf32, #tpu.memory_space<vmem>> -> memref<8x512xf32, #tpu.memory_space<vmem>>
      %dma_start3A_600 = arith.constant 0 : i32
      %dma_start3A_601 = tpu.memref_slice %arg2[%add3A_594, %dma_start3A_600] : memref<8192x512xf32, #tpu.memory_space<hbm>> -> memref<8x512xf32, #tpu.memory_space<hbm>>
      %dma_start3A_602 = arith.constant 0 : i32
      %dma_start3A_603 = arith.constant 0 : i32
      %dma_start3A_604 = tpu.memref_slice %arg9[%dma_start3A_595, %dma_start3A_602, %dma_start3A_603] : memref<2x8x512xf32, #tpu.memory_space<vmem>> -> memref<1x8x512xf32, #tpu.memory_space<vmem>>
      %dma_start3A_605 = tpu.memref_squeeze %dma_start3A_604 : memref<1x8x512xf32, #tpu.memory_space<vmem>> -> memref<8x512xf32, #tpu.memory_space<vmem>>
      %dma_start3A_606 = arith.constant 0 : i32
      %dma_start3A_607 = tpu.memref_slice %arg2[%add3A_594, %dma_start3A_606] : memref<8192x512xf32, #tpu.memory_space<hbm>> -> memref<8x512xf32, #tpu.memory_space<hbm>>
      tpu.enqueue_dma source(%dma_start3A_607 : memref<8x512xf32, #tpu.memory_space<hbm>>) target(%dma_start3A_605 : memref<8x512xf32, #tpu.memory_space<vmem>>) target_semaphore(%arg19 : memref<!tpu.dma_semaphore, #tpu.memory_space<semaphore_mem>>)
      %dma_start3A_608 = arith.constant 1 : i32
      %dma_start3A_609 = arith.constant 0 : i32
      %dma_start3A_610 = arith.constant 0 : i32
      %dma_start3A_611 = tpu.memref_slice %arg10[%dma_start3A_608, %dma_start3A_609, %dma_start3A_610] : memref<2x8x512xf32, #tpu.memory_space<vmem>> -> memref<1x8x512xf32, #tpu.memory_space<vmem>>
      %dma_start3A_612 = tpu.memref_squeeze %dma_start3A_611 : memref<1x8x512xf32, #tpu.memory_space<vmem>> -> memref<8x512xf32, #tpu.memory_space<vmem>>
      %dma_start3A_613 = arith.constant 0 : i32
      %dma_start3A_614 = tpu.memref_slice %arg3[%add3A_594, %dma_start3A_613] : memref<8192x512xf32, #tpu.memory_space<hbm>> -> memref<8x512xf32, #tpu.memory_space<hbm>>
      %dma_start3A_615 = arith.constant 0 : i32
      %dma_start3A_616 = arith.constant 0 : i32
      %dma_start3A_617 = tpu.memref_slice %arg10[%dma_start3A_608, %dma_start3A_615, %dma_start3A_616] : memref<2x8x512xf32, #tpu.memory_space<vmem>> -> memref<1x8x512xf32, #tpu.memory_space<vmem>>
      %dma_start3A_618 = tpu.memref_squeeze %dma_start3A_617 : memref<1x8x512xf32, #tpu.memory_space<vmem>> -> memref<8x512xf32, #tpu.memory_space<vmem>>
      %dma_start3A_619 = arith.constant 0 : i32
      %dma_start3A_620 = tpu.memref_slice %arg3[%add3A_594, %dma_start3A_619] : memref<8192x512xf32, #tpu.memory_space<hbm>> -> memref<8x512xf32, #tpu.memory_space<hbm>>
      tpu.enqueue_dma source(%dma_start3A_620 : memref<8x512xf32, #tpu.memory_space<hbm>>) target(%dma_start3A_618 : memref<8x512xf32, #tpu.memory_space<vmem>>) target_semaphore(%arg19 : memref<!tpu.dma_semaphore, #tpu.memory_space<semaphore_mem>>)
      %dma_start3A_621 = arith.constant 1 : i32
      %dma_start3A_622 = arith.constant 0 : i32
      %dma_start3A_623 = arith.constant 0 : i32
      %dma_start3A_624 = tpu.memref_slice %arg11[%dma_start3A_621, %dma_start3A_622, %dma_start3A_623] : memref<2x8x512xf32, #tpu.memory_space<vmem>> -> memref<1x8x512xf32, #tpu.memory_space<vmem>>
      %dma_start3A_625 = tpu.memref_squeeze %dma_start3A_624 : memref<1x8x512xf32, #tpu.memory_space<vmem>> -> memref<8x512xf32, #tpu.memory_space<vmem>>
      %dma_start3A_626 = arith.constant 0 : i32
      %dma_start3A_627 = tpu.memref_slice %arg4[%add3A_594, %dma_start3A_626] : memref<8192x512xf32, #tpu.memory_space<hbm>> -> memref<8x512xf32, #tpu.memory_space<hbm>>
      %dma_start3A_628 = arith.constant 0 : i32
      %dma_start3A_629 = arith.constant 0 : i32
      %dma_start3A_630 = tpu.memref_slice %arg11[%dma_start3A_621, %dma_start3A_628, %dma_start3A_629] : memref<2x8x512xf32, #tpu.memory_space<vmem>> -> memref<1x8x512xf32, #tpu.memory_space<vmem>>
      %dma_start3A_631 = tpu.memref_squeeze %dma_start3A_630 : memref<1x8x512xf32, #tpu.memory_space<vmem>> -> memref<8x512xf32, #tpu.memory_space<vmem>>
      %dma_start3A_632 = arith.constant 0 : i32
      %dma_start3A_633 = tpu.memref_slice %arg4[%add3A_594, %dma_start3A_632] : memref<8192x512xf32, #tpu.memory_space<hbm>> -> memref<8x512xf32, #tpu.memory_space<hbm>>
      tpu.enqueue_dma source(%dma_start3A_633 : memref<8x512xf32, #tpu.memory_space<hbm>>) target(%dma_start3A_631 : memref<8x512xf32, #tpu.memory_space<vmem>>) target_semaphore(%arg19 : memref<!tpu.dma_semaphore, #tpu.memory_space<semaphore_mem>>)
      %dma_start3A_634 = arith.constant 1 : i32
      %dma_start3A_635 = arith.constant 0 : i32
      %dma_start3A_636 = arith.constant 0 : i32
      %dma_start3A_637 = tpu.memref_slice %arg12[%dma_start3A_634, %dma_start3A_635, %dma_start3A_636] : memref<2x8x512xf32, #tpu.memory_space<vmem>> -> memref<1x8x512xf32, #tpu.memory_space<vmem>>
      %dma_start3A_638 = tpu.memref_squeeze %dma_start3A_637 : memref<1x8x512xf32, #tpu.memory_space<vmem>> -> memref<8x512xf32, #tpu.memory_space<vmem>>
      %dma_start3A_639 = arith.constant 0 : i32
      %dma_start3A_640 = tpu.memref_slice %arg5[%add3A_594, %dma_start3A_639] : memref<8192x512xf32, #tpu.memory_space<hbm>> -> memref<8x512xf32, #tpu.memory_space<hbm>>
      %dma_start3A_641 = arith.constant 0 : i32
      %dma_start3A_642 = arith.constant 0 : i32
      %dma_start3A_643 = tpu.memref_slice %arg12[%dma_start3A_634, %dma_start3A_641, %dma_start3A_642] : memref<2x8x512xf32, #tpu.memory_space<vmem>> -> memref<1x8x512xf32, #tpu.memory_space<vmem>>
      %dma_start3A_644 = tpu.memref_squeeze %dma_start3A_643 : memref<1x8x512xf32, #tpu.memory_space<vmem>> -> memref<8x512xf32, #tpu.memory_space<vmem>>
      %dma_start3A_645 = arith.constant 0 : i32
      %dma_start3A_646 = tpu.memref_slice %arg5[%add3A_594, %dma_start3A_645] : memref<8192x512xf32, #tpu.memory_space<hbm>> -> memref<8x512xf32, #tpu.memory_space<hbm>>
      tpu.enqueue_dma source(%dma_start3A_646 : memref<8x512xf32, #tpu.memory_space<hbm>>) target(%dma_start3A_644 : memref<8x512xf32, #tpu.memory_space<vmem>>) target_semaphore(%arg19 : memref<!tpu.dma_semaphore, #tpu.memory_space<semaphore_mem>>)
      %dma_start3A_647 = arith.constant 1 : i32
      %dma_start3A_648 = arith.constant 0 : i32
      %dma_start3A_649 = arith.constant 0 : i32
      %dma_start3A_650 = tpu.memref_slice %arg13[%dma_start3A_647, %dma_start3A_648, %dma_start3A_649] : memref<2x8x512xf32, #tpu.memory_space<vmem>> -> memref<1x8x512xf32, #tpu.memory_space<vmem>>
      %dma_start3A_651 = tpu.memref_squeeze %dma_start3A_650 : memref<1x8x512xf32, #tpu.memory_space<vmem>> -> memref<8x512xf32, #tpu.memory_space<vmem>>
      %dma_start3A_652 = arith.constant 0 : i32
      %dma_start3A_653 = tpu.memref_slice %arg6[%add3A_594, %dma_start3A_652] : memref<8192x512xf32, #tpu.memory_space<hbm>> -> memref<8x512xf32, #tpu.memory_space<hbm>>
      %dma_start3A_654 = arith.constant 0 : i32
      %dma_start3A_655 = arith.constant 0 : i32
      %dma_start3A_656 = tpu.memref_slice %arg13[%dma_start3A_647, %dma_start3A_654, %dma_start3A_655] : memref<2x8x512xf32, #tpu.memory_space<vmem>> -> memref<1x8x512xf32, #tpu.memory_space<vmem>>
      %dma_start3A_657 = tpu.memref_squeeze %dma_start3A_656 : memref<1x8x512xf32, #tpu.memory_space<vmem>> -> memref<8x512xf32, #tpu.memory_space<vmem>>
      %dma_start3A_658 = arith.constant 0 : i32
      %dma_start3A_659 = tpu.memref_slice %arg6[%add3A_594, %dma_start3A_658] : memref<8192x512xf32, #tpu.memory_space<hbm>> -> memref<8x512xf32, #tpu.memory_space<hbm>>
      tpu.enqueue_dma source(%dma_start3A_659 : memref<8x512xf32, #tpu.memory_space<hbm>>) target(%dma_start3A_657 : memref<8x512xf32, #tpu.memory_space<vmem>>) target_semaphore(%arg19 : memref<!tpu.dma_semaphore, #tpu.memory_space<semaphore_mem>>)
      %dma_start3A_660 = arith.constant 1 : i32
      %dma_start3A_661 = arith.constant 0 : i32
      %dma_start3A_662 = arith.constant 0 : i32
      %dma_start3A_663 = tpu.memref_slice %arg14[%dma_start3A_660, %dma_start3A_661, %dma_start3A_662] : memref<2x8x512xf32, #tpu.memory_space<vmem>> -> memref<1x8x512xf32, #tpu.memory_space<vmem>>
      %dma_start3A_664 = tpu.memref_squeeze %dma_start3A_663 : memref<1x8x512xf32, #tpu.memory_space<vmem>> -> memref<8x512xf32, #tpu.memory_space<vmem>>
      %dma_start3A_665 = arith.constant 0 : i32
      %dma_start3A_666 = tpu.memref_slice %arg7[%add3A_594, %dma_start3A_665] : memref<8192x512xf32, #tpu.memory_space<hbm>> -> memref<8x512xf32, #tpu.memory_space<hbm>>
      %dma_start3A_667 = arith.constant 0 : i32
      %dma_start3A_668 = arith.constant 0 : i32
      %dma_start3A_669 = tpu.memref_slice %arg14[%dma_start3A_660, %dma_start3A_667, %dma_start3A_668] : memref<2x8x512xf32, #tpu.memory_space<vmem>> -> memref<1x8x512xf32, #tpu.memory_space<vmem>>
      %dma_start3A_670 = tpu.memref_squeeze %dma_start3A_669 : memref<1x8x512xf32, #tpu.memory_space<vmem>> -> memref<8x512xf32, #tpu.memory_space<vmem>>
      %dma_start3A_671 = arith.constant 0 : i32
      %dma_start3A_672 = tpu.memref_slice %arg7[%add3A_594, %dma_start3A_671] : memref<8192x512xf32, #tpu.memory_space<hbm>> -> memref<8x512xf32, #tpu.memory_space<hbm>>
      tpu.enqueue_dma source(%dma_start3A_672 : memref<8x512xf32, #tpu.memory_space<hbm>>) target(%dma_start3A_670 : memref<8x512xf32, #tpu.memory_space<vmem>>) target_semaphore(%arg19 : memref<!tpu.dma_semaphore, #tpu.memory_space<semaphore_mem>>)
      %mul3A_673 = arith.constant 8 : i32
      %mul3A_674 = arith.muli %mul3A_589, %mul3A_673 : i32
      %add3A_675 = arith.addi %mul3A_2, %mul3A_674 : i32
      %dma_wait3A = arith.constant 0 : i32
      %dma_wait3A_676 = arith.constant 0 : i32
      %dma_wait3A_677 = arith.constant 0 : i32
      %dma_wait3A_678 = tpu.memref_slice %arg9[%dma_wait3A, %dma_wait3A_676, %dma_wait3A_677] : memref<2x8x512xf32, #tpu.memory_space<vmem>> -> memref<1x8x512xf32, #tpu.memory_space<vmem>>
      %dma_wait3A_679 = tpu.memref_squeeze %dma_wait3A_678 : memref<1x8x512xf32, #tpu.memory_space<vmem>> -> memref<8x512xf32, #tpu.memory_space<vmem>>
      %dma_wait3A_680 = arith.constant 0 : i32
      %dma_wait3A_681 = tpu.memref_slice %arg2[%add3A_675, %dma_wait3A_680] : memref<8192x512xf32, #tpu.memory_space<hbm>> -> memref<8x512xf32, #tpu.memory_space<hbm>>
      %dma_wait3A_682 = arith.constant 0 : i32
      %dma_wait3A_683 = arith.constant 0 : i32
      %dma_wait3A_684 = tpu.memref_slice %arg9[%dma_wait3A, %dma_wait3A_682, %dma_wait3A_683] : memref<2x8x512xf32, #tpu.memory_space<vmem>> -> memref<1x8x512xf32, #tpu.memory_space<vmem>>
      %dma_wait3A_685 = tpu.memref_squeeze %dma_wait3A_684 : memref<1x8x512xf32, #tpu.memory_space<vmem>> -> memref<8x512xf32, #tpu.memory_space<vmem>>
      %dma_wait3A_686 = arith.constant 0 : i32
      %dma_wait3A_687 = tpu.memref_slice %arg2[%add3A_675, %dma_wait3A_686] : memref<8192x512xf32, #tpu.memory_space<hbm>> -> memref<8x512xf32, #tpu.memory_space<hbm>>
      tpu.wait_dma2 semaphore(%arg18 : memref<!tpu.dma_semaphore, #tpu.memory_space<semaphore_mem>>) src(%dma_wait3A_687 : memref<8x512xf32, #tpu.memory_space<hbm>>) dst(%dma_wait3A_685 : memref<8x512xf32, #tpu.memory_space<vmem>>)
      %dma_wait3A_688 = arith.constant 0 : i32
      %dma_wait3A_689 = arith.constant 0 : i32
      %dma_wait3A_690 = arith.constant 0 : i32
      %dma_wait3A_691 = tpu.memref_slice %arg10[%dma_wait3A_688, %dma_wait3A_689, %dma_wait3A_690] : memref<2x8x512xf32, #tpu.memory_space<vmem>> -> memref<1x8x512xf32, #tpu.memory_space<vmem>>
      %dma_wait3A_692 = tpu.memref_squeeze %dma_wait3A_691 : memref<1x8x512xf32, #tpu.memory_space<vmem>> -> memref<8x512xf32, #tpu.memory_space<vmem>>
      %dma_wait3A_693 = arith.constant 0 : i32
      %dma_wait3A_694 = tpu.memref_slice %arg3[%add3A_675, %dma_wait3A_693] : memref<8192x512xf32, #tpu.memory_space<hbm>> -> memref<8x512xf32, #tpu.memory_space<hbm>>
      %dma_wait3A_695 = arith.constant 0 : i32
      %dma_wait3A_696 = arith.constant 0 : i32
      %dma_wait3A_697 = tpu.memref_slice %arg10[%dma_wait3A_688, %dma_wait3A_695, %dma_wait3A_696] : memref<2x8x512xf32, #tpu.memory_space<vmem>> -> memref<1x8x512xf32, #tpu.memory_space<vmem>>
      %dma_wait3A_698 = tpu.memref_squeeze %dma_wait3A_697 : memref<1x8x512xf32, #tpu.memory_space<vmem>> -> memref<8x512xf32, #tpu.memory_space<vmem>>
      %dma_wait3A_699 = arith.constant 0 : i32
      %dma_wait3A_700 = tpu.memref_slice %arg3[%add3A_675, %dma_wait3A_699] : memref<8192x512xf32, #tpu.memory_space<hbm>> -> memref<8x512xf32, #tpu.memory_space<hbm>>
      tpu.wait_dma2 semaphore(%arg18 : memref<!tpu.dma_semaphore, #tpu.memory_space<semaphore_mem>>) src(%dma_wait3A_700 : memref<8x512xf32, #tpu.memory_space<hbm>>) dst(%dma_wait3A_698 : memref<8x512xf32, #tpu.memory_space<vmem>>)
      %dma_wait3A_701 = arith.constant 0 : i32
      %dma_wait3A_702 = arith.constant 0 : i32
      %dma_wait3A_703 = arith.constant 0 : i32
      %dma_wait3A_704 = tpu.memref_slice %arg11[%dma_wait3A_701, %dma_wait3A_702, %dma_wait3A_703] : memref<2x8x512xf32, #tpu.memory_space<vmem>> -> memref<1x8x512xf32, #tpu.memory_space<vmem>>
      %dma_wait3A_705 = tpu.memref_squeeze %dma_wait3A_704 : memref<1x8x512xf32, #tpu.memory_space<vmem>> -> memref<8x512xf32, #tpu.memory_space<vmem>>
      %dma_wait3A_706 = arith.constant 0 : i32
      %dma_wait3A_707 = tpu.memref_slice %arg4[%add3A_675, %dma_wait3A_706] : memref<8192x512xf32, #tpu.memory_space<hbm>> -> memref<8x512xf32, #tpu.memory_space<hbm>>
      %dma_wait3A_708 = arith.constant 0 : i32
      %dma_wait3A_709 = arith.constant 0 : i32
      %dma_wait3A_710 = tpu.memref_slice %arg11[%dma_wait3A_701, %dma_wait3A_708, %dma_wait3A_709] : memref<2x8x512xf32, #tpu.memory_space<vmem>> -> memref<1x8x512xf32, #tpu.memory_space<vmem>>
      %dma_wait3A_711 = tpu.memref_squeeze %dma_wait3A_710 : memref<1x8x512xf32, #tpu.memory_space<vmem>> -> memref<8x512xf32, #tpu.memory_space<vmem>>
      %dma_wait3A_712 = arith.constant 0 : i32
      %dma_wait3A_713 = tpu.memref_slice %arg4[%add3A_675, %dma_wait3A_712] : memref<8192x512xf32, #tpu.memory_space<hbm>> -> memref<8x512xf32, #tpu.memory_space<hbm>>
      tpu.wait_dma2 semaphore(%arg18 : memref<!tpu.dma_semaphore, #tpu.memory_space<semaphore_mem>>) src(%dma_wait3A_713 : memref<8x512xf32, #tpu.memory_space<hbm>>) dst(%dma_wait3A_711 : memref<8x512xf32, #tpu.memory_space<vmem>>)
      %dma_wait3A_714 = arith.constant 0 : i32
      %dma_wait3A_715 = arith.constant 0 : i32
      %dma_wait3A_716 = arith.constant 0 : i32
      %dma_wait3A_717 = tpu.memref_slice %arg12[%dma_wait3A_714, %dma_wait3A_715, %dma_wait3A_716] : memref<2x8x512xf32, #tpu.memory_space<vmem>> -> memref<1x8x512xf32, #tpu.memory_space<vmem>>
      %dma_wait3A_718 = tpu.memref_squeeze %dma_wait3A_717 : memref<1x8x512xf32, #tpu.memory_space<vmem>> -> memref<8x512xf32, #tpu.memory_space<vmem>>
      %dma_wait3A_719 = arith.constant 0 : i32
      %dma_wait3A_720 = tpu.memref_slice %arg5[%add3A_675, %dma_wait3A_719] : memref<8192x512xf32, #tpu.memory_space<hbm>> -> memref<8x512xf32, #tpu.memory_space<hbm>>
      %dma_wait3A_721 = arith.constant 0 : i32
      %dma_wait3A_722 = arith.constant 0 : i32
      %dma_wait3A_723 = tpu.memref_slice %arg12[%dma_wait3A_714, %dma_wait3A_721, %dma_wait3A_722] : memref<2x8x512xf32, #tpu.memory_space<vmem>> -> memref<1x8x512xf32, #tpu.memory_space<vmem>>
      %dma_wait3A_724 = tpu.memref_squeeze %dma_wait3A_723 : memref<1x8x512xf32, #tpu.memory_space<vmem>> -> memref<8x512xf32, #tpu.memory_space<vmem>>
      %dma_wait3A_725 = arith.constant 0 : i32
      %dma_wait3A_726 = tpu.memref_slice %arg5[%add3A_675, %dma_wait3A_725] : memref<8192x512xf32, #tpu.memory_space<hbm>> -> memref<8x512xf32, #tpu.memory_space<hbm>>
      tpu.wait_dma2 semaphore(%arg18 : memref<!tpu.dma_semaphore, #tpu.memory_space<semaphore_mem>>) src(%dma_wait3A_726 : memref<8x512xf32, #tpu.memory_space<hbm>>) dst(%dma_wait3A_724 : memref<8x512xf32, #tpu.memory_space<vmem>>)
      %dma_wait3A_727 = arith.constant 0 : i32
      %dma_wait3A_728 = arith.constant 0 : i32
      %dma_wait3A_729 = arith.constant 0 : i32
      %dma_wait3A_730 = tpu.memref_slice %arg13[%dma_wait3A_727, %dma_wait3A_728, %dma_wait3A_729] : memref<2x8x512xf32, #tpu.memory_space<vmem>> -> memref<1x8x512xf32, #tpu.memory_space<vmem>>
      %dma_wait3A_731 = tpu.memref_squeeze %dma_wait3A_730 : memref<1x8x512xf32, #tpu.memory_space<vmem>> -> memref<8x512xf32, #tpu.memory_space<vmem>>
      %dma_wait3A_732 = arith.constant 0 : i32
      %dma_wait3A_733 = tpu.memref_slice %arg6[%add3A_675, %dma_wait3A_732] : memref<8192x512xf32, #tpu.memory_space<hbm>> -> memref<8x512xf32, #tpu.memory_space<hbm>>
      %dma_wait3A_734 = arith.constant 0 : i32
      %dma_wait3A_735 = arith.constant 0 : i32
      %dma_wait3A_736 = tpu.memref_slice %arg13[%dma_wait3A_727, %dma_wait3A_734, %dma_wait3A_735] : memref<2x8x512xf32, #tpu.memory_space<vmem>> -> memref<1x8x512xf32, #tpu.memory_space<vmem>>
      %dma_wait3A_737 = tpu.memref_squeeze %dma_wait3A_736 : memref<1x8x512xf32, #tpu.memory_space<vmem>> -> memref<8x512xf32, #tpu.memory_space<vmem>>
      %dma_wait3A_738 = arith.constant 0 : i32
      %dma_wait3A_739 = tpu.memref_slice %arg6[%add3A_675, %dma_wait3A_738] : memref<8192x512xf32, #tpu.memory_space<hbm>> -> memref<8x512xf32, #tpu.memory_space<hbm>>
      tpu.wait_dma2 semaphore(%arg18 : memref<!tpu.dma_semaphore, #tpu.memory_space<semaphore_mem>>) src(%dma_wait3A_739 : memref<8x512xf32, #tpu.memory_space<hbm>>) dst(%dma_wait3A_737 : memref<8x512xf32, #tpu.memory_space<vmem>>)
      %dma_wait3A_740 = arith.constant 0 : i32
      %dma_wait3A_741 = arith.constant 0 : i32
      %dma_wait3A_742 = arith.constant 0 : i32
      %dma_wait3A_743 = tpu.memref_slice %arg14[%dma_wait3A_740, %dma_wait3A_741, %dma_wait3A_742] : memref<2x8x512xf32, #tpu.memory_space<vmem>> -> memref<1x8x512xf32, #tpu.memory_space<vmem>>
      %dma_wait3A_744 = tpu.memref_squeeze %dma_wait3A_743 : memref<1x8x512xf32, #tpu.memory_space<vmem>> -> memref<8x512xf32, #tpu.memory_space<vmem>>
      %dma_wait3A_745 = arith.constant 0 : i32
      %dma_wait3A_746 = tpu.memref_slice %arg7[%add3A_675, %dma_wait3A_745] : memref<8192x512xf32, #tpu.memory_space<hbm>> -> memref<8x512xf32, #tpu.memory_space<hbm>>
      %dma_wait3A_747 = arith.constant 0 : i32
      %dma_wait3A_748 = arith.constant 0 : i32
      %dma_wait3A_749 = tpu.memref_slice %arg14[%dma_wait3A_740, %dma_wait3A_747, %dma_wait3A_748] : memref<2x8x512xf32, #tpu.memory_space<vmem>> -> memref<1x8x512xf32, #tpu.memory_space<vmem>>
      %dma_wait3A_750 = tpu.memref_squeeze %dma_wait3A_749 : memref<1x8x512xf32, #tpu.memory_space<vmem>> -> memref<8x512xf32, #tpu.memory_space<vmem>>
      %dma_wait3A_751 = arith.constant 0 : i32
      %dma_wait3A_752 = tpu.memref_slice %arg7[%add3A_675, %dma_wait3A_751] : memref<8192x512xf32, #tpu.memory_space<hbm>> -> memref<8x512xf32, #tpu.memory_space<hbm>>
      tpu.wait_dma2 semaphore(%arg18 : memref<!tpu.dma_semaphore, #tpu.memory_space<semaphore_mem>>) src(%dma_wait3A_752 : memref<8x512xf32, #tpu.memory_space<hbm>>) dst(%dma_wait3A_750 : memref<8x512xf32, #tpu.memory_space<vmem>>)
      %scan3A_753 = arith.constant 0 : i32
      %scan3A_754 = arith.constant 0 : i32
      %scan3A_755 = arith.constant 0 : i32
      %scan3A_756 = arith.constant 0 : i32
      %scan3A_757 = arith.constant 0 : i32
      %scan3A_758 = arith.constant 0 : i32
      %scan3A_759 = arith.constant 0 : i32
      %scan3A_760 = arith.constant 0 : i32
      %scan3A_761 = arith.constant 8 : i32
      %scan3A_762 = arith.addi %scan3A_760, %scan3A_761 : i32
      %scan3A_763 = arith.constant 1 : i32
      scf.for %scan3A_860 = %scan3A_760 to %scan3A_762 step %scan3A_763  : i32 {
        %parallel_loop3A = arith.constant 0 : i32
        %parallel_loop3A_861 = arith.constant 512 : i32
        %parallel_loop3A_862 = arith.constant 16 : i32
        scf.for %parallel_loop3A_882 = %parallel_loop3A to %parallel_loop3A_861 step %parallel_loop3A_862  : i32 {
          %parallel_loop3A_883 = arith.constant 0 : i32
          %parallel_loop3A_884 = arith.constant 0 : i32
          %parallel_loop3A_885 = tpu.memref_slice %arg9[%scan3A_754, %parallel_loop3A_883, %parallel_loop3A_884] : memref<2x8x512xf32, #tpu.memory_space<vmem>> -> memref<1x8x512xf32, #tpu.memory_space<vmem>>
          %parallel_loop3A_886 = tpu.memref_squeeze %parallel_loop3A_885 : memref<1x8x512xf32, #tpu.memory_space<vmem>> -> memref<8x512xf32, #tpu.memory_space<vmem>>
          %parallel_loop3A_887 = arith.index_cast %scan3A_860 : i32 to index
          %parallel_loop3A_888 = arith.index_cast %parallel_loop3A_882 : i32 to index
          %parallel_loop3A_889 = tpu.vector_load %parallel_loop3A_886[%parallel_loop3A_887, %parallel_loop3A_888] {strides = array<i32>} : memref<8x512xf32, #tpu.memory_space<vmem>>, vector<16xf32>,
          %parallel_loop3A_890 = arith.constant 2.000000e+03 : f32
          %parallel_loop3A_891 = vector.broadcast %parallel_loop3A_890 : f32 to vector<16xf32>
          %parallel_loop3A_892 = arith.mulf %parallel_loop3A_889, %parallel_loop3A_891 : vector<16xf32>
          %parallel_loop3A_893 = arith.fptosi %parallel_loop3A_892 : vector<16xf32> to vector<16xi32>
          %parallel_loop3A_894 = arith.constant 0 : i32
          %parallel_loop3A_895 = arith.constant 1999 : i32
          %parallel_loop3A_896 = vector.broadcast %parallel_loop3A_894 : i32 to vector<16xi32>
          %parallel_loop3A_897 = arith.maxsi %parallel_loop3A_896, %parallel_loop3A_893 : vector<16xi32>
          %parallel_loop3A_898 = vector.broadcast %parallel_loop3A_895 : i32 to vector<16xi32>
          %parallel_loop3A_899 = arith.minsi %parallel_loop3A_898, %parallel_loop3A_897 : vector<16xi32>
          %parallel_loop3A_900 = arith.constant 0 : i32
          %parallel_loop3A_901 = arith.constant 0 : i32
          %parallel_loop3A_902 = tpu.memref_slice %arg10[%scan3A_755, %parallel_loop3A_900, %parallel_loop3A_901] : memref<2x8x512xf32, #tpu.memory_space<vmem>> -> memref<1x8x512xf32, #tpu.memory_space<vmem>>
          %parallel_loop3A_903 = tpu.memref_squeeze %parallel_loop3A_902 : memref<1x8x512xf32, #tpu.memory_space<vmem>> -> memref<8x512xf32, #tpu.memory_space<vmem>>
          %parallel_loop3A_904 = arith.index_cast %scan3A_860 : i32 to index
          %parallel_loop3A_905 = arith.index_cast %parallel_loop3A_882 : i32 to index
          %parallel_loop3A_906 = tpu.vector_load %parallel_loop3A_903[%parallel_loop3A_904, %parallel_loop3A_905] {strides = array<i32>} : memref<8x512xf32, #tpu.memory_space<vmem>>, vector<16xf32>,
          %parallel_loop3A_907 = arith.constant 0 : i32
          %parallel_loop3A_908 = arith.constant 0 : i32
          %parallel_loop3A_909 = tpu.memref_slice %arg11[%scan3A_756, %parallel_loop3A_907, %parallel_loop3A_908] : memref<2x8x512xf32, #tpu.memory_space<vmem>> -> memref<1x8x512xf32, #tpu.memory_space<vmem>>
          %parallel_loop3A_910 = tpu.memref_squeeze %parallel_loop3A_909 : memref<1x8x512xf32, #tpu.memory_space<vmem>> -> memref<8x512xf32, #tpu.memory_space<vmem>>
          %parallel_loop3A_911 = arith.index_cast %scan3A_860 : i32 to index
          %parallel_loop3A_912 = arith.index_cast %parallel_loop3A_882 : i32 to index
          %parallel_loop3A_913 = tpu.vector_load %parallel_loop3A_910[%parallel_loop3A_911, %parallel_loop3A_912] {strides = array<i32>} : memref<8x512xf32, #tpu.memory_space<vmem>>, vector<16xf32>,
          %parallel_loop3A_914 = arith.mulf %parallel_loop3A_906, %parallel_loop3A_913 : vector<16xf32>
          tpu.vector_store_idx %arg15[%parallel_loop3A_899], %parallel_loop3A_914 {add = true} : memref<2000xf32, #tpu.memory_space<vmem>>[vector<16xi32>], vector<16xf32>,
        } {sc.loop_unroll_factor = 8 : i64, sc.parallel_access}
        %parallel_loop3A_863 = arith.constant 0 : i32
        %parallel_loop3A_864 = arith.constant 512 : i32
        %parallel_loop3A_865 = arith.constant 16 : i32
        scf.for %parallel_loop3A_882 = %parallel_loop3A_863 to %parallel_loop3A_864 step %parallel_loop3A_865  : i32 {
          %parallel_loop3A_883 = arith.constant 0 : i32
          %parallel_loop3A_884 = arith.constant 0 : i32
          %parallel_loop3A_885 = tpu.memref_slice %arg12[%scan3A_757, %parallel_loop3A_883, %parallel_loop3A_884] : memref<2x8x512xf32, #tpu.memory_space<vmem>> -> memref<1x8x512xf32, #tpu.memory_space<vmem>>
          %parallel_loop3A_886 = tpu.memref_squeeze %parallel_loop3A_885 : memref<1x8x512xf32, #tpu.memory_space<vmem>> -> memref<8x512xf32, #tpu.memory_space<vmem>>
          %parallel_loop3A_887 = arith.index_cast %scan3A_860 : i32 to index
          %parallel_loop3A_888 = arith.index_cast %parallel_loop3A_882 : i32 to index
          %parallel_loop3A_889 = tpu.vector_load %parallel_loop3A_886[%parallel_loop3A_887, %parallel_loop3A_888] {strides = array<i32>} : memref<8x512xf32, #tpu.memory_space<vmem>>, vector<16xf32>,
          %parallel_loop3A_890 = arith.constant 2.000000e+03 : f32
          %parallel_loop3A_891 = vector.broadcast %parallel_loop3A_890 : f32 to vector<16xf32>
          %parallel_loop3A_892 = arith.mulf %parallel_loop3A_889, %parallel_loop3A_891 : vector<16xf32>
          %parallel_loop3A_893 = arith.fptosi %parallel_loop3A_892 : vector<16xf32> to vector<16xi32>
          %parallel_loop3A_894 = arith.constant 0 : i32
          %parallel_loop3A_895 = arith.constant 1999 : i32
          %parallel_loop3A_896 = vector.broadcast %parallel_loop3A_894 : i32 to vector<16xi32>
          %parallel_loop3A_897 = arith.maxsi %parallel_loop3A_896, %parallel_loop3A_893 : vector<16xi32>
          %parallel_loop3A_898 = vector.broadcast %parallel_loop3A_895 : i32 to vector<16xi32>
          %parallel_loop3A_899 = arith.minsi %parallel_loop3A_898, %parallel_loop3A_897 : vector<16xi32>
          %parallel_loop3A_900 = arith.constant 0 : i32
          %parallel_loop3A_901 = arith.constant 0 : i32
          %parallel_loop3A_902 = tpu.memref_slice %arg13[%scan3A_758, %parallel_loop3A_900, %parallel_loop3A_901] : memref<2x8x512xf32, #tpu.memory_space<vmem>> -> memref<1x8x512xf32, #tpu.memory_space<vmem>>
          %parallel_loop3A_903 = tpu.memref_squeeze %parallel_loop3A_902 : memref<1x8x512xf32, #tpu.memory_space<vmem>> -> memref<8x512xf32, #tpu.memory_space<vmem>>
          %parallel_loop3A_904 = arith.index_cast %scan3A_860 : i32 to index
          %parallel_loop3A_905 = arith.index_cast %parallel_loop3A_882 : i32 to index
          %parallel_loop3A_906 = tpu.vector_load %parallel_loop3A_903[%parallel_loop3A_904, %parallel_loop3A_905] {strides = array<i32>} : memref<8x512xf32, #tpu.memory_space<vmem>>, vector<16xf32>,
          %parallel_loop3A_907 = arith.constant 0 : i32
          %parallel_loop3A_908 = arith.constant 0 : i32
          %parallel_loop3A_909 = tpu.memref_slice %arg14[%scan3A_759, %parallel_loop3A_907, %parallel_loop3A_908] : memref<2x8x512xf32, #tpu.memory_space<vmem>> -> memref<1x8x512xf32, #tpu.memory_space<vmem>>
          %parallel_loop3A_910 = tpu.memref_squeeze %parallel_loop3A_909 : memref<1x8x512xf32, #tpu.memory_space<vmem>> -> memref<8x512xf32, #tpu.memory_space<vmem>>
          %parallel_loop3A_911 = arith.index_cast %scan3A_860 : i32 to index
          %parallel_loop3A_912 = arith.index_cast %parallel_loop3A_882 : i32 to index
          %parallel_loop3A_913 = tpu.vector_load %parallel_loop3A_910[%parallel_loop3A_911, %parallel_loop3A_912] {strides = array<i32>} : memref<8x512xf32, #tpu.memory_space<vmem>>, vector<16xf32>,
          %parallel_loop3A_914 = arith.mulf %parallel_loop3A_906, %parallel_loop3A_913 : vector<16xf32>
          tpu.vector_store_idx %arg16[%parallel_loop3A_899], %parallel_loop3A_914 {add = true} : memref<2000xf32, #tpu.memory_space<vmem>>[vector<16xi32>], vector<16xf32>,
        } {sc.loop_unroll_factor = 8 : i64, sc.parallel_access}
        %parallel_loop3A_866 = arith.constant 0 : i32
        %parallel_loop3A_867 = arith.constant 2000 : i32
        %parallel_loop3A_868 = arith.constant 16 : i32
        %parallel_loop3A_869:3 = scf.for %parallel_loop3A_882 = %parallel_loop3A_866 to %parallel_loop3A_867 step %parallel_loop3A_868 iter_args(%parallel_loop3A_883 = %broadcast_in_dim3A_3, %parallel_loop3A_884 = %broadcast_in_dim3A_3, %parallel_loop3A_885 = %broadcast_in_dim3A_3) -> (vector<16xf32>, vector<16xf32>, vector<16xf32>)  : i32 {
          %parallel_loop3A_886 = arith.index_cast %parallel_loop3A_882 : i32 to index
          %parallel_loop3A_887 = tpu.vector_load %arg15[%parallel_loop3A_886] {strides = array<i32>} : memref<2000xf32, #tpu.memory_space<vmem>>, vector<16xf32>,
          %parallel_loop3A_888 = arith.index_cast %parallel_loop3A_882 : i32 to index
          %parallel_loop3A_889 = tpu.vector_load %arg16[%parallel_loop3A_888] {strides = array<i32>} : memref<2000xf32, #tpu.memory_space<vmem>>, vector<16xf32>,
          %parallel_loop3A_890 = arith.mulf %parallel_loop3A_887, %parallel_loop3A_887 : vector<16xf32>
          %parallel_loop3A_891 = arith.addf %parallel_loop3A_883, %parallel_loop3A_890 : vector<16xf32>
          %parallel_loop3A_892 = arith.mulf %parallel_loop3A_889, %parallel_loop3A_889 : vector<16xf32>
          %parallel_loop3A_893 = arith.addf %parallel_loop3A_884, %parallel_loop3A_892 : vector<16xf32>
          %parallel_loop3A_894 = arith.mulf %parallel_loop3A_887, %parallel_loop3A_889 : vector<16xf32>
          %parallel_loop3A_895 = arith.addf %parallel_loop3A_885, %parallel_loop3A_894 : vector<16xf32>
          %parallel_loop3A_896 = arith.index_cast %parallel_loop3A_882 : i32 to index
          %parallel_loop3A_897 = tpu.vector_load %arg15[%parallel_loop3A_896] {strides = array<i32>} : memref<2000xf32, #tpu.memory_space<vmem>>, vector<16xf32>,
          tpu.vector_store %arg15[%parallel_loop3A_896], %broadcast_in_dim3A_3 {strides = array<i32>} : memref<2000xf32, #tpu.memory_space<vmem>>, vector<16xf32>,
          %parallel_loop3A_898 = arith.index_cast %parallel_loop3A_882 : i32 to index
          %parallel_loop3A_899 = tpu.vector_load %arg16[%parallel_loop3A_898] {strides = array<i32>} : memref<2000xf32, #tpu.memory_space<vmem>>, vector<16xf32>,
          tpu.vector_store %arg16[%parallel_loop3A_898], %broadcast_in_dim3A_3 {strides = array<i32>} : memref<2000xf32, #tpu.memory_space<vmem>>, vector<16xf32>,
          scf.yield %parallel_loop3A_891, %parallel_loop3A_893, %parallel_loop3A_895 : vector<16xf32>, vector<16xf32>, vector<16xf32>
        } {sc.loop_unroll_factor = 8 : i64, sc.parallel_access}
        %mul3A_870 = arith.constant 8 : i32
        %mul3A_871 = arith.muli %mul3A_589, %mul3A_870 : i32
        %add3A_872 = arith.addi %mul3A_871, %scan3A_860 : i32
        %swap3A_873 = arith.index_cast %add3A_872 : i32 to index
        %swap3A_874 = arith.constant 0 : index
        %swap3A_875 = tpu.vector_load %arg17[%swap3A_873, %swap3A_874] {strides = array<i32>} : memref<256x48xf32, #tpu.memory_space<vmem>>, vector<16xf32>,
        tpu.vector_store %arg17[%swap3A_873, %swap3A_874], %parallel_loop3A_869#0 {strides = array<i32>} : memref<256x48xf32, #tpu.memory_space<vmem>>, vector<16xf32>,
        %swap3A_876 = arith.index_cast %add3A_872 : i32 to index
        %swap3A_877 = arith.constant 16 : index
        %swap3A_878 = tpu.vector_load %arg17[%swap3A_876, %swap3A_877] {strides = array<i32>} : memref<256x48xf32, #tpu.memory_space<vmem>>, vector<16xf32>,
        tpu.vector_store %arg17[%swap3A_876, %swap3A_877], %parallel_loop3A_869#1 {strides = array<i32>} : memref<256x48xf32, #tpu.memory_space<vmem>>, vector<16xf32>,
        %swap3A_879 = arith.index_cast %add3A_872 : i32 to index
        %swap3A_880 = arith.constant 32 : index
        %swap3A_881 = tpu.vector_load %arg17[%swap3A_879, %swap3A_880] {strides = array<i32>} : memref<256x48xf32, #tpu.memory_space<vmem>>, vector<16xf32>,
        tpu.vector_store %arg17[%swap3A_879, %swap3A_880], %parallel_loop3A_869#2 {strides = array<i32>} : memref<256x48xf32, #tpu.memory_space<vmem>>, vector<16xf32>,
      }
      %scan3A_764 = arith.constant 8 : i32
      %lt3A = arith.constant 15 : i32
      %lt3A_765 = arith.cmpi slt, %scan3A_587, %lt3A : i32
      %convert_element_type3A = arith.extui %lt3A_765 : i1 to i32
      %cond3A = arith.constant 0 : i32
      %cond3A_766 = arith.cmpi ne, %convert_element_type3A, %cond3A : i32
      scf.if %cond3A_766 {
        %add3A_860 = arith.constant 2 : i32
        %add3A_861 = arith.addi %mul3A_589, %add3A_860 : i32
        %mul3A_862 = arith.constant 8 : i32
        %mul3A_863 = arith.muli %add3A_861, %mul3A_862 : i32
        %add3A_864 = arith.addi %mul3A_2, %mul3A_863 : i32
        %dma_start3A_865 = arith.constant 0 : i32
        %dma_start3A_866 = arith.constant 0 : i32
        %dma_start3A_867 = arith.constant 0 : i32
        %dma_start3A_868 = tpu.memref_slice %arg9[%dma_start3A_865, %dma_start3A_866, %dma_start3A_867] : memref<2x8x512xf32, #tpu.memory_space<vmem>> -> memref<1x8x512xf32, #tpu.memory_space<vmem>>
        %dma_start3A_869 = tpu.memref_squeeze %dma_start3A_868 : memref<1x8x512xf32, #tpu.memory_space<vmem>> -> memref<8x512xf32, #tpu.memory_space<vmem>>
        %dma_start3A_870 = arith.constant 0 : i32
        %dma_start3A_871 = tpu.memref_slice %arg2[%add3A_864, %dma_start3A_870] : memref<8192x512xf32, #tpu.memory_space<hbm>> -> memref<8x512xf32, #tpu.memory_space<hbm>>
        %dma_start3A_872 = arith.constant 0 : i32
        %dma_start3A_873 = arith.constant 0 : i32
        %dma_start3A_874 = tpu.memref_slice %arg9[%dma_start3A_865, %dma_start3A_872, %dma_start3A_873] : memref<2x8x512xf32, #tpu.memory_space<vmem>> -> memref<1x8x512xf32, #tpu.memory_space<vmem>>
        %dma_start3A_875 = tpu.memref_squeeze %dma_start3A_874 : memref<1x8x512xf32, #tpu.memory_space<vmem>> -> memref<8x512xf32, #tpu.memory_space<vmem>>
        %dma_start3A_876 = arith.constant 0 : i32
        %dma_start3A_877 = tpu.memref_slice %arg2[%add3A_864, %dma_start3A_876] : memref<8192x512xf32, #tpu.memory_space<hbm>> -> memref<8x512xf32, #tpu.memory_space<hbm>>
        tpu.enqueue_dma source(%dma_start3A_877 : memref<8x512xf32, #tpu.memory_space<hbm>>) target(%dma_start3A_875 : memref<8x512xf32, #tpu.memory_space<vmem>>) target_semaphore(%arg18 : memref<!tpu.dma_semaphore, #tpu.memory_space<semaphore_mem>>)
        %dma_start3A_878 = arith.constant 0 : i32
        %dma_start3A_879 = arith.constant 0 : i32
        %dma_start3A_880 = arith.constant 0 : i32
        %dma_start3A_881 = tpu.memref_slice %arg10[%dma_start3A_878, %dma_start3A_879, %dma_start3A_880] : memref<2x8x512xf32, #tpu.memory_space<vmem>> -> memref<1x8x512xf32, #tpu.memory_space<vmem>>
        %dma_start3A_882 = tpu.memref_squeeze %dma_start3A_881 : memref<1x8x512xf32, #tpu.memory_space<vmem>> -> memref<8x512xf32, #tpu.memory_space<vmem>>
        %dma_start3A_883 = arith.constant 0 : i32
        %dma_start3A_884 = tpu.memref_slice %arg3[%add3A_864, %dma_start3A_883] : memref<8192x512xf32, #tpu.memory_space<hbm>> -> memref<8x512xf32, #tpu.memory_space<hbm>>
        %dma_start3A_885 = arith.constant 0 : i32
        %dma_start3A_886 = arith.constant 0 : i32
        %dma_start3A_887 = tpu.memref_slice %arg10[%dma_start3A_878, %dma_start3A_885, %dma_start3A_886] : memref<2x8x512xf32, #tpu.memory_space<vmem>> -> memref<1x8x512xf32, #tpu.memory_space<vmem>>
        %dma_start3A_888 = tpu.memref_squeeze %dma_start3A_887 : memref<1x8x512xf32, #tpu.memory_space<vmem>> -> memref<8x512xf32, #tpu.memory_space<vmem>>
        %dma_start3A_889 = arith.constant 0 : i32
        %dma_start3A_890 = tpu.memref_slice %arg3[%add3A_864, %dma_start3A_889] : memref<8192x512xf32, #tpu.memory_space<hbm>> -> memref<8x512xf32, #tpu.memory_space<hbm>>
        tpu.enqueue_dma source(%dma_start3A_890 : memref<8x512xf32, #tpu.memory_space<hbm>>) target(%dma_start3A_888 : memref<8x512xf32, #tpu.memory_space<vmem>>) target_semaphore(%arg18 : memref<!tpu.dma_semaphore, #tpu.memory_space<semaphore_mem>>)
        %dma_start3A_891 = arith.constant 0 : i32
        %dma_start3A_892 = arith.constant 0 : i32
        %dma_start3A_893 = arith.constant 0 : i32
        %dma_start3A_894 = tpu.memref_slice %arg11[%dma_start3A_891, %dma_start3A_892, %dma_start3A_893] : memref<2x8x512xf32, #tpu.memory_space<vmem>> -> memref<1x8x512xf32, #tpu.memory_space<vmem>>
        %dma_start3A_895 = tpu.memref_squeeze %dma_start3A_894 : memref<1x8x512xf32, #tpu.memory_space<vmem>> -> memref<8x512xf32, #tpu.memory_space<vmem>>
        %dma_start3A_896 = arith.constant 0 : i32
        %dma_start3A_897 = tpu.memref_slice %arg4[%add3A_864, %dma_start3A_896] : memref<8192x512xf32, #tpu.memory_space<hbm>> -> memref<8x512xf32, #tpu.memory_space<hbm>>
        %dma_start3A_898 = arith.constant 0 : i32
        %dma_start3A_899 = arith.constant 0 : i32
        %dma_start3A_900 = tpu.memref_slice %arg11[%dma_start3A_891, %dma_start3A_898, %dma_start3A_899] : memref<2x8x512xf32, #tpu.memory_space<vmem>> -> memref<1x8x512xf32, #tpu.memory_space<vmem>>
        %dma_start3A_901 = tpu.memref_squeeze %dma_start3A_900 : memref<1x8x512xf32, #tpu.memory_space<vmem>> -> memref<8x512xf32, #tpu.memory_space<vmem>>
        %dma_start3A_902 = arith.constant 0 : i32
        %dma_start3A_903 = tpu.memref_slice %arg4[%add3A_864, %dma_start3A_902] : memref<8192x512xf32, #tpu.memory_space<hbm>> -> memref<8x512xf32, #tpu.memory_space<hbm>>
        tpu.enqueue_dma source(%dma_start3A_903 : memref<8x512xf32, #tpu.memory_space<hbm>>) target(%dma_start3A_901 : memref<8x512xf32, #tpu.memory_space<vmem>>) target_semaphore(%arg18 : memref<!tpu.dma_semaphore, #tpu.memory_space<semaphore_mem>>)
        %dma_start3A_904 = arith.constant 0 : i32
        %dma_start3A_905 = arith.constant 0 : i32
        %dma_start3A_906 = arith.constant 0 : i32
        %dma_start3A_907 = tpu.memref_slice %arg12[%dma_start3A_904, %dma_start3A_905, %dma_start3A_906] : memref<2x8x512xf32, #tpu.memory_space<vmem>> -> memref<1x8x512xf32, #tpu.memory_space<vmem>>
        %dma_start3A_908 = tpu.memref_squeeze %dma_start3A_907 : memref<1x8x512xf32, #tpu.memory_space<vmem>> -> memref<8x512xf32, #tpu.memory_space<vmem>>
        %dma_start3A_909 = arith.constant 0 : i32
        %dma_start3A_910 = tpu.memref_slice %arg5[%add3A_864, %dma_start3A_909] : memref<8192x512xf32, #tpu.memory_space<hbm>> -> memref<8x512xf32, #tpu.memory_space<hbm>>
        %dma_start3A_911 = arith.constant 0 : i32
        %dma_start3A_912 = arith.constant 0 : i32
        %dma_start3A_913 = tpu.memref_slice %arg12[%dma_start3A_904, %dma_start3A_911, %dma_start3A_912] : memref<2x8x512xf32, #tpu.memory_space<vmem>> -> memref<1x8x512xf32, #tpu.memory_space<vmem>>
        %dma_start3A_914 = tpu.memref_squeeze %dma_start3A_913 : memref<1x8x512xf32, #tpu.memory_space<vmem>> -> memref<8x512xf32, #tpu.memory_space<vmem>>
        %dma_start3A_915 = arith.constant 0 : i32
        %dma_start3A_916 = tpu.memref_slice %arg5[%add3A_864, %dma_start3A_915] : memref<8192x512xf32, #tpu.memory_space<hbm>> -> memref<8x512xf32, #tpu.memory_space<hbm>>
        tpu.enqueue_dma source(%dma_start3A_916 : memref<8x512xf32, #tpu.memory_space<hbm>>) target(%dma_start3A_914 : memref<8x512xf32, #tpu.memory_space<vmem>>) target_semaphore(%arg18 : memref<!tpu.dma_semaphore, #tpu.memory_space<semaphore_mem>>)
        %dma_start3A_917 = arith.constant 0 : i32
        %dma_start3A_918 = arith.constant 0 : i32
        %dma_start3A_919 = arith.constant 0 : i32
        %dma_start3A_920 = tpu.memref_slice %arg13[%dma_start3A_917, %dma_start3A_918, %dma_start3A_919] : memref<2x8x512xf32, #tpu.memory_space<vmem>> -> memref<1x8x512xf32, #tpu.memory_space<vmem>>
        %dma_start3A_921 = tpu.memref_squeeze %dma_start3A_920 : memref<1x8x512xf32, #tpu.memory_space<vmem>> -> memref<8x512xf32, #tpu.memory_space<vmem>>
        %dma_start3A_922 = arith.constant 0 : i32
        %dma_start3A_923 = tpu.memref_slice %arg6[%add3A_864, %dma_start3A_922] : memref<8192x512xf32, #tpu.memory_space<hbm>> -> memref<8x512xf32, #tpu.memory_space<hbm>>
        %dma_start3A_924 = arith.constant 0 : i32
        %dma_start3A_925 = arith.constant 0 : i32
        %dma_start3A_926 = tpu.memref_slice %arg13[%dma_start3A_917, %dma_start3A_924, %dma_start3A_925] : memref<2x8x512xf32, #tpu.memory_space<vmem>> -> memref<1x8x512xf32, #tpu.memory_space<vmem>>
        %dma_start3A_927 = tpu.memref_squeeze %dma_start3A_926 : memref<1x8x512xf32, #tpu.memory_space<vmem>> -> memref<8x512xf32, #tpu.memory_space<vmem>>
        %dma_start3A_928 = arith.constant 0 : i32
        %dma_start3A_929 = tpu.memref_slice %arg6[%add3A_864, %dma_start3A_928] : memref<8192x512xf32, #tpu.memory_space<hbm>> -> memref<8x512xf32, #tpu.memory_space<hbm>>
        tpu.enqueue_dma source(%dma_start3A_929 : memref<8x512xf32, #tpu.memory_space<hbm>>) target(%dma_start3A_927 : memref<8x512xf32, #tpu.memory_space<vmem>>) target_semaphore(%arg18 : memref<!tpu.dma_semaphore, #tpu.memory_space<semaphore_mem>>)
        %dma_start3A_930 = arith.constant 0 : i32
        %dma_start3A_931 = arith.constant 0 : i32
        %dma_start3A_932 = arith.constant 0 : i32
        %dma_start3A_933 = tpu.memref_slice %arg14[%dma_start3A_930, %dma_start3A_931, %dma_start3A_932] : memref<2x8x512xf32, #tpu.memory_space<vmem>> -> memref<1x8x512xf32, #tpu.memory_space<vmem>>
        %dma_start3A_934 = tpu.memref_squeeze %dma_start3A_933 : memref<1x8x512xf32, #tpu.memory_space<vmem>> -> memref<8x512xf32, #tpu.memory_space<vmem>>
        %dma_start3A_935 = arith.constant 0 : i32
        %dma_start3A_936 = tpu.memref_slice %arg7[%add3A_864, %dma_start3A_935] : memref<8192x512xf32, #tpu.memory_space<hbm>> -> memref<8x512xf32, #tpu.memory_space<hbm>>
        %dma_start3A_937 = arith.constant 0 : i32
        %dma_start3A_938 = arith.constant 0 : i32
        %dma_start3A_939 = tpu.memref_slice %arg14[%dma_start3A_930, %dma_start3A_937, %dma_start3A_938] : memref<2x8x512xf32, #tpu.memory_space<vmem>> -> memref<1x8x512xf32, #tpu.memory_space<vmem>>
        %dma_start3A_940 = tpu.memref_squeeze %dma_start3A_939 : memref<1x8x512xf32, #tpu.memory_space<vmem>> -> memref<8x512xf32, #tpu.memory_space<vmem>>
        %dma_start3A_941 = arith.constant 0 : i32
        %dma_start3A_942 = tpu.memref_slice %arg7[%add3A_864, %dma_start3A_941] : memref<8192x512xf32, #tpu.memory_space<hbm>> -> memref<8x512xf32, #tpu.memory_space<hbm>>
        tpu.enqueue_dma source(%dma_start3A_942 : memref<8x512xf32, #tpu.memory_space<hbm>>) target(%dma_start3A_940 : memref<8x512xf32, #tpu.memory_space<vmem>>) target_semaphore(%arg18 : memref<!tpu.dma_semaphore, #tpu.memory_space<semaphore_mem>>)
      } else {
      }
      %mul3A_767 = arith.constant 8 : i32
      %mul3A_768 = arith.muli %add3A_591, %mul3A_767 : i32
      %add3A_769 = arith.addi %mul3A_2, %mul3A_768 : i32
      %dma_wait3A_770 = arith.constant 1 : i32
      %dma_wait3A_771 = arith.constant 0 : i32
      %dma_wait3A_772 = arith.constant 0 : i32
      %dma_wait3A_773 = tpu.memref_slice %arg9[%dma_wait3A_770, %dma_wait3A_771, %dma_wait3A_772] : memref<2x8x512xf32, #tpu.memory_space<vmem>> -> memref<1x8x512xf32, #tpu.memory_space<vmem>>
      %dma_wait3A_774 = tpu.memref_squeeze %dma_wait3A_773 : memref<1x8x512xf32, #tpu.memory_space<vmem>> -> memref<8x512xf32, #tpu.memory_space<vmem>>
      %dma_wait3A_775 = arith.constant 0 : i32
      %dma_wait3A_776 = tpu.memref_slice %arg2[%add3A_769, %dma_wait3A_775] : memref<8192x512xf32, #tpu.memory_space<hbm>> -> memref<8x512xf32, #tpu.memory_space<hbm>>
      %dma_wait3A_777 = arith.constant 0 : i32
      %dma_wait3A_778 = arith.constant 0 : i32
      %dma_wait3A_779 = tpu.memref_slice %arg9[%dma_wait3A_770, %dma_wait3A_777, %dma_wait3A_778] : memref<2x8x512xf32, #tpu.memory_space<vmem>> -> memref<1x8x512xf32, #tpu.memory_space<vmem>>
      %dma_wait3A_780 = tpu.memref_squeeze %dma_wait3A_779 : memref<1x8x512xf32, #tpu.memory_space<vmem>> -> memref<8x512xf32, #tpu.memory_space<vmem>>
      %dma_wait3A_781 = arith.constant 0 : i32
      %dma_wait3A_782 = tpu.memref_slice %arg2[%add3A_769, %dma_wait3A_781] : memref<8192x512xf32, #tpu.memory_space<hbm>> -> memref<8x512xf32, #tpu.memory_space<hbm>>
      tpu.wait_dma2 semaphore(%arg19 : memref<!tpu.dma_semaphore, #tpu.memory_space<semaphore_mem>>) src(%dma_wait3A_782 : memref<8x512xf32, #tpu.memory_space<hbm>>) dst(%dma_wait3A_780 : memref<8x512xf32, #tpu.memory_space<vmem>>)
      %dma_wait3A_783 = arith.constant 1 : i32
      %dma_wait3A_784 = arith.constant 0 : i32
      %dma_wait3A_785 = arith.constant 0 : i32
      %dma_wait3A_786 = tpu.memref_slice %arg10[%dma_wait3A_783, %dma_wait3A_784, %dma_wait3A_785] : memref<2x8x512xf32, #tpu.memory_space<vmem>> -> memref<1x8x512xf32, #tpu.memory_space<vmem>>
      %dma_wait3A_787 = tpu.memref_squeeze %dma_wait3A_786 : memref<1x8x512xf32, #tpu.memory_space<vmem>> -> memref<8x512xf32, #tpu.memory_space<vmem>>
      %dma_wait3A_788 = arith.constant 0 : i32
      %dma_wait3A_789 = tpu.memref_slice %arg3[%add3A_769, %dma_wait3A_788] : memref<8192x512xf32, #tpu.memory_space<hbm>> -> memref<8x512xf32, #tpu.memory_space<hbm>>
      %dma_wait3A_790 = arith.constant 0 : i32
      %dma_wait3A_791 = arith.constant 0 : i32
      %dma_wait3A_792 = tpu.memref_slice %arg10[%dma_wait3A_783, %dma_wait3A_790, %dma_wait3A_791] : memref<2x8x512xf32, #tpu.memory_space<vmem>> -> memref<1x8x512xf32, #tpu.memory_space<vmem>>
      %dma_wait3A_793 = tpu.memref_squeeze %dma_wait3A_792 : memref<1x8x512xf32, #tpu.memory_space<vmem>> -> memref<8x512xf32, #tpu.memory_space<vmem>>
      %dma_wait3A_794 = arith.constant 0 : i32
      %dma_wait3A_795 = tpu.memref_slice %arg3[%add3A_769, %dma_wait3A_794] : memref<8192x512xf32, #tpu.memory_space<hbm>> -> memref<8x512xf32, #tpu.memory_space<hbm>>
      tpu.wait_dma2 semaphore(%arg19 : memref<!tpu.dma_semaphore, #tpu.memory_space<semaphore_mem>>) src(%dma_wait3A_795 : memref<8x512xf32, #tpu.memory_space<hbm>>) dst(%dma_wait3A_793 : memref<8x512xf32, #tpu.memory_space<vmem>>)
      %dma_wait3A_796 = arith.constant 1 : i32
      %dma_wait3A_797 = arith.constant 0 : i32
      %dma_wait3A_798 = arith.constant 0 : i32
      %dma_wait3A_799 = tpu.memref_slice %arg11[%dma_wait3A_796, %dma_wait3A_797, %dma_wait3A_798] : memref<2x8x512xf32, #tpu.memory_space<vmem>> -> memref<1x8x512xf32, #tpu.memory_space<vmem>>
      %dma_wait3A_800 = tpu.memref_squeeze %dma_wait3A_799 : memref<1x8x512xf32, #tpu.memory_space<vmem>> -> memref<8x512xf32, #tpu.memory_space<vmem>>
      %dma_wait3A_801 = arith.constant 0 : i32
      %dma_wait3A_802 = tpu.memref_slice %arg4[%add3A_769, %dma_wait3A_801] : memref<8192x512xf32, #tpu.memory_space<hbm>> -> memref<8x512xf32, #tpu.memory_space<hbm>>
      %dma_wait3A_803 = arith.constant 0 : i32
      %dma_wait3A_804 = arith.constant 0 : i32
      %dma_wait3A_805 = tpu.memref_slice %arg11[%dma_wait3A_796, %dma_wait3A_803, %dma_wait3A_804] : memref<2x8x512xf32, #tpu.memory_space<vmem>> -> memref<1x8x512xf32, #tpu.memory_space<vmem>>
      %dma_wait3A_806 = tpu.memref_squeeze %dma_wait3A_805 : memref<1x8x512xf32, #tpu.memory_space<vmem>> -> memref<8x512xf32, #tpu.memory_space<vmem>>
      %dma_wait3A_807 = arith.constant 0 : i32
      %dma_wait3A_808 = tpu.memref_slice %arg4[%add3A_769, %dma_wait3A_807] : memref<8192x512xf32, #tpu.memory_space<hbm>> -> memref<8x512xf32, #tpu.memory_space<hbm>>
      tpu.wait_dma2 semaphore(%arg19 : memref<!tpu.dma_semaphore, #tpu.memory_space<semaphore_mem>>) src(%dma_wait3A_808 : memref<8x512xf32, #tpu.memory_space<hbm>>) dst(%dma_wait3A_806 : memref<8x512xf32, #tpu.memory_space<vmem>>)
      %dma_wait3A_809 = arith.constant 1 : i32
      %dma_wait3A_810 = arith.constant 0 : i32
      %dma_wait3A_811 = arith.constant 0 : i32
      %dma_wait3A_812 = tpu.memref_slice %arg12[%dma_wait3A_809, %dma_wait3A_810, %dma_wait3A_811] : memref<2x8x512xf32, #tpu.memory_space<vmem>> -> memref<1x8x512xf32, #tpu.memory_space<vmem>>
      %dma_wait3A_813 = tpu.memref_squeeze %dma_wait3A_812 : memref<1x8x512xf32, #tpu.memory_space<vmem>> -> memref<8x512xf32, #tpu.memory_space<vmem>>
      %dma_wait3A_814 = arith.constant 0 : i32
      %dma_wait3A_815 = tpu.memref_slice %arg5[%add3A_769, %dma_wait3A_814] : memref<8192x512xf32, #tpu.memory_space<hbm>> -> memref<8x512xf32, #tpu.memory_space<hbm>>
      %dma_wait3A_816 = arith.constant 0 : i32
      %dma_wait3A_817 = arith.constant 0 : i32
      %dma_wait3A_818 = tpu.memref_slice %arg12[%dma_wait3A_809, %dma_wait3A_816, %dma_wait3A_817] : memref<2x8x512xf32, #tpu.memory_space<vmem>> -> memref<1x8x512xf32, #tpu.memory_space<vmem>>
      %dma_wait3A_819 = tpu.memref_squeeze %dma_wait3A_818 : memref<1x8x512xf32, #tpu.memory_space<vmem>> -> memref<8x512xf32, #tpu.memory_space<vmem>>
      %dma_wait3A_820 = arith.constant 0 : i32
      %dma_wait3A_821 = tpu.memref_slice %arg5[%add3A_769, %dma_wait3A_820] : memref<8192x512xf32, #tpu.memory_space<hbm>> -> memref<8x512xf32, #tpu.memory_space<hbm>>
      tpu.wait_dma2 semaphore(%arg19 : memref<!tpu.dma_semaphore, #tpu.memory_space<semaphore_mem>>) src(%dma_wait3A_821 : memref<8x512xf32, #tpu.memory_space<hbm>>) dst(%dma_wait3A_819 : memref<8x512xf32, #tpu.memory_space<vmem>>)
      %dma_wait3A_822 = arith.constant 1 : i32
      %dma_wait3A_823 = arith.constant 0 : i32
      %dma_wait3A_824 = arith.constant 0 : i32
      %dma_wait3A_825 = tpu.memref_slice %arg13[%dma_wait3A_822, %dma_wait3A_823, %dma_wait3A_824] : memref<2x8x512xf32, #tpu.memory_space<vmem>> -> memref<1x8x512xf32, #tpu.memory_space<vmem>>
      %dma_wait3A_826 = tpu.memref_squeeze %dma_wait3A_825 : memref<1x8x512xf32, #tpu.memory_space<vmem>> -> memref<8x512xf32, #tpu.memory_space<vmem>>
      %dma_wait3A_827 = arith.constant 0 : i32
      %dma_wait3A_828 = tpu.memref_slice %arg6[%add3A_769, %dma_wait3A_827] : memref<8192x512xf32, #tpu.memory_space<hbm>> -> memref<8x512xf32, #tpu.memory_space<hbm>>
      %dma_wait3A_829 = arith.constant 0 : i32
      %dma_wait3A_830 = arith.constant 0 : i32
      %dma_wait3A_831 = tpu.memref_slice %arg13[%dma_wait3A_822, %dma_wait3A_829, %dma_wait3A_830] : memref<2x8x512xf32, #tpu.memory_space<vmem>> -> memref<1x8x512xf32, #tpu.memory_space<vmem>>
      %dma_wait3A_832 = tpu.memref_squeeze %dma_wait3A_831 : memref<1x8x512xf32, #tpu.memory_space<vmem>> -> memref<8x512xf32, #tpu.memory_space<vmem>>
      %dma_wait3A_833 = arith.constant 0 : i32
      %dma_wait3A_834 = tpu.memref_slice %arg6[%add3A_769, %dma_wait3A_833] : memref<8192x512xf32, #tpu.memory_space<hbm>> -> memref<8x512xf32, #tpu.memory_space<hbm>>
      tpu.wait_dma2 semaphore(%arg19 : memref<!tpu.dma_semaphore, #tpu.memory_space<semaphore_mem>>) src(%dma_wait3A_834 : memref<8x512xf32, #tpu.memory_space<hbm>>) dst(%dma_wait3A_832 : memref<8x512xf32, #tpu.memory_space<vmem>>)
      %dma_wait3A_835 = arith.constant 1 : i32
      %dma_wait3A_836 = arith.constant 0 : i32
      %dma_wait3A_837 = arith.constant 0 : i32
      %dma_wait3A_838 = tpu.memref_slice %arg14[%dma_wait3A_835, %dma_wait3A_836, %dma_wait3A_837] : memref<2x8x512xf32, #tpu.memory_space<vmem>> -> memref<1x8x512xf32, #tpu.memory_space<vmem>>
      %dma_wait3A_839 = tpu.memref_squeeze %dma_wait3A_838 : memref<1x8x512xf32, #tpu.memory_space<vmem>> -> memref<8x512xf32, #tpu.memory_space<vmem>>
      %dma_wait3A_840 = arith.constant 0 : i32
      %dma_wait3A_841 = tpu.memref_slice %arg7[%add3A_769, %dma_wait3A_840] : memref<8192x512xf32, #tpu.memory_space<hbm>> -> memref<8x512xf32, #tpu.memory_space<hbm>>
      %dma_wait3A_842 = arith.constant 0 : i32
      %dma_wait3A_843 = arith.constant 0 : i32
      %dma_wait3A_844 = tpu.memref_slice %arg14[%dma_wait3A_835, %dma_wait3A_842, %dma_wait3A_843] : memref<2x8x512xf32, #tpu.memory_space<vmem>> -> memref<1x8x512xf32, #tpu.memory_space<vmem>>
      %dma_wait3A_845 = tpu.memref_squeeze %dma_wait3A_844 : memref<1x8x512xf32, #tpu.memory_space<vmem>> -> memref<8x512xf32, #tpu.memory_space<vmem>>
      %dma_wait3A_846 = arith.constant 0 : i32
      %dma_wait3A_847 = tpu.memref_slice %arg7[%add3A_769, %dma_wait3A_846] : memref<8192x512xf32, #tpu.memory_space<hbm>> -> memref<8x512xf32, #tpu.memory_space<hbm>>
      tpu.wait_dma2 semaphore(%arg19 : memref<!tpu.dma_semaphore, #tpu.memory_space<semaphore_mem>>) src(%dma_wait3A_847 : memref<8x512xf32, #tpu.memory_space<hbm>>) dst(%dma_wait3A_845 : memref<8x512xf32, #tpu.memory_space<vmem>>)
      %scan3A_848 = arith.constant 0 : i32
      %scan3A_849 = arith.constant 1 : i32
      %scan3A_850 = arith.constant 1 : i32
      %scan3A_851 = arith.constant 1 : i32
      %scan3A_852 = arith.constant 1 : i32
      %scan3A_853 = arith.constant 1 : i32
      %scan3A_854 = arith.constant 1 : i32
      %scan3A_855 = arith.constant 0 : i32
      %scan3A_856 = arith.constant 8 : i32
      %scan3A_857 = arith.addi %scan3A_855, %scan3A_856 : i32
      %scan3A_858 = arith.constant 1 : i32
      scf.for %scan3A_860 = %scan3A_855 to %scan3A_857 step %scan3A_858  : i32 {
        %parallel_loop3A = arith.constant 0 : i32
        %parallel_loop3A_861 = arith.constant 512 : i32
        %parallel_loop3A_862 = arith.constant 16 : i32
        scf.for %parallel_loop3A_882 = %parallel_loop3A to %parallel_loop3A_861 step %parallel_loop3A_862  : i32 {
          %parallel_loop3A_883 = arith.constant 0 : i32
          %parallel_loop3A_884 = arith.constant 0 : i32
          %parallel_loop3A_885 = tpu.memref_slice %arg9[%scan3A_849, %parallel_loop3A_883, %parallel_loop3A_884] : memref<2x8x512xf32, #tpu.memory_space<vmem>> -> memref<1x8x512xf32, #tpu.memory_space<vmem>>
          %parallel_loop3A_886 = tpu.memref_squeeze %parallel_loop3A_885 : memref<1x8x512xf32, #tpu.memory_space<vmem>> -> memref<8x512xf32, #tpu.memory_space<vmem>>
          %parallel_loop3A_887 = arith.index_cast %scan3A_860 : i32 to index
          %parallel_loop3A_888 = arith.index_cast %parallel_loop3A_882 : i32 to index
          %parallel_loop3A_889 = tpu.vector_load %parallel_loop3A_886[%parallel_loop3A_887, %parallel_loop3A_888] {strides = array<i32>} : memref<8x512xf32, #tpu.memory_space<vmem>>, vector<16xf32>,
          %parallel_loop3A_890 = arith.constant 2.000000e+03 : f32
          %parallel_loop3A_891 = vector.broadcast %parallel_loop3A_890 : f32 to vector<16xf32>
          %parallel_loop3A_892 = arith.mulf %parallel_loop3A_889, %parallel_loop3A_891 : vector<16xf32>
          %parallel_loop3A_893 = arith.fptosi %parallel_loop3A_892 : vector<16xf32> to vector<16xi32>
          %parallel_loop3A_894 = arith.constant 0 : i32
          %parallel_loop3A_895 = arith.constant 1999 : i32
          %parallel_loop3A_896 = vector.broadcast %parallel_loop3A_894 : i32 to vector<16xi32>
          %parallel_loop3A_897 = arith.maxsi %parallel_loop3A_896, %parallel_loop3A_893 : vector<16xi32>
          %parallel_loop3A_898 = vector.broadcast %parallel_loop3A_895 : i32 to vector<16xi32>
          %parallel_loop3A_899 = arith.minsi %parallel_loop3A_898, %parallel_loop3A_897 : vector<16xi32>
          %parallel_loop3A_900 = arith.constant 0 : i32
          %parallel_loop3A_901 = arith.constant 0 : i32
          %parallel_loop3A_902 = tpu.memref_slice %arg10[%scan3A_850, %parallel_loop3A_900, %parallel_loop3A_901] : memref<2x8x512xf32, #tpu.memory_space<vmem>> -> memref<1x8x512xf32, #tpu.memory_space<vmem>>
          %parallel_loop3A_903 = tpu.memref_squeeze %parallel_loop3A_902 : memref<1x8x512xf32, #tpu.memory_space<vmem>> -> memref<8x512xf32, #tpu.memory_space<vmem>>
          %parallel_loop3A_904 = arith.index_cast %scan3A_860 : i32 to index
          %parallel_loop3A_905 = arith.index_cast %parallel_loop3A_882 : i32 to index
          %parallel_loop3A_906 = tpu.vector_load %parallel_loop3A_903[%parallel_loop3A_904, %parallel_loop3A_905] {strides = array<i32>} : memref<8x512xf32, #tpu.memory_space<vmem>>, vector<16xf32>,
          %parallel_loop3A_907 = arith.constant 0 : i32
          %parallel_loop3A_908 = arith.constant 0 : i32
          %parallel_loop3A_909 = tpu.memref_slice %arg11[%scan3A_851, %parallel_loop3A_907, %parallel_loop3A_908] : memref<2x8x512xf32, #tpu.memory_space<vmem>> -> memref<1x8x512xf32, #tpu.memory_space<vmem>>
          %parallel_loop3A_910 = tpu.memref_squeeze %parallel_loop3A_909 : memref<1x8x512xf32, #tpu.memory_space<vmem>> -> memref<8x512xf32, #tpu.memory_space<vmem>>
          %parallel_loop3A_911 = arith.index_cast %scan3A_860 : i32 to index
          %parallel_loop3A_912 = arith.index_cast %parallel_loop3A_882 : i32 to index
          %parallel_loop3A_913 = tpu.vector_load %parallel_loop3A_910[%parallel_loop3A_911, %parallel_loop3A_912] {strides = array<i32>} : memref<8x512xf32, #tpu.memory_space<vmem>>, vector<16xf32>,
          %parallel_loop3A_914 = arith.mulf %parallel_loop3A_906, %parallel_loop3A_913 : vector<16xf32>
          tpu.vector_store_idx %arg15[%parallel_loop3A_899], %parallel_loop3A_914 {add = true} : memref<2000xf32, #tpu.memory_space<vmem>>[vector<16xi32>], vector<16xf32>,
        } {sc.loop_unroll_factor = 8 : i64, sc.parallel_access}
        %parallel_loop3A_863 = arith.constant 0 : i32
        %parallel_loop3A_864 = arith.constant 512 : i32
        %parallel_loop3A_865 = arith.constant 16 : i32
        scf.for %parallel_loop3A_882 = %parallel_loop3A_863 to %parallel_loop3A_864 step %parallel_loop3A_865  : i32 {
          %parallel_loop3A_883 = arith.constant 0 : i32
          %parallel_loop3A_884 = arith.constant 0 : i32
          %parallel_loop3A_885 = tpu.memref_slice %arg12[%scan3A_852, %parallel_loop3A_883, %parallel_loop3A_884] : memref<2x8x512xf32, #tpu.memory_space<vmem>> -> memref<1x8x512xf32, #tpu.memory_space<vmem>>
          %parallel_loop3A_886 = tpu.memref_squeeze %parallel_loop3A_885 : memref<1x8x512xf32, #tpu.memory_space<vmem>> -> memref<8x512xf32, #tpu.memory_space<vmem>>
          %parallel_loop3A_887 = arith.index_cast %scan3A_860 : i32 to index
          %parallel_loop3A_888 = arith.index_cast %parallel_loop3A_882 : i32 to index
          %parallel_loop3A_889 = tpu.vector_load %parallel_loop3A_886[%parallel_loop3A_887, %parallel_loop3A_888] {strides = array<i32>} : memref<8x512xf32, #tpu.memory_space<vmem>>, vector<16xf32>,
          %parallel_loop3A_890 = arith.constant 2.000000e+03 : f32
          %parallel_loop3A_891 = vector.broadcast %parallel_loop3A_890 : f32 to vector<16xf32>
          %parallel_loop3A_892 = arith.mulf %parallel_loop3A_889, %parallel_loop3A_891 : vector<16xf32>
          %parallel_loop3A_893 = arith.fptosi %parallel_loop3A_892 : vector<16xf32> to vector<16xi32>
          %parallel_loop3A_894 = arith.constant 0 : i32
          %parallel_loop3A_895 = arith.constant 1999 : i32
          %parallel_loop3A_896 = vector.broadcast %parallel_loop3A_894 : i32 to vector<16xi32>
          %parallel_loop3A_897 = arith.maxsi %parallel_loop3A_896, %parallel_loop3A_893 : vector<16xi32>
          %parallel_loop3A_898 = vector.broadcast %parallel_loop3A_895 : i32 to vector<16xi32>
          %parallel_loop3A_899 = arith.minsi %parallel_loop3A_898, %parallel_loop3A_897 : vector<16xi32>
          %parallel_loop3A_900 = arith.constant 0 : i32
          %parallel_loop3A_901 = arith.constant 0 : i32
          %parallel_loop3A_902 = tpu.memref_slice %arg13[%scan3A_853, %parallel_loop3A_900, %parallel_loop3A_901] : memref<2x8x512xf32, #tpu.memory_space<vmem>> -> memref<1x8x512xf32, #tpu.memory_space<vmem>>
          %parallel_loop3A_903 = tpu.memref_squeeze %parallel_loop3A_902 : memref<1x8x512xf32, #tpu.memory_space<vmem>> -> memref<8x512xf32, #tpu.memory_space<vmem>>
          %parallel_loop3A_904 = arith.index_cast %scan3A_860 : i32 to index
          %parallel_loop3A_905 = arith.index_cast %parallel_loop3A_882 : i32 to index
          %parallel_loop3A_906 = tpu.vector_load %parallel_loop3A_903[%parallel_loop3A_904, %parallel_loop3A_905] {strides = array<i32>} : memref<8x512xf32, #tpu.memory_space<vmem>>, vector<16xf32>,
          %parallel_loop3A_907 = arith.constant 0 : i32
          %parallel_loop3A_908 = arith.constant 0 : i32
          %parallel_loop3A_909 = tpu.memref_slice %arg14[%scan3A_854, %parallel_loop3A_907, %parallel_loop3A_908] : memref<2x8x512xf32, #tpu.memory_space<vmem>> -> memref<1x8x512xf32, #tpu.memory_space<vmem>>
          %parallel_loop3A_910 = tpu.memref_squeeze %parallel_loop3A_909 : memref<1x8x512xf32, #tpu.memory_space<vmem>> -> memref<8x512xf32, #tpu.memory_space<vmem>>
          %parallel_loop3A_911 = arith.index_cast %scan3A_860 : i32 to index
          %parallel_loop3A_912 = arith.index_cast %parallel_loop3A_882 : i32 to index
          %parallel_loop3A_913 = tpu.vector_load %parallel_loop3A_910[%parallel_loop3A_911, %parallel_loop3A_912] {strides = array<i32>} : memref<8x512xf32, #tpu.memory_space<vmem>>, vector<16xf32>,
          %parallel_loop3A_914 = arith.mulf %parallel_loop3A_906, %parallel_loop3A_913 : vector<16xf32>
          tpu.vector_store_idx %arg16[%parallel_loop3A_899], %parallel_loop3A_914 {add = true} : memref<2000xf32, #tpu.memory_space<vmem>>[vector<16xi32>], vector<16xf32>,
        } {sc.loop_unroll_factor = 8 : i64, sc.parallel_access}
        %parallel_loop3A_866 = arith.constant 0 : i32
        %parallel_loop3A_867 = arith.constant 2000 : i32
        %parallel_loop3A_868 = arith.constant 16 : i32
        %parallel_loop3A_869:3 = scf.for %parallel_loop3A_882 = %parallel_loop3A_866 to %parallel_loop3A_867 step %parallel_loop3A_868 iter_args(%parallel_loop3A_883 = %broadcast_in_dim3A_3, %parallel_loop3A_884 = %broadcast_in_dim3A_3, %parallel_loop3A_885 = %broadcast_in_dim3A_3) -> (vector<16xf32>, vector<16xf32>, vector<16xf32>)  : i32 {
          %parallel_loop3A_886 = arith.index_cast %parallel_loop3A_882 : i32 to index
          %parallel_loop3A_887 = tpu.vector_load %arg15[%parallel_loop3A_886] {strides = array<i32>} : memref<2000xf32, #tpu.memory_space<vmem>>, vector<16xf32>,
          %parallel_loop3A_888 = arith.index_cast %parallel_loop3A_882 : i32 to index
          %parallel_loop3A_889 = tpu.vector_load %arg16[%parallel_loop3A_888] {strides = array<i32>} : memref<2000xf32, #tpu.memory_space<vmem>>, vector<16xf32>,
          %parallel_loop3A_890 = arith.mulf %parallel_loop3A_887, %parallel_loop3A_887 : vector<16xf32>
          %parallel_loop3A_891 = arith.addf %parallel_loop3A_883, %parallel_loop3A_890 : vector<16xf32>
          %parallel_loop3A_892 = arith.mulf %parallel_loop3A_889, %parallel_loop3A_889 : vector<16xf32>
          %parallel_loop3A_893 = arith.addf %parallel_loop3A_884, %parallel_loop3A_892 : vector<16xf32>
          %parallel_loop3A_894 = arith.mulf %parallel_loop3A_887, %parallel_loop3A_889 : vector<16xf32>
          %parallel_loop3A_895 = arith.addf %parallel_loop3A_885, %parallel_loop3A_894 : vector<16xf32>
          %parallel_loop3A_896 = arith.index_cast %parallel_loop3A_882 : i32 to index
          %parallel_loop3A_897 = tpu.vector_load %arg15[%parallel_loop3A_896] {strides = array<i32>} : memref<2000xf32, #tpu.memory_space<vmem>>, vector<16xf32>,
          tpu.vector_store %arg15[%parallel_loop3A_896], %broadcast_in_dim3A_3 {strides = array<i32>} : memref<2000xf32, #tpu.memory_space<vmem>>, vector<16xf32>,
          %parallel_loop3A_898 = arith.index_cast %parallel_loop3A_882 : i32 to index
          %parallel_loop3A_899 = tpu.vector_load %arg16[%parallel_loop3A_898] {strides = array<i32>} : memref<2000xf32, #tpu.memory_space<vmem>>, vector<16xf32>,
          tpu.vector_store %arg16[%parallel_loop3A_898], %broadcast_in_dim3A_3 {strides = array<i32>} : memref<2000xf32, #tpu.memory_space<vmem>>, vector<16xf32>,
          scf.yield %parallel_loop3A_891, %parallel_loop3A_893, %parallel_loop3A_895 : vector<16xf32>, vector<16xf32>, vector<16xf32>
        } {sc.loop_unroll_factor = 8 : i64, sc.parallel_access}
        %mul3A_870 = arith.constant 8 : i32
        %mul3A_871 = arith.muli %add3A_591, %mul3A_870 : i32
        %add3A_872 = arith.addi %mul3A_871, %scan3A_860 : i32
        %swap3A_873 = arith.index_cast %add3A_872 : i32 to index
        %swap3A_874 = arith.constant 0 : index
        %swap3A_875 = tpu.vector_load %arg17[%swap3A_873, %swap3A_874] {strides = array<i32>} : memref<256x48xf32, #tpu.memory_space<vmem>>, vector<16xf32>,
        tpu.vector_store %arg17[%swap3A_873, %swap3A_874], %parallel_loop3A_869#0 {strides = array<i32>} : memref<256x48xf32, #tpu.memory_space<vmem>>, vector<16xf32>,
        %swap3A_876 = arith.index_cast %add3A_872 : i32 to index
        %swap3A_877 = arith.constant 16 : index
        %swap3A_878 = tpu.vector_load %arg17[%swap3A_876, %swap3A_877] {strides = array<i32>} : memref<256x48xf32, #tpu.memory_space<vmem>>, vector<16xf32>,
        tpu.vector_store %arg17[%swap3A_876, %swap3A_877], %parallel_loop3A_869#1 {strides = array<i32>} : memref<256x48xf32, #tpu.memory_space<vmem>>, vector<16xf32>,
        %swap3A_879 = arith.index_cast %add3A_872 : i32 to index
        %swap3A_880 = arith.constant 32 : index
        %swap3A_881 = tpu.vector_load %arg17[%swap3A_879, %swap3A_880] {strides = array<i32>} : memref<256x48xf32, #tpu.memory_space<vmem>>, vector<16xf32>,
        tpu.vector_store %arg17[%swap3A_879, %swap3A_880], %parallel_loop3A_869#2 {strides = array<i32>} : memref<256x48xf32, #tpu.memory_space<vmem>>, vector<16xf32>,
      }
      %scan3A_859 = arith.constant 8 : i32
    }
    %scan3A_586 = arith.constant 16 : i32
    "tpu.region"() ({
      %run_scoped3A = tpu.sem_alloc : memref<!tpu.dma_semaphore, #tpu.memory_space<semaphore_mem>>
      %dma_start3A_587 = arith.constant 0 : i32
      %dma_start3A_588 = tpu.memref_slice %arg8[%mul3A_2, %dma_start3A_587] : memref<8192x48xf32, #tpu.memory_space<hbm>> -> memref<256x48xf32, #tpu.memory_space<hbm>>
      %dma_start3A_589 = arith.constant 0 : i32
      %dma_start3A_590 = tpu.memref_slice %arg8[%mul3A_2, %dma_start3A_589] : memref<8192x48xf32, #tpu.memory_space<hbm>> -> memref<256x48xf32, #tpu.memory_space<hbm>>
      tpu.enqueue_dma source(%arg17 : memref<256x48xf32, #tpu.memory_space<vmem>>) target(%dma_start3A_590 : memref<256x48xf32, #tpu.memory_space<hbm>>) target_semaphore(%run_scoped3A : memref<!tpu.dma_semaphore, #tpu.memory_space<semaphore_mem>>)
      %dma_wait3A = arith.constant 0 : i32
      %dma_wait3A_591 = tpu.memref_slice %arg8[%mul3A_2, %dma_wait3A] : memref<8192x48xf32, #tpu.memory_space<hbm>> -> memref<256x48xf32, #tpu.memory_space<hbm>>
      %dma_wait3A_592 = arith.constant 0 : i32
      %dma_wait3A_593 = tpu.memref_slice %arg8[%mul3A_2, %dma_wait3A_592] : memref<8192x48xf32, #tpu.memory_space<hbm>> -> memref<256x48xf32, #tpu.memory_space<hbm>>
      tpu.wait_dma2 semaphore(%run_scoped3A : memref<!tpu.dma_semaphore, #tpu.memory_space<semaphore_mem>>) src(%arg17 : memref<256x48xf32, #tpu.memory_space<vmem>>) dst(%dma_wait3A_593 : memref<256x48xf32, #tpu.memory_space<hbm>>)
      tpu.yield
    }) : () -> ()
    return
  }
}

module attributes {stable_mosaic.version = 14 : i64} {
  func.func @_tc_finish_body(%arg0: memref<8192x48xf32, #tpu.memory_space<vmem>>, %arg1: memref<1x1xf32, #tpu.memory_space<smem>>) attributes {dimension_semantics = [], scalar_prefetch = 0 : i64, scratch_operands = 0 : i64, tpu.core_type = #tpu.core_type<tc>} {
    %get3A = arith.constant 0 : index
    %get3A_0 = arith.constant 0 : index
    %get3A_1 = vector.load %arg0[%get3A, %get3A_0] : memref<8192x48xf32, #tpu.memory_space<vmem>>, vector<8192x48xf32>
    %slice3A = vector.extract_strided_slice %get3A_1 {offsets = [0, 0], sizes = [8192, 16], strides = [1, 1]} : vector<8192x48xf32> to vector<8192x16xf32>
    %reduce_sum3A = arith.constant dense<0.000000e+00> : vector<8192xf32>
    %reduce_sum3A_2 = vector.multi_reduction <add>, %slice3A, %reduce_sum3A [1] : vector<8192x16xf32> to vector<8192xf32>
    %broadcast_in_dim3A = vector.shape_cast %reduce_sum3A_2 : vector<8192xf32> to vector<8192x1xf32>
    %slice3A_3 = vector.extract_strided_slice %get3A_1 {offsets = [0, 16], sizes = [8192, 16], strides = [1, 1]} : vector<8192x48xf32> to vector<8192x16xf32>
    %reduce_sum3A_4 = arith.constant dense<0.000000e+00> : vector<8192xf32>
    %reduce_sum3A_5 = vector.multi_reduction <add>, %slice3A_3, %reduce_sum3A_4 [1] : vector<8192x16xf32> to vector<8192xf32>
    %broadcast_in_dim3A_6 = vector.shape_cast %reduce_sum3A_5 : vector<8192xf32> to vector<8192x1xf32>
    %slice3A_7 = vector.extract_strided_slice %get3A_1 {offsets = [0, 32], sizes = [8192, 16], strides = [1, 1]} : vector<8192x48xf32> to vector<8192x16xf32>
    %reduce_sum3A_8 = arith.constant dense<0.000000e+00> : vector<8192xf32>
    %reduce_sum3A_9 = vector.multi_reduction <add>, %slice3A_7, %reduce_sum3A_8 [1] : vector<8192x16xf32> to vector<8192xf32>
    %broadcast_in_dim3A_10 = vector.shape_cast %reduce_sum3A_9 : vector<8192xf32> to vector<8192x1xf32>
    %sqrt3A = math.sqrt %broadcast_in_dim3A : vector<8192x1xf32>
    %sqrt3A_11 = math.sqrt %broadcast_in_dim3A_6 : vector<8192x1xf32>
    %add3A = arith.constant 9.99999993E-9 : f32
    %add3A_12 = vector.broadcast %add3A : f32 to vector<8192x1xf32>
    %add3A_13 = arith.addf %sqrt3A, %add3A_12 : vector<8192x1xf32>
    %add3A_14 = arith.constant 9.99999993E-9 : f32
    %add3A_15 = vector.broadcast %add3A_14 : f32 to vector<8192x1xf32>
    %add3A_16 = arith.addf %sqrt3A_11, %add3A_15 : vector<8192x1xf32>
    %div3A = arith.divf %sqrt3A, %add3A_13 : vector<8192x1xf32>
    %max3A = arith.constant 9.99999993E-9 : f32
    %max3A_17 = vector.broadcast %max3A : f32 to vector<8192x1xf32>
    %max3A_18 = arith.maximumf %div3A, %max3A_17 : vector<8192x1xf32>
    %div3A_19 = arith.divf %sqrt3A_11, %add3A_16 : vector<8192x1xf32>
    %max3A_20 = arith.constant 9.99999993E-9 : f32
    %max3A_21 = vector.broadcast %max3A_20 : f32 to vector<8192x1xf32>
    %max3A_22 = arith.maximumf %div3A_19, %max3A_21 : vector<8192x1xf32>
    %mul3A = arith.mulf %add3A_13, %add3A_16 : vector<8192x1xf32>
    %div3A_23 = arith.divf %broadcast_in_dim3A_10, %mul3A : vector<8192x1xf32>
    %mul3A_24 = arith.mulf %max3A_18, %max3A_22 : vector<8192x1xf32>
    %div3A_25 = arith.divf %div3A_23, %mul3A_24 : vector<8192x1xf32>
    %reduce_sum3A_26 = vector.shape_cast %div3A_25 : vector<8192x1xf32> to vector<1x8192x1xf32>
    %reduce_sum3A_27 = arith.constant dense<0.000000e+00> : vector<1xf32>
    %reduce_sum3A_28 = vector.multi_reduction <add>, %reduce_sum3A_26, %reduce_sum3A_27 [1, 2] : vector<1x8192x1xf32> to vector<1xf32>
    %reduce_sum3A_29 = vector.shape_cast %reduce_sum3A_28 : vector<1xf32> to vector<1x1x1xf32>
    %reduce_sum3A_30 = vector.extract %reduce_sum3A_29[0, 0, 0] : f32 from vector<1x1x1xf32>
    %div3A_31 = arith.constant 8.192000e+03 : f32
    %div3A_32 = arith.divf %reduce_sum3A_30, %div3A_31 : f32
    %sub3A = arith.constant 1.000000e+00 : f32
    %sub3A_33 = arith.subf %sub3A, %div3A_32 : f32
    %swap3A = arith.constant 0 : index
    %swap3A_34 = arith.constant 0 : index
    %swap3A_35 = memref.load %arg1[%swap3A, %swap3A_34] : memref<1x1xf32, #tpu.memory_space<smem>>
    memref.store %sub3A_33, %arg1[%swap3A, %swap3A_34] : memref<1x1xf32, #tpu.memory_space<smem>>
    return
  }
}

</mosaic_0001>

<sc_bundles>
// kernel: kernel.4.cloned.1.call-start
scs
__scs_entry_jumppad:
0x0: {  	(pc) =	sbr.rel $0x88, $3  }
0x1: {  	(tag) =	ssettag $0x0;
	lr =	simm.s32 $0x1  }
0x2: {  	[smem:$0x3F9B] =	sst lr;
	_ =	strace $0xD0000000  }
0x3: {  	_ = 	snop  }
0x4: {  	_ = 	snop  }
0x5: {  	_ = 	snop  }
0x6: {  	_ = 	snop  }
0x7: {  	_ = 	snop  }
__scs_overlays_trampoline_lowered:
0x8: {  	[smem:$0x3FAA] =	sst s0  }
0x9: {  	[smem:$0x3FAB] =	sst s1  }
0xa: {  	[smem:$0x3FAC] =	sst s2  }
0xb: {  	[smem:$0x3FAD] =	sst s3  }
0xc: {  	[smem:$0x3FAE] =	sst s4  }
0xd: {  	[smem:$0x3FAF] =	sst s5  }
0xe: {  	[smem:$0x3FB0] =	sst s6  }
0xf: {  	[smem:$0x3FB1] =	sst s7  }
0x10: {  	[smem:$0x3FB2] =	sst s8  }
0x11: {  	[smem:$0x3FB3] =	sst s9;
	s0 =	simm.s32 @!p0 $0x0  }
0x12: {  	s1 =	sld [smem:$0x3F99];
	s0 =	simm.s32 @p0 $0x1  }
0x13: {  	[smem:$0x3FB4] =	sst s0;
	s0 =	simm.s32 @!p1 $0x0  }
0x14: {  	s2 =	sld [smem:$0x3F98];
	s0 =	simm.s32 @p1 $0x1  }
0x15: {  	[smem:$0x3FB5] =	sst s0;
	s0 =	simm.s32 @!p2 $0x0  }
0x16: {  	s3 =	sld [smem:$0x3FDB];
	s0 =	simm.s32 @p2 $0x1  }
0x17: {  	s4 =	simm.s32 $0x1BF5;
	[smem:$0x3FB7] =	sst s0  }
0x18: {  	s0 =	sld [smem:$0x3F9A];
	_ =	swait.ge [sflag:s4], $0x0  }
0x19: {  	s7 =	sld [smem:$0x3F9B]  }
0x1a: {  	s8 =	sadd.s32 $0xFFFFE003, lr  }
0x1b: {  	s9 =	sadd.s32 $0xFFFFFEF7, lr;
	s5 =	simm.s32 $0xFFFFFFFF;
	p2 =	slt.u32 s8, $0xFFFFF086  }
0x1c: {  	p1 =	slt.u32 s9, $0xF7A;
	s5 =	simm.s32 @!p2 $0x0  }
0x1d: {  	s5 =	simm.s32 @p1 $0x1;
	p0 =	seq.s32 s7, s2  }
0x1e: {  	s7 =	smul.u32 @!p0 $0xF7A, s2;
	p2 =	seq.s32 @!p0 s5, $0x0  }
0x1f: {  	s9 =	smul.u32 $0xF7A, s1;
	s8 =	simm.s32 @!p0 $0x1BF5;
	p2 =	por !p2, p0  }
0x20: {  	[sflag:s8] =	ssyncset.s32 @!p0 $0xFFFFF086;
	s6 =	sadd.s32 @!p0 s3, s7;
	s7 =	simm.s32 @!p0 $0x108  }
0x21: {  	s3 =	sadd.s32 s3, s9;
	s6 =	sadd.s32 @!p0 $0x88, s6;
	s7 =	simm.s32 @p2 $0x1082  }
0x22: {  	[simem:s7], [sflag:s8] =	dma.local @!p0 [hbm:s6], $0xF7A  }
0x23: {  	s9 =	sor.u32 $0xD0000000, s2;
	s6 =	simm.s32 $0x108;
	_ =	swait.ge @!p0 [sflag:s8], $0x0  }
0x24: {  	s3 =	sadd.s32 $0x88, s3;
	s6 =	simm.s32 @!p1 $0x1082;
	[sflag:s4] =	ssyncset.s32 $0xFFFFF086  }
0x25: {  	[simem:s6], [sflag:s4] =	dma.local [hbm:s3], $0xF7A  }
0x26: {  	[smem:$0x3F9B] =	sst s1;
	(tag) =	ssettag s2;
	_ =	strace s9  }
0x27: {  	s1 =	sld [smem:$0x3FAB]  }
0x28: {  	s2 =	sld [smem:$0x3FAC]  }
0x29: {  	s4 =	sld [smem:$0x3FAE]  }
0x2a: {  	p0 =	seq.s32 s5, $0x0;
	s5 =	sld [smem:$0x3FAF]  }
0x2b: {  	s6 =	sld [smem:$0x3FB0]  }
0x2c: {  	s7 =	sld [smem:$0x3FB1]  }
0x2d: {  	s3 =	simm.s32 $0x108;
	s8 =	sld [smem:$0x3FB2]  }
0x2e: {  	s3 =	simm.s32 @!p0 $0x1082;
	s9 =	sld [smem:$0x3FB3]  }
0x2f: {  	lr =	sadd.s32 s0, s3;
	s0 =	sld [smem:$0x3FAA]  }
0x30: {  	s3 =	sld [smem:$0x3FAD]  }
0x31: {  	[smem:$0x3FB6] =	sst s10  }
0x32: {  	s10 =	sld [smem:$0x3FB4];
	_ =	sdelay $0x3  }
0x33: {  	p0 =	seq.s32 s10, $0x1;
	s10 =	sld [smem:$0x3FB6];
	_ =	sdelay $0x3  }
0x34: {  	[smem:$0x3FB6] =	sst s10  }
0x35: {  	s10 =	sld [smem:$0x3FB5];
	_ =	sdelay $0x3  }
0x36: {  	p1 =	seq.s32 s10, $0x1;
	s10 =	sld [smem:$0x3FB6];
	_ =	sdelay $0x3  }
0x37: {  	[smem:$0x3FB6] =	sst s10  }
0x38: {  	s10 =	sld [smem:$0x3FB7]  }
0x39: {  	_ = 	snop;
	(pc) =	sbr.ind lr, $3  }
0x3a: {  	_ = 	snop  }
0x3b: {  	_ = 	snop  }
0x3c: {  	p2 =	seq.s32 s10, $0x1;
	s10 =	sld [smem:$0x3FB6]  }
0x3d: {  	_ =	shalt  }
0x3e: {  	_ =	shalt  }
0x3f: {  	_ =	shalt  }
0x40: {  	_ =	shalt  }
0x41: {  	_ =	shalt  }
0x42: {  	_ =	shalt  }
0x43: {  	_ =	shalt  }
0x44: {  	_ =	shalt  }
0x45: {  	_ =	shalt  }
0x46: {  	_ =	shalt  }
0x47: {  	_ =	shalt  }
0x48: {  	_ =	shalt  }
0x49: {  	_ =	shalt  }
0x4a: {  	_ =	shalt  }
0x4b: {  	_ =	shalt  }
0x4c: {  	_ =	shalt  }
0x4d: {  	_ =	shalt  }
0x4e: {  	_ =	shalt  }
0x4f: {  	_ =	shalt  }
0x50: {  	_ =	shalt  }
0x51: {  	_ =	shalt  }
0x52: {  	_ =	shalt  }
0x53: {  	_ =	shalt  }
0x54: {  	_ =	shalt  }
0x55: {  	_ =	shalt  }
0x56: {  	_ =	shalt  }
0x57: {  	_ =	shalt  }
0x58: {  	_ =	shalt  }
0x59: {  	_ =	shalt  }
0x5a: {  	_ =	shalt  }
0x5b: {  	_ =	shalt  }
0x5c: {  	_ =	shalt  }
0x5d: {  	_ =	shalt  }
0x5e: {  	_ =	shalt  }
0x5f: {  	_ =	shalt  }
0x60: {  	_ =	shalt  }
0x61: {  	_ =	shalt  }
0x62: {  	_ =	shalt  }
0x63: {  	_ =	shalt  }
0x64: {  	_ =	shalt  }
0x65: {  	_ =	shalt  }
0x66: {  	_ =	shalt  }
0x67: {  	_ =	shalt  }
0x68: {  	_ =	shalt  }
0x69: {  	_ =	shalt  }
0x6a: {  	_ =	shalt  }
0x6b: {  	_ =	shalt  }
0x6c: {  	_ =	shalt  }
0x6d: {  	_ =	shalt  }
0x6e: {  	_ =	shalt  }
0x6f: {  	_ =	shalt  }
0x70: {  	_ =	shalt  }
0x71: {  	_ =	shalt  }
0x72: {  	_ =	shalt  }
0x73: {  	_ =	shalt  }
0x74: {  	_ =	shalt  }
0x75: {  	_ =	shalt  }
0x76: {  	_ =	shalt  }
0x77: {  	_ =	shalt  }
0x78: {  	_ =	shalt  }
0x79: {  	_ =	shalt  }
0x7a: {  	_ =	shalt  }
0x7b: {  	_ =	shalt  }
0x7c: {  	_ =	shalt  }
0x7d: {  	_ =	shalt  }
0x7e: {  	_ =	shalt  }
0x7f: {  	_ =	shalt  }
0x80: {  	_ =	shalt  }
0x81: {  	_ =	shalt  }
0x82: {  	_ =	shalt  }
0x83: {  	_ =	shalt  }
0x84: {  	_ =	shalt  }
0x85: {  	_ =	shalt  }
0x86: {  	_ =	shalt  }
0x87: {  	_ =	shalt  }
.Lfunc_end0:
.L_simem_size_0:
called_computation_lowered:
.L_overlay_start_0:
0x88: {  	s2 =	sld [smem:$0x3FD9]  }
0x89: {  	s3 =	sld [smem:$0x3FFE];
	_ =	sdelay $0x1  }
0x8a: {  	s1 =	srdreg.scid  }
0x8b: {  	s0 =	sand.u32 $0x1, s1  }
0x8c: {  	s17 =	sshll.u32 s0, $0xA;
	s2 =	sadd.s32 s3, s2  }
0x8d: {  	s2 =	sadd.s32 s2, s17  }
0x8e: {  	[smem:$0x3FC2] =	sst s2  }
0x8f: {  	_ = 	snop  }
0x90: {  	s2 =	sld [smem:$0x3FC9]  }
0x91: {  	s18 =	sld [smem:$0x3FC8]  }
0x92: {  	s4 =	sld [smem:$0x3FC7]  }
0x93: {  	s5 =	sld [smem:$0x3FC6]  }
0x94: {  	s6 =	sld [smem:$0x3FC5]  }
0x95: {  	s7 =	sld [smem:$0x3FC4];
	(tm) =	ssettm $0x1  }
0x96: {  	s8 =	sld [smem:$0x3FFB];
	_ =	sdelay $0x3  }
0x97: {  	_ =	strace s8  }
0x98: {  	s8 =	sld [smem:$0x3FFC];
	_ =	sdelay $0x3  }
0x99: {  	_ =	strace s8  }
0x9a: {  	s8 =	sld [smem:$0x3FFD];
	_ =	sdelay $0x3  }
0x9b: {  	_ =	strace s8  }
0x9c: {  	_ =	strace $0x8FFFFFFF  }
0x9d: {  	s19 =	sld [smem:$0x3FDB];
	_ =	sdelay $0x1  }
0x9e: {  	s9 =	simm.s32 $_scs_section_size  }
0x9f: {  	s10 =	simm.s32 $_size__tile_overlayer_lowered;
	s11 =	simm.s32 $_tile_overlayer_lowered  }
0xa0: {  	s22 =	simm.s32 $0x1BFF;
	s21 =	sshll.u32 s11, $0x1;
	s8 =	sadd.s32 s9, s19  }
0xa1: {  	s12 =	simm.s32 $0x0;
	s20 =	sshll.u32 s10, $0x1;
	s10 =	sadd.s32 s21, s8  }
0xa2: {  	[timem:s12], [sflag:s22] =	dma.local [hbm:s10], s20  }
0xa3: {  	_ =	swait.ge [sflag:s22], s20  }
0xa4: {  	s9 =	ssub.s32 $0x0, s20;
	[sflag:s22] =	ssyncset.done $0x0  }
0xa5: {  	[sflag:s22] =	ssyncadd.s32 s9;
	_ =	sdelay $0x1  }
0xa6: {  	s23 =	simm.s32 $0x1B8B  }
0xa7: {  	_ =	swait.ge [sflag:s23], $0x1  }
0xa8: {  	[sflag:s23] =	ssyncset.done $0x0  }
0xa9: {  	s25 =	simm.s32 $0x1B8E;
	s24 =	sld [smem:$0x3FFE];
	[sflag:s23] =	ssyncadd.s32 $0xFFFFFFFF  }
0xaa: {  	s26 =	simm.s32 $execute0_lowered;
	[smem:$0x3FD2] =	sst s25  }
0xab: {  	s10 =	sshll.u32 s26, $0x1;
	_ =	strace $0x80000046;
	[dreg:$0x1] =	wrdreg $0xFFFFFFFF  }
0xac: {  	s28 =	simm.s32 $_size_execute0_lowered;
	s8 =	sadd.s32 s8, s10;
	[dreg:$0x0] =	wrdreg $0x0  }
0xad: {  	s10 =	sshll.u32 s28, $0x1;
	[dreg:$0x2] =	wrdreg s8  }
0xae: {  	[dreg:$0x3] =	wrdreg s10  }
0xaf: {  	[dreg:$0x4] =	wrdreg $0xC0  }
0xb0: {  	_ =	task [dreg:s12], $0x5FFFF  }
0xb1: {  	[dreg:$0x1] =	wrdreg $0xFFFFFFFF  }
0xb2: {  	[dreg:$0x0] =	wrdreg $0x60  }
0xb3: {  	[dreg:$0x2] =	wrdreg s2  }
0xb4: {  	[dreg:$0x3] =	wrdreg s18  }
0xb5: {  	[dreg:$0x4] =	wrdreg s4  }
0xb6: {  	[dreg:$0x5] =	wrdreg s5  }
0xb7: {  	[dreg:$0x6] =	wrdreg s6  }
0xb8: {  	[dreg:$0x7] =	wrdreg s7  }
0xb9: {  	[dreg:$0x8] =	wrdreg s24  }
0xba: {  	[dreg:$0x9] =	wrdreg $0x9  }
0xbb: {  	_ =	task.clear_ibuf [dreg:s12], $0xAFFFF;
	_ =	strace $0x90000046  }
0xbc: {  	s29 =	simm.s32 $0x9;
	_ =	strace $0x80000048  }
0xbd: {  	_ =	swait.ge [sflag:s29], $0x1  }
0xbe: {  	[sflag:s29] =	ssyncadd.s32 $0xFFFFFFFF  }
0xbf: {  	_ =	strace $0x90000048  }
0xc0: {  	_ =	sfence  }
0xc1: {  	s30 =	sld [smem:$0x0];
	_ =	sdelay $0x2  }
0xc2: {  	s31 =	sshll.u32 s1, $0xD;
	s1 =	sshrl.u32 s1, $0x2  }
0xc3: {  	s3 =	sand.u32 $0x4000, s31;
	s1 =	sadd.s32 s1, s30  }
0xc4: {  	s0 =	sor.u32 s3, s0;
	s1 =	sshll.u32 s1, $0x11  }
0xc5: {  	s0 =	sor.u32 s1, s0  }
0xc6: {  	s0 =	sadd.s32 $0x8F2B, s0  }
0xc7: {  	[sflag:s0] =	ssyncadd.remote.s32 $0x1  }
0xc8: {  	_ =	sfence.sel $0xFFFF  }
0xc9: {  	[dreg:$0x0] =	wrdreg $0xFFFFFFFF;
	(pc) =	sbr.abs _section_cstart, $3  }
0xca: {  	[dreg:$0x1] =	wrdreg $0xFFFFFFFF  }
0xcb: {  	_ =	task.clear_ibuf [dreg:s12], $0x2FFFF;
	_ =	strace $0x9FFFFFFF  }
0xcc: {  	(tm) =	ssettm $0x7FFFFFFF  }
0xcd: {  	_ =	shalt  }
tec
execute0_lowered:
.L_overlay_start_1:
0x0: {  	(tag) =	ssettag $0x1  }
0x1: {  	s0 =	rddreg [dreg:$0x0]  }
0x2: {  	s1 =	rddreg [dreg:$0x1]  }
0x3: {  	s3 =	rddreg [dreg:$0x2]  }
0x4: {  	s4 =	rddreg [dreg:$0x3]  }
0x5: {  	s5 =	rddreg [dreg:$0x4]  }
0x6: {  	s7 =	rddreg [dreg:$0x5]  }
0x7: {  	s2 =	rddreg [dreg:$0x6];
	s6 =	srdreg.scid  }
0x8: {  	s8 =	stileid.u32;
	s11 =	simm.s32 $0x0;
	s6 =	sand.u32 $0x1, s6  }
0x9: {  	s28 =	simm.s32 $0x7000;
	s8 =	sshll.u32 s8, $0x9;
	s9 =	sshll.u32 s6, $0x8  }
0xa: {  	s29 =	simm.s32 $0x9000;
	s30 =	simm.s32 $0xB000;
	s9 =	sor.u32 s9, s8  }
0xb: {  	s31 =	simm.s32 $0x1;
	s19 =	simm.s32 $0x2;
	s20 =	sshll.u32 s9, $0x6  }
0xc: {  	[smem:$0x7FF] =	sst s11;
	s6 =	ssub.s32 $0x2, s6;
	s21 =	sadd.s32 s0, s20  }
0xd: {  	_ =	strace $0x80000047;
	s22 =	sadd.s32 s1, s20;
	[dreg:$0x8] =	wrdreg s21  }
0xe: {  	s10 =	sshrl.u32 s6, $0x1;
	s23 =	sadd.s32 s3, s20;
	[dreg:$0x9] =	wrdreg s22  }
0xf: {  	s8 =	sshll.u32 s9, $0x4;
	s24 =	sadd.s32 s4, s20;
	[dreg:$0xa] =	wrdreg s23  }
0x10: {  	s6 =	ssub.s32 s6, s10;
	s25 =	sadd.s32 s5, s20;
	[dreg:$0xb] =	wrdreg s24  }
0x11: {  	s2 =	sadd.s32 s8, s2;
	s8 =	sadd.s32 s7, s20;
	[dreg:$0xc] =	wrdreg s25  }
0x12: {  	s12 =	simm.s32 $0x0;
	s26 =	smax.u32 s6, $0x1;
	[dreg:$0xd] =	wrdreg s8  }
0x13: {  	s16 =	sor.u32 $0x10, s9;
	s2 =	sadd.s32 $0x600, s2;
	[dreg:$0xf] =	wrdreg s26  }
0x14: {  	v0 =	vimm.f32 $0.0e+00;
	s6 =	simm.s32 $0xC800;
	[dreg:$0xe] =	wrdreg s2;
	s2 =	simm.s32 $0xC000  }
.LBB2_1:
0x15: {  	[tilespmem:$0xC000] =	vst v0  }
0x16: {  	[tilespmem:$0xC800] =	vst v0  }
0x17: {  	[tilespmem:$0xC010] =	vst v0  }
0x18: {  	[tilespmem:$0xC810] =	vst v0  }
0x19: {  	[tilespmem:$0xC020] =	vst v0  }
0x1a: {  	[tilespmem:$0xC820] =	vst v0  }
0x1b: {  	[tilespmem:$0xC030] =	vst v0  }
0x1c: {  	[tilespmem:$0xC830] =	vst v0  }
0x1d: {  	[tilespmem:$0xC040] =	vst v0  }
0x1e: {  	[tilespmem:$0xC840] =	vst v0  }
0x1f: {  	[tilespmem:$0xC050] =	vst v0  }
0x20: {  	[tilespmem:$0xC850] =	vst v0  }
0x21: {  	[tilespmem:$0xC060] =	vst v0  }
0x22: {  	[tilespmem:$0xC860] =	vst v0  }
0x23: {  	[tilespmem:$0xC070] =	vst v0  }
0x24: {  	[tilespmem:$0xC870] =	vst v0  }
0x25: {  	[tilespmem:$0xC080] =	vst v0  }
0x26: {  	[tilespmem:$0xC880] =	vst v0  }
0x27: {  	[tilespmem:$0xC090] =	vst v0  }
0x28: {  	[tilespmem:$0xC890] =	vst v0  }
0x29: {  	[tilespmem:$0xC0A0] =	vst v0  }
0x2a: {  	[tilespmem:$0xC8A0] =	vst v0  }
0x2b: {  	[tilespmem:$0xC0B0] =	vst v0  }
0x2c: {  	[tilespmem:$0xC8B0] =	vst v0  }
0x2d: {  	[tilespmem:$0xC0C0] =	vst v0  }
0x2e: {  	[tilespmem:$0xC8C0] =	vst v0  }
0x2f: {  	[tilespmem:$0xC0D0] =	vst v0  }
0x30: {  	[tilespmem:$0xC8D0] =	vst v0  }
0x31: {  	[tilespmem:$0xC0E0] =	vst v0  }
0x32: {  	[tilespmem:$0xC8E0] =	vst v0  }
0x33: {  	[tilespmem:$0xC0F0] =	vst v0  }
0x34: {  	[tilespmem:$0xC8F0] =	vst v0  }
0x35: {  	[tilespmem:$0xC100] =	vst v0  }
0x36: {  	[tilespmem:$0xC900] =	vst v0  }
0x37: {  	[tilespmem:$0xC110] =	vst v0  }
0x38: {  	[tilespmem:$0xC910] =	vst v0  }
0x39: {  	[tilespmem:$0xC120] =	vst v0  }
0x3a: {  	[tilespmem:$0xC920] =	vst v0  }
0x3b: {  	[tilespmem:$0xC130] =	vst v0  }
0x3c: {  	[tilespmem:$0xC930] =	vst v0  }
0x3d: {  	[tilespmem:$0xC140] =	vst v0  }
0x3e: {  	[tilespmem:$0xC940] =	vst v0  }
0x3f: {  	[tilespmem:$0xC150] =	vst v0  }
0x40: {  	[tilespmem:$0xC950] =	vst v0  }
0x41: {  	[tilespmem:$0xC160] =	vst v0  }
0x42: {  	[tilespmem:$0xC960] =	vst v0  }
0x43: {  	[tilespmem:$0xC170] =	vst v0  }
0x44: {  	[tilespmem:$0xC970] =	vst v0  }
0x45: {  	[tilespmem:$0xC180] =	vst v0  }
0x46: {  	[tilespmem:$0xC980] =	vst v0  }
0x47: {  	[tilespmem:$0xC190] =	vst v0  }
0x48: {  	[tilespmem:$0xC990] =	vst v0  }
0x49: {  	[tilespmem:$0xC1A0] =	vst v0  }
0x4a: {  	[tilespmem:$0xC9A0] =	vst v0  }
0x4b: {  	[tilespmem:$0xC1B0] =	vst v0  }
0x4c: {  	[tilespmem:$0xC9B0] =	vst v0  }
0x4d: {  	[tilespmem:$0xC1C0] =	vst v0  }
0x4e: {  	[tilespmem:$0xC9C0] =	vst v0  }
0x4f: {  	[tilespmem:$0xC1D0] =	vst v0  }
0x50: {  	[tilespmem:$0xC9D0] =	vst v0  }
0x51: {  	[tilespmem:$0xC1E0] =	vst v0  }
0x52: {  	[tilespmem:$0xC9E0] =	vst v0  }
0x53: {  	[tilespmem:$0xC1F0] =	vst v0  }
0x54: {  	[tilespmem:$0xC9F0] =	vst v0  }
0x55: {  	[tilespmem:$0xC200] =	vst v0  }
0x56: {  	[tilespmem:$0xCA00] =	vst v0  }
0x57: {  	[tilespmem:$0xC210] =	vst v0  }
0x58: {  	[tilespmem:$0xCA10] =	vst v0  }
0x59: {  	[tilespmem:$0xC220] =	vst v0  }
0x5a: {  	[tilespmem:$0xCA20] =	vst v0  }
0x5b: {  	[tilespmem:$0xC230] =	vst v0  }
0x5c: {  	[tilespmem:$0xCA30] =	vst v0  }
0x5d: {  	[tilespmem:$0xC240] =	vst v0  }
0x5e: {  	[tilespmem:$0xCA40] =	vst v0  }
0x5f: {  	[tilespmem:$0xC250] =	vst v0  }
0x60: {  	[tilespmem:$0xCA50] =	vst v0  }
0x61: {  	[tilespmem:$0xC260] =	vst v0  }
0x62: {  	[tilespmem:$0xCA60] =	vst v0  }
0x63: {  	[tilespmem:$0xC270] =	vst v0  }
0x64: {  	[tilespmem:$0xCA70] =	vst v0  }
0x65: {  	[tilespmem:$0xC280] =	vst v0  }
0x66: {  	[tilespmem:$0xCA80] =	vst v0  }
0x67: {  	[tilespmem:$0xC290] =	vst v0  }
0x68: {  	[tilespmem:$0xCA90] =	vst v0  }
0x69: {  	[tilespmem:$0xC2A0] =	vst v0  }
0x6a: {  	[tilespmem:$0xCAA0] =	vst v0  }
0x6b: {  	[tilespmem:$0xC2B0] =	vst v0  }
0x6c: {  	[tilespmem:$0xCAB0] =	vst v0  }
0x6d: {  	[tilespmem:$0xC2C0] =	vst v0  }
0x6e: {  	[tilespmem:$0xCAC0] =	vst v0  }
0x6f: {  	[tilespmem:$0xC2D0] =	vst v0  }
0x70: {  	[tilespmem:$0xCAD0] =	vst v0  }
0x71: {  	[tilespmem:$0xC2E0] =	vst v0  }
0x72: {  	[tilespmem:$0xCAE0] =	vst v0  }
0x73: {  	[tilespmem:$0xC2F0] =	vst v0  }
0x74: {  	[tilespmem:$0xCAF0] =	vst v0  }
0x75: {  	[tilespmem:$0xC300] =	vst v0  }
0x76: {  	[tilespmem:$0xCB00] =	vst v0  }
0x77: {  	[tilespmem:$0xC310] =	vst v0  }
0x78: {  	[tilespmem:$0xCB10] =	vst v0  }
0x79: {  	[tilespmem:$0xC320] =	vst v0  }
0x7a: {  	[tilespmem:$0xCB20] =	vst v0  }
0x7b: {  	[tilespmem:$0xC330] =	vst v0  }
0x7c: {  	[tilespmem:$0xCB30] =	vst v0  }
0x7d: {  	[tilespmem:$0xC340] =	vst v0  }
0x7e: {  	[tilespmem:$0xCB40] =	vst v0  }
0x7f: {  	[tilespmem:$0xC350] =	vst v0  }
0x80: {  	[tilespmem:$0xCB50] =	vst v0  }
0x81: {  	[tilespmem:$0xC360] =	vst v0  }
0x82: {  	[tilespmem:$0xCB60] =	vst v0  }
0x83: {  	[tilespmem:$0xC370] =	vst v0  }
0x84: {  	[tilespmem:$0xCB70] =	vst v0  }
0x85: {  	[tilespmem:$0xC380] =	vst v0  }
0x86: {  	[tilespmem:$0xCB80] =	vst v0  }
0x87: {  	[tilespmem:$0xC390] =	vst v0  }
0x88: {  	[tilespmem:$0xCB90] =	vst v0  }
0x89: {  	[tilespmem:$0xC3A0] =	vst v0  }
0x8a: {  	[tilespmem:$0xCBA0] =	vst v0  }
0x8b: {  	[tilespmem:$0xC3B0] =	vst v0  }
0x8c: {  	[tilespmem:$0xCBB0] =	vst v0  }
0x8d: {  	[tilespmem:$0xC3C0] =	vst v0  }
0x8e: {  	[tilespmem:$0xCBC0] =	vst v0  }
0x8f: {  	[tilespmem:$0xC3D0] =	vst v0  }
0x90: {  	[tilespmem:$0xCBD0] =	vst v0  }
0x91: {  	[tilespmem:$0xC3E0] =	vst v0  }
0x92: {  	[tilespmem:$0xCBE0] =	vst v0  }
0x93: {  	[tilespmem:$0xC3F0] =	vst v0  }
0x94: {  	[tilespmem:$0xCBF0] =	vst v0  }
0x95: {  	[tilespmem:$0xC400] =	vst v0  }
0x96: {  	[tilespmem:$0xCC00] =	vst v0  }
0x97: {  	[tilespmem:$0xC410] =	vst v0  }
0x98: {  	[tilespmem:$0xCC10] =	vst v0  }
0x99: {  	[tilespmem:$0xC420] =	vst v0  }
0x9a: {  	[tilespmem:$0xCC20] =	vst v0  }
0x9b: {  	[tilespmem:$0xC430] =	vst v0  }
0x9c: {  	[tilespmem:$0xCC30] =	vst v0  }
0x9d: {  	[tilespmem:$0xC440] =	vst v0  }
0x9e: {  	[tilespmem:$0xCC40] =	vst v0  }
0x9f: {  	[tilespmem:$0xC450] =	vst v0  }
0xa0: {  	[tilespmem:$0xCC50] =	vst v0  }
0xa1: {  	[tilespmem:$0xC460] =	vst v0  }
0xa2: {  	[tilespmem:$0xCC60] =	vst v0  }
0xa3: {  	[tilespmem:$0xC470] =	vst v0  }
0xa4: {  	[tilespmem:$0xCC70] =	vst v0  }
0xa5: {  	[tilespmem:$0xC480] =	vst v0  }
0xa6: {  	[tilespmem:$0xCC80] =	vst v0  }
0xa7: {  	[tilespmem:$0xC490] =	vst v0  }
0xa8: {  	[tilespmem:$0xCC90] =	vst v0  }
0xa9: {  	[tilespmem:$0xC4A0] =	vst v0  }
0xaa: {  	[tilespmem:$0xCCA0] =	vst v0  }
0xab: {  	[tilespmem:$0xC4B0] =	vst v0  }
0xac: {  	[tilespmem:$0xCCB0] =	vst v0  }
0xad: {  	[tilespmem:$0xC4C0] =	vst v0  }
0xae: {  	[tilespmem:$0xCCC0] =	vst v0  }
0xaf: {  	[tilespmem:$0xC4D0] =	vst v0  }
0xb0: {  	[tilespmem:$0xCCD0] =	vst v0  }
0xb1: {  	[tilespmem:$0xC4E0] =	vst v0  }
0xb2: {  	[tilespmem:$0xCCE0] =	vst v0  }
0xb3: {  	[tilespmem:$0xC4F0] =	vst v0  }
0xb4: {  	[tilespmem:$0xCCF0] =	vst v0  }
0xb5: {  	[tilespmem:$0xC500] =	vst v0  }
0xb6: {  	[tilespmem:$0xCD00] =	vst v0  }
0xb7: {  	[tilespmem:$0xC510] =	vst v0  }
0xb8: {  	[tilespmem:$0xCD10] =	vst v0  }
0xb9: {  	[tilespmem:$0xC520] =	vst v0  }
0xba: {  	[tilespmem:$0xCD20] =	vst v0  }
0xbb: {  	[tilespmem:$0xC530] =	vst v0  }
0xbc: {  	[tilespmem:$0xCD30] =	vst v0  }
0xbd: {  	[tilespmem:$0xC540] =	vst v0  }
0xbe: {  	[tilespmem:$0xCD40] =	vst v0  }
0xbf: {  	[tilespmem:$0xC550] =	vst v0  }
0xc0: {  	[tilespmem:$0xCD50] =	vst v0  }
0xc1: {  	[tilespmem:$0xC560] =	vst v0  }
0xc2: {  	[tilespmem:$0xCD60] =	vst v0  }
0xc3: {  	[tilespmem:$0xC570] =	vst v0  }
0xc4: {  	[tilespmem:$0xCD70] =	vst v0  }
0xc5: {  	[tilespmem:$0xC580] =	vst v0  }
0xc6: {  	[tilespmem:$0xCD80] =	vst v0  }
0xc7: {  	[tilespmem:$0xC590] =	vst v0  }
0xc8: {  	[tilespmem:$0xCD90] =	vst v0  }
0xc9: {  	[tilespmem:$0xC5A0] =	vst v0  }
0xca: {  	[tilespmem:$0xCDA0] =	vst v0  }
0xcb: {  	[tilespmem:$0xC5B0] =	vst v0  }
0xcc: {  	[tilespmem:$0xCDB0] =	vst v0  }
0xcd: {  	[tilespmem:$0xC5C0] =	vst v0  }
0xce: {  	[tilespmem:$0xCDC0] =	vst v0  }
0xcf: {  	[tilespmem:$0xC5D0] =	vst v0  }
0xd0: {  	[tilespmem:$0xCDD0] =	vst v0  }
0xd1: {  	[tilespmem:$0xC5E0] =	vst v0  }
0xd2: {  	[tilespmem:$0xCDE0] =	vst v0  }
0xd3: {  	[tilespmem:$0xC5F0] =	vst v0  }
0xd4: {  	[tilespmem:$0xCDF0] =	vst v0  }
0xd5: {  	[tilespmem:$0xC600] =	vst v0  }
0xd6: {  	[tilespmem:$0xCE00] =	vst v0  }
0xd7: {  	[tilespmem:$0xC610] =	vst v0  }
0xd8: {  	[tilespmem:$0xCE10] =	vst v0  }
0xd9: {  	[tilespmem:$0xC620] =	vst v0  }
0xda: {  	[tilespmem:$0xCE20] =	vst v0  }
0xdb: {  	[tilespmem:$0xC630] =	vst v0  }
0xdc: {  	[tilespmem:$0xCE30] =	vst v0  }
0xdd: {  	[tilespmem:$0xC640] =	vst v0  }
0xde: {  	[tilespmem:$0xCE40] =	vst v0  }
0xdf: {  	[tilespmem:$0xC650] =	vst v0  }
0xe0: {  	[tilespmem:$0xCE50] =	vst v0  }
0xe1: {  	[tilespmem:$0xC660] =	vst v0  }
0xe2: {  	[tilespmem:$0xCE60] =	vst v0  }
0xe3: {  	[tilespmem:$0xC670] =	vst v0  }
0xe4: {  	[tilespmem:$0xCE70] =	vst v0  }
0xe5: {  	[tilespmem:$0xC680] =	vst v0  }
0xe6: {  	[tilespmem:$0xCE80] =	vst v0  }
0xe7: {  	[tilespmem:$0xC690] =	vst v0  }
0xe8: {  	[tilespmem:$0xCE90] =	vst v0  }
0xe9: {  	[tilespmem:$0xC6A0] =	vst v0  }
0xea: {  	[tilespmem:$0xCEA0] =	vst v0  }
0xeb: {  	[tilespmem:$0xC6B0] =	vst v0  }
0xec: {  	[tilespmem:$0xCEB0] =	vst v0  }
0xed: {  	[tilespmem:$0xC6C0] =	vst v0  }
0xee: {  	[tilespmem:$0xCEC0] =	vst v0  }
0xef: {  	[tilespmem:$0xC6D0] =	vst v0  }
0xf0: {  	[tilespmem:$0xCED0] =	vst v0  }
0xf1: {  	[tilespmem:$0xC6E0] =	vst v0  }
0xf2: {  	[tilespmem:$0xCEE0] =	vst v0  }
0xf3: {  	[tilespmem:$0xC6F0] =	vst v0  }
0xf4: {  	[tilespmem:$0xCEF0] =	vst v0  }
0xf5: {  	[tilespmem:$0xC700] =	vst v0  }
0xf6: {  	[tilespmem:$0xCF00] =	vst v0  }
0xf7: {  	[tilespmem:$0xC710] =	vst v0  }
0xf8: {  	[tilespmem:$0xCF10] =	vst v0  }
0xf9: {  	[tilespmem:$0xC720] =	vst v0  }
0xfa: {  	[tilespmem:$0xCF20] =	vst v0  }
0xfb: {  	[tilespmem:$0xC730] =	vst v0  }
0xfc: {  	[tilespmem:$0xCF30] =	vst v0  }
0xfd: {  	[tilespmem:$0xC740] =	vst v0  }
0xfe: {  	[tilespmem:$0xCF40] =	vst v0  }
0xff: {  	[tilespmem:$0xC750] =	vst v0  }
0x100: {  	[tilespmem:$0xCF50] =	vst v0  }
0x101: {  	[tilespmem:$0xC760] =	vst v0  }
0x102: {  	[tilespmem:$0xCF60] =	vst v0  }
0x103: {  	[tilespmem:$0xC770] =	vst v0  }
0x104: {  	[tilespmem:$0xCF70] =	vst v0  }
0x105: {  	[tilespmem:$0xC780] =	vst v0  }
0x106: {  	[tilespmem:$0xCF80] =	vst v0  }
0x107: {  	[tilespmem:$0xC790] =	vst v0  }
0x108: {  	[tilespmem:$0xCF90] =	vst v0  }
0x109: {  	[tilespmem:$0xC7A0] =	vst v0  }
0x10a: {  	[tilespmem:$0xCFA0] =	vst v0  }
0x10b: {  	[tilespmem:$0xC7B0] =	vst v0  }
0x10c: {  	[tilespmem:$0xCFB0] =	vst v0  }
0x10d: {  	[dreg:$0x10] =	wrdreg s12;
	[tilespmem:$0xC7C0] =	vst v0  }
0x10e: {  	[tilespmem:$0xCFC0] =	vst v0;
	s8 =	rddreg [dreg:$0x8]  }
0x10f: {  	[tilespmem:s11], [sflag:$0x1] =	stream.linear.gather [hbm4b:s8+s11], $0x1000, $0x38;
	[tilespmem:$0x15000] =	vst v63  }
0x110: {  	s17 =	rddreg [dreg:$0x9];
	s10 =	simm.s32 $0x2000  }
0x111: {  	[tilespmem:s10], [sflag:$0x1] =	stream.linear.gather [hbm4b:s17+s11], $0x1000, $0x38;
	[tilespmem:$0x15000] =	vst v63  }
0x112: {  	s18 =	rddreg [dreg:$0xa];
	s20 =	simm.s32 $0x4000  }
0x113: {  	[tilespmem:s20], [sflag:$0x1] =	stream.linear.gather [hbm4b:s18+s11], $0x1000, $0x38;
	[tilespmem:$0x15000] =	vst v63  }
0x114: {  	s21 =	rddreg [dreg:$0xb];
	s22 =	simm.s32 $0x6000  }
0x115: {  	[tilespmem:s22], [sflag:$0x1] =	stream.linear.gather [hbm4b:s21+s11], $0x1000, $0x38;
	[tilespmem:$0x15000] =	vst v63  }
0x116: {  	s23 =	rddreg [dreg:$0xc];
	s24 =	simm.s32 $0x8000  }
0x117: {  	[tilespmem:s24], [sflag:$0x1] =	stream.linear.gather [hbm4b:s23+s11], $0x1000, $0x38;
	[tilespmem:$0x15000] =	vst v63  }
0x118: {  	s25 =	rddreg [dreg:$0xd];
	s26 =	simm.s32 $0xA000;
	s23 =	simm.s32 $0x0  }
0x119: {  	[tilespmem:s26], [sflag:$0x1] =	stream.linear.gather [hbm4b:s25+s11], $0x1000, $0x38;
	[tilespmem:$0x15000] =	vst v63  }
.LBB2_2:
0x11a: {  	s10 =	sshll.u32 s23, $0x4  }
0x11b: {  	s20 =	sor.u32 $0x8, s10  }
0x11c: {  	s8 =	sor.u32 s9, s20  }
0x11d: {  	s8 =	sshll.u32 s8, $0x6  }
0x11e: {  	s11 =	simm.s32 $0x0;
	s13 =	simm.s32 $0x1000;
	s12 =	sadd.s32 s0, s8  }
0x11f: {  	[tilespmem:s13], [sflag:$0x2] =	stream.linear.gather [hbm4b:s12+s11], $0x1000, $0x38;
	[tilespmem:$0x15000] =	vst v63  }
0x120: {  	s18 =	simm.s32 $0x3000;
	s17 =	sadd.s32 s1, s8  }
0x121: {  	[tilespmem:s18], [sflag:$0x2] =	stream.linear.gather [hbm4b:s17+s11], $0x1000, $0x38;
	[tilespmem:$0x15000] =	vst v63  }
0x122: {  	s22 =	simm.s32 $0x5000;
	s21 =	sadd.s32 s3, s8  }
0x123: {  	[tilespmem:s22], [sflag:$0x2] =	stream.linear.gather [hbm4b:s21+s11], $0x1000, $0x38;
	[tilespmem:$0x15000] =	vst v63  }
0x124: {  	s24 =	sadd.s32 s4, s8  }
0x125: {  	[tilespmem:s28], [sflag:$0x2] =	stream.linear.gather [hbm4b:s24+s11], $0x1000, $0x38;
	[tilespmem:$0x15000] =	vst v63  }
0x126: {  	s25 =	sadd.s32 s5, s8  }
0x127: {  	[tilespmem:s29], [sflag:$0x2] =	stream.linear.gather [hbm4b:s25+s11], $0x1000, $0x38;
	[tilespmem:$0x15000] =	vst v63  }
0x128: {  	s8 =	sadd.s32 s7, s8  }
0x129: {  	[tilespmem:s30], [sflag:$0x2] =	stream.linear.gather [hbm4b:s8+s11], $0x1000, $0x38;
	[tilespmem:$0x15000] =	vst v63  }
0x12a: {  	_ =	swait.ge [sflag:s31], $0x1000  }
0x12b: {  	[sflag:s31] =	ssyncset.done $0x0  }
0x12c: {  	[sflag:s31] =	ssyncadd.s32 $0xFFFFF000  }
0x12d: {  	_ =	swait.ge [sflag:s31], $0x1000  }
0x12e: {  	[sflag:s31] =	ssyncset.done $0x0  }
0x12f: {  	[sflag:s31] =	ssyncadd.s32 $0xFFFFF000  }
0x130: {  	_ =	swait.ge [sflag:s31], $0x1000  }
0x131: {  	[sflag:s31] =	ssyncset.done $0x0  }
0x132: {  	[sflag:s31] =	ssyncadd.s32 $0xFFFFF000  }
0x133: {  	_ =	swait.ge [sflag:s31], $0x1000  }
0x134: {  	[sflag:s31] =	ssyncset.done $0x0  }
0x135: {  	[sflag:s31] =	ssyncadd.s32 $0xFFFFF000  }
0x136: {  	_ =	swait.ge [sflag:s31], $0x1000  }
0x137: {  	s26 =	sshll.u32 s23, $0xB;
	[sflag:s31] =	ssyncset.done $0x0  }
0x138: {  	s14 =	simm.s32 $0x40;
	s12 =	simm.s32 $0x4040;
	[sflag:s31] =	ssyncadd.s32 $0xFFFFF000  }
0x139: {  	s13 =	simm.s32 $0x2040;
	s8 =	sand.u32 $0x3FFFF800, s26;
	_ =	swait.ge [sflag:s31], $0x1000  }
0x13a: {  	s18 =	simm.s32 $0x6040;
	s8 =	sadd.s32 $0xD000, s8;
	[sflag:s31] =	ssyncset.done $0x0  }
0x13b: {  	s25 =	simm.s32 $0x8040;
	s26 =	simm.s32 $0xA040;
	v1 =	vmov s8;
	[sflag:s31] =	ssyncadd.s32 $0xFFFFF000  }
.LBB2_3:
0x13c: {  	v2 =	vld [tilespmem:s14+$0x30]  }
0x13d: {  	v3 =	vld [tilespmem:s14+$0xFFFFFFD0]  }
0x13e: {  	v4 =	vld [tilespmem:s14+$0xFFFFFFE0]  }
0x13f: {  	v5 =	vld [tilespmem:s14+$0xFFFFFFF0]  }
0x140: {  	v6 =	vld [tilespmem:s14+$0x0]  }
0x141: {  	v7 =	vld [tilespmem:s14+$0x10]  }
0x142: {  	v8 =	vld [tilespmem:s14+$0x20]  }
0x143: {  	v9 =	vld [tilespmem:s14+$0xFFFFFFC0]  }
0x144: {  	v10 =	vld [tilespmem:s13+$0x30]  }
0x145: {  	v11 =	vld [tilespmem:s12+$0x30]  }
0x146: {  	v12 =	vld [tilespmem:s13+$0xFFFFFFC0]  }
0x147: {  	v13 =	vld [tilespmem:s12+$0xFFFFFFC0]  }
0x148: {  	v2 =	vmul.f32 $2.000000000e+03, v2;
	v3 =	vmul.f32 $2.000000000e+03, v3  }
0x149: {  	v4 =	vmul.f32 $2.000000000e+03, v4;
	v5 =	vmul.f32 $2.000000000e+03, v5  }
0x14a: {  	v6 =	vmul.f32 $2.000000000e+03, v6;
	v7 =	vmul.f32 $2.000000000e+03, v7  }
0x14b: {  	v9 =	vmul.f32 $2.000000000e+03, v9;
	v8 =	vmul.f32 $2.000000000e+03, v8  }
0x14c: {  	v10 =	vmul.f32 v11, v10;
	v12 =	vmul.f32 v13, v12  }
0x14d: {  	v14 =	vld [tilespmem:s13+$0xFFFFFFD0];
	v2 =	vtrunc.f32 v2;
	v3 =	vtrunc.f32 v3  }
0x14e: {  	v15 =	vld [tilespmem:s12+$0xFFFFFFD0];
	v4 =	vtrunc.f32 v4;
	v5 =	vtrunc.f32 v5  }
0x14f: {  	v16 =	vld [tilespmem:s13+$0xFFFFFFE0];
	v6 =	vtrunc.f32 v6;
	v7 =	vtrunc.f32 v7  }
0x150: {  	v17 =	vld [tilespmem:s12+$0xFFFFFFE0];
	v9 =	vtrunc.f32 v9;
	v2 =	vcvt.f32.s32 v2  }
0x151: {  	v18 =	vld [tilespmem:s13+$0xFFFFFFF0];
	v8 =	vtrunc.f32 v8;
	v9 =	vcvt.f32.s32 v9  }
0x152: {  	v60 =	vld [tilespmem:s12+$0xFFFFFFF0];
	v3 =	vcvt.f32.s32 v3;
	v4 =	vcvt.f32.s32 v4;
	vm0 =	vgt.s32 v2, $0x0  }
0x153: {  	v19 =	vld [tilespmem:s13+$0x0];
	v5 =	vcvt.f32.s32 v5;
	vm1 =	vgt.s32 v9, $0x0;
	v2 =	vnsel vm0, $0x0, v2  }
0x154: {  	v21 =	vld [tilespmem:s13+$0x10];
	vm12 =	vgt.s32 v4, $0x0;
	v9 =	vnsel vm1, $0x0, v9;
	v2 =	vmin.u32 v2, $0x7CF  }
0x155: {  	v22 =	vld [tilespmem:s12+$0x10];
	vm13 =	vgt.s32 v5, $0x0;
	v4 =	vnsel vm12, $0x0, v4;
	v9 =	vmin.u32 v9, $0x7CF  }
0x156: {  	v23 =	vld [tilespmem:s13+$0x20];
	vm11 =	vgt.s32 v3, $0x0;
	v5 =	vnsel vm13, $0x0, v5;
	v4 =	vmin.u32 v4, $0x7CF  }
0x157: {  	v6 =	vcvt.f32.s32 v6;
	v3 =	vnsel vm11, $0x0, v3;
	v61 =	vmin.u32 v5, $0x7CF;
	v5 =	vld [tilespmem:s12+$0x20]  }
0x158: {  	v20 =	vld [tilespmem:s12+$0x0];
	v7 =	vcvt.f32.s32 v7;
	v8 =	vcvt.f32.s32 v8;
	v3 =	vmin.u32 v3, $0x7CF  }
0x159: {  	v62 =	vmul.f32 v17, v16;
	v63 =	vmul.f32 v60, v18;
	vm14 =	vgt.s32 v6, $0x0;
	[tilespmem:v2+s2+$0x0] =	vst.idx.add.f32.msk $0xffff, v10  }
0x15a: {  	vm15 =	vgt.s32 v7, $0x0;
	vm2 =	vgt.s32 v8, $0x0;
	v6 =	vnsel vm14, $0x0, v6;
	[tilespmem:v9+s2+$0x0] =	vst.idx.add.f32.msk $0xffff, v12  }
0x15b: {  	v7 =	vnsel vm15, $0x0, v7;
	v8 =	vnsel vm2, $0x0, v8;
	v2 =	vmul.f32 v15, v14;
	[tilespmem:v4+s2+$0x0] =	vst.idx.add.f32.msk $0xffff, v62  }
0x15c: {  	s8 =	simm.s32 $0x0;
	v6 =	vmin.u32 v6, $0x7CF;
	v4 =	vmul.f32 v22, v21;
	v5 =	vmul.f32 v5, v23;
	[tilespmem:v61+s2+$0x0] =	vst.idx.add.f32.msk $0xffff, v63  }
0x15d: {  	s21 =	sadd.s32 $0x400, s14;
	s17 =	smov.u32 s13;
	s15 =	smov.u32 s12;
	[tilespmem:v3+s2+$0x0] =	vst.idx.add.f32.msk $0xffff, v2;
	v2 =	vmin.u32 v7, $0x7CF;
	v7 =	vmul.f32 v20, v19;
	v3 =	vmin.u32 v8, $0x7CF  }
.LBB2_4:
0x15e: {  	v8 =	vld [tilespmem:s21+$0x30];
	s8 =	sadd.s32 $0x80, s8  }
0x15f: {  	v9 =	vld [tilespmem:s21+$0xFFFFFFD0];
	p0 =	slt.u32 s8, $0x180  }
0x160: {  	v10 =	vld [tilespmem:s21+$0xFFFFFFE0]  }
0x161: {  	v11 =	vld [tilespmem:s21+$0xFFFFFFF0]  }
0x162: {  	v12 =	vld [tilespmem:s21+$0x0]  }
0x163: {  	v13 =	vld [tilespmem:s21+$0x10];
	v8 =	vmul.f32 $2.000000000e+03, v8  }
0x164: {  	v9 =	vmul.f32 $2.000000000e+03, v9;
	v14 =	vld [tilespmem:s21+$0x20]  }
0x165: {  	v15 =	vld [tilespmem:s21+$0xFFFFFFC0];
	v10 =	vmul.f32 $2.000000000e+03, v10;
	v8 =	vtrunc.f32 v8  }
0x166: {  	s17 =	sadd.s32 $0x400, s17;
	v11 =	vmul.f32 $2.000000000e+03, v11;
	v8 =	vcvt.f32.s32 v8;
	[tilespmem:v6+s2+$0x0] =	vst.idx.add.f32.msk $0xffff, v7  }
0x167: {  	s15 =	sadd.s32 $0x400, s15;
	v6 =	vtrunc.f32 v9;
	v7 =	vmul.f32 $2.000000000e+03, v12;
	v9 =	vld [tilespmem:s17+$0x30]  }
0x168: {  	v10 =	vtrunc.f32 v10;
	v12 =	vmul.f32 $2.000000000e+03, v13;
	vm0 =	vgt.s32 v8, $0x0;
	v13 =	vld [tilespmem:s15+$0x30]  }
0x169: {  	v11 =	vtrunc.f32 v11;
	v16 =	vld [tilespmem:s17+$0xFFFFFFC0];
	v14 =	vmul.f32 $2.000000000e+03, v14;
	v8 =	vnsel vm0, $0x0, v8  }
0x16a: {  	v7 =	vtrunc.f32 v7;
	v15 =	vmul.f32 $2.000000000e+03, v15;
	v17 =	vld [tilespmem:s15+$0xFFFFFFC0];
	v8 =	vmin.u32 v8, $0x7CF  }
0x16b: {  	v12 =	vtrunc.f32 v12;
	v18 =	vld [tilespmem:s17+$0xFFFFFFD0];
	v14 =	vtrunc.f32 v14  }
0x16c: {  	v6 =	vcvt.f32.s32 v6;
	v15 =	vtrunc.f32 v15;
	v19 =	vld [tilespmem:s15+$0xFFFFFFD0]  }
0x16d: {  	v15 =	vcvt.f32.s32 v15;
	v20 =	vld [tilespmem:s17+$0xFFFFFFE0];
	v9 =	vmul.f32 v13, v9  }
0x16e: {  	v10 =	vcvt.f32.s32 v10;
	vm0 =	vgt.s32 v6, $0x0;
	v11 =	vcvt.f32.s32 v11;
	v13 =	vld [tilespmem:s15+$0xFFFFFFE0]  }
0x16f: {  	v7 =	vcvt.f32.s32 v7;
	v12 =	vcvt.f32.s32 v12;
	vm1 =	vgt.s32 v15, $0x0;
	[tilespmem:v8+s2+$0x0] =	vst.idx.add.f32.msk $0xffff, v9  }
0x170: {  	vm2 =	vgt.s32 v10, $0x0;
	vm3 =	vgt.s32 v11, $0x0;
	v9 =	vcvt.f32.s32 v14;
	v8 =	vld [tilespmem:s17+$0xFFFFFFF0]  }
0x171: {  	vm4 =	vgt.s32 v12, $0x0;
	v14 =	vnsel vm1, $0x0, v15;
	vm1 =	vgt.s32 v7, $0x0;
	v15 =	vld [tilespmem:s15+$0xFFFFFFF0]  }
0x172: {  	v6 =	vnsel vm0, $0x0, v6;
	v10 =	vnsel vm2, $0x0, v10;
	vm0 =	vgt.s32 v9, $0x0;
	v21 =	vld [tilespmem:s17+$0x0]  }
0x173: {  	v11 =	vnsel vm3, $0x0, v11;
	v12 =	vnsel vm4, $0x0, v12;
	v7 =	vnsel vm1, $0x0, v7;
	v22 =	vld [tilespmem:s15+$0x0]  }
0x174: {  	v16 =	vmul.f32 v17, v16;
	v17 =	vmul.f32 v19, v18;
	v9 =	vnsel vm0, $0x0, v9;
	v18 =	vld [tilespmem:s17+$0x10]  }
0x175: {  	v14 =	vmin.u32 v14, $0x7CF;
	v19 =	vmin.u32 v6, $0x7CF;
	v13 =	vmul.f32 v13, v20;
	v20 =	vld [tilespmem:s15+$0x10]  }
0x176: {  	v10 =	vmin.u32 v10, $0x7CF;
	v11 =	vmin.u32 v11, $0x7CF;
	v8 =	vmul.f32 v15, v8;
	v15 =	vld [tilespmem:s17+$0x20]  }
0x177: {  	v12 =	vmin.u32 v12, $0x7CF;
	v6 =	vmin.u32 v7, $0x7CF;
	v9 =	vmin.u32 v9, $0x7CF;
	v23 =	vld [tilespmem:s15+$0x20]  }
0x178: {  	v7 =	vmul.f32 v22, v21;
	[tilespmem:v2+s2+$0x0] =	vst.idx.add.f32.msk $0xffff, v4;
	v2 =	vmov v12  }
.Ltmp0:
0x179: {  	[tilespmem:v3+s2+$0x0] =	vst.idx.add.f32.msk $0xffff, v5;
	v3 =	vmov v9;
	(pc) =	sbr.rel @p0 .LBB2_4-.Ltmp0, $4  }
0x17a: {  	[tilespmem:v14+s2+$0x0] =	vst.idx.add.f32.msk $0xffff, v16;
	v4 =	vmul.f32 v20, v18  }
0x17b: {  	[tilespmem:v19+s2+$0x0] =	vst.idx.add.f32.msk $0xffff, v17  }
0x17c: {  	[tilespmem:v10+s2+$0x0] =	vst.idx.add.f32.msk $0xffff, v13;
	v5 =	vmul.f32 v23, v15  }
0x17d: {  	s21 =	sadd.s32 $0x400, s21;
	[tilespmem:v11+s2+$0x0] =	vst.idx.add.f32.msk $0xffff, v8  }
0x17e: {  	_ =	sdelay $0x3  }
0x17f: {  	[tilespmem:v6+s2+$0x0] =	vst.idx.add.f32.msk $0xffff, v7  }
0x180: {  	[tilespmem:v2+s2+$0x0] =	vst.idx.add.f32.msk $0xffff, v4  }
0x181: {  	[tilespmem:v3+s2+$0x0] =	vst.idx.add.f32.msk $0xffff, v5  }
0x182: {  	v2 =	vld [tilespmem:s18+$0x30]  }
0x183: {  	v3 =	vld [tilespmem:s18+$0xFFFFFFD0]  }
0x184: {  	v4 =	vld [tilespmem:s18+$0xFFFFFFE0]  }
0x185: {  	v5 =	vld [tilespmem:s18+$0xFFFFFFF0]  }
0x186: {  	v6 =	vld [tilespmem:s18+$0x0]  }
0x187: {  	v7 =	vld [tilespmem:s18+$0x10]  }
0x188: {  	v8 =	vld [tilespmem:s18+$0x20]  }
0x189: {  	v9 =	vld [tilespmem:s18+$0xFFFFFFC0]  }
0x18a: {  	v10 =	vld [tilespmem:s25+$0x30]  }
0x18b: {  	v11 =	vld [tilespmem:s26+$0x30]  }
0x18c: {  	v2 =	vmul.f32 $2.000000000e+03, v2;
	v3 =	vmul.f32 $2.000000000e+03, v3  }
0x18d: {  	v4 =	vmul.f32 $2.000000000e+03, v4;
	v5 =	vmul.f32 $2.000000000e+03, v5  }
0x18e: {  	v6 =	vmul.f32 $2.000000000e+03, v6;
	v7 =	vmul.f32 $2.000000000e+03, v7  }
0x18f: {  	v12 =	vld [tilespmem:s25+$0xFFFFFFC0];
	v9 =	vmul.f32 $2.000000000e+03, v9;
	v8 =	vmul.f32 $2.000000000e+03, v8  }
0x190: {  	v13 =	vld [tilespmem:s26+$0xFFFFFFC0];
	v10 =	vmul.f32 v11, v10;
	v2 =	vtrunc.f32 v2  }
0x191: {  	v14 =	vld [tilespmem:s25+$0xFFFFFFD0];
	v3 =	vtrunc.f32 v3;
	v4 =	vtrunc.f32 v4  }
0x192: {  	v15 =	vld [tilespmem:s26+$0xFFFFFFD0];
	v5 =	vtrunc.f32 v5;
	v6 =	vtrunc.f32 v6  }
0x193: {  	v16 =	vld [tilespmem:s25+$0xFFFFFFE0];
	v7 =	vtrunc.f32 v7;
	v9 =	vtrunc.f32 v9  }
0x194: {  	v17 =	vld [tilespmem:s26+$0xFFFFFFE0];
	v8 =	vtrunc.f32 v8;
	v2 =	vcvt.f32.s32 v2  }
0x195: {  	v18 =	vld [tilespmem:s25+$0xFFFFFFF0];
	v3 =	vcvt.f32.s32 v3;
	v9 =	vcvt.f32.s32 v9  }
0x196: {  	v19 =	vld [tilespmem:s25+$0x0];
	v4 =	vcvt.f32.s32 v4;
	v5 =	vcvt.f32.s32 v5;
	vm0 =	vgt.s32 v2, $0x0  }
0x197: {  	v20 =	vld [tilespmem:s26+$0x0];
	v6 =	vcvt.f32.s32 v6;
	vm1 =	vgt.s32 v9, $0x0;
	v2 =	vnsel vm0, $0x0, v2  }
0x198: {  	v11 =	vld [tilespmem:s26+$0xFFFFFFF0];
	vm13 =	vgt.s32 v5, $0x0;
	v9 =	vnsel vm1, $0x0, v9;
	v2 =	vmin.u32 v2, $0x7CF  }
0x199: {  	v21 =	vld [tilespmem:s25+$0x10];
	vm11 =	vgt.s32 v3, $0x0;
	v5 =	vnsel vm13, $0x0, v5;
	v9 =	vmin.u32 v9, $0x7CF  }
0x19a: {  	v23 =	vld [tilespmem:s25+$0x20];
	vm12 =	vgt.s32 v4, $0x0;
	v3 =	vnsel vm11, $0x0, v3;
	v62 =	vmin.u32 v5, $0x7CF  }
0x19b: {  	v7 =	vcvt.f32.s32 v7;
	v4 =	vnsel vm12, $0x0, v4;
	v3 =	vmin.u32 v3, $0x7CF;
	v5 =	vld [tilespmem:s26+$0x20]  }
0x19c: {  	v22 =	vld [tilespmem:s26+$0x10];
	v12 =	vmul.f32 v13, v12;
	v8 =	vcvt.f32.s32 v8;
	v4 =	vmin.u32 v4, $0x7CF  }
0x19d: {  	vm14 =	vgt.s32 v6, $0x0;
	vm15 =	vgt.s32 v7, $0x0;
	v11 =	vmul.f32 v11, v18;
	[tilespmem:v2+s6+$0x0] =	vst.idx.add.f32.msk $0xffff, v10  }
0x19e: {  	vm2 =	vgt.s32 v8, $0x0;
	v6 =	vnsel vm14, $0x0, v6;
	v2 =	vmul.f32 v15, v14;
	[tilespmem:v9+s6+$0x0] =	vst.idx.add.f32.msk $0xffff, v12  }
0x19f: {  	v63 =	vnsel vm2, $0x0, v8;
	v8 =	vmul.f32 v20, v19;
	v9 =	vmul.f32 v17, v16;
	[tilespmem:v62+s6+$0x0] =	vst.idx.add.f32.msk $0xffff, v11  }
0x1a0: {  	s22 =	simm.s32 $0x0;
	s8 =	simm.s32 $0xC040;
	s21 =	simm.s32 $0xC840;
	v10 =	vnsel vm15, $0x0, v7;
	v7 =	vmin.u32 v6, $0x7CF;
	v5 =	vmul.f32 v5, v23;
	[tilespmem:v3+s6+$0x0] =	vst.idx.add.f32.msk $0xffff, v2  }
0x1a1: {  	s24 =	sadd.s32 $0x400, s18;
	s17 =	smov.u32 s25;
	s15 =	smov.u32 s26;
	v2 =	vmin.u32 v10, $0x7CF;
	[tilespmem:v4+s6+$0x0] =	vst.idx.add.f32.msk $0xffff, v9;
	v3 =	vmin.u32 v63, $0x7CF;
	v4 =	vmul.f32 v22, v21  }
.LBB2_6:
0x1a2: {  	v6 =	vld [tilespmem:s24+$0x30];
	s22 =	sadd.s32 $0x80, s22  }
0x1a3: {  	v9 =	vld [tilespmem:s24+$0xFFFFFFD0];
	p0 =	slt.u32 s22, $0x180  }
0x1a4: {  	v10 =	vld [tilespmem:s24+$0xFFFFFFE0]  }
0x1a5: {  	v11 =	vld [tilespmem:s24+$0xFFFFFFF0]  }
0x1a6: {  	v12 =	vld [tilespmem:s24+$0x0]  }
0x1a7: {  	v13 =	vld [tilespmem:s24+$0x10];
	v6 =	vmul.f32 $2.000000000e+03, v6  }
0x1a8: {  	v9 =	vmul.f32 $2.000000000e+03, v9;
	v14 =	vld [tilespmem:s24+$0x20]  }
0x1a9: {  	v15 =	vld [tilespmem:s24+$0xFFFFFFC0];
	v10 =	vmul.f32 $2.000000000e+03, v10;
	v6 =	vtrunc.f32 v6  }
0x1aa: {  	s17 =	sadd.s32 $0x400, s17;
	v11 =	vmul.f32 $2.000000000e+03, v11;
	v6 =	vcvt.f32.s32 v6;
	[tilespmem:v7+s6+$0x0] =	vst.idx.add.f32.msk $0xffff, v8  }
0x1ab: {  	s15 =	sadd.s32 $0x400, s15;
	v7 =	vtrunc.f32 v9;
	v8 =	vmul.f32 $2.000000000e+03, v12;
	v9 =	vld [tilespmem:s17+$0x30]  }
0x1ac: {  	v10 =	vtrunc.f32 v10;
	v12 =	vmul.f32 $2.000000000e+03, v13;
	vm0 =	vgt.s32 v6, $0x0;
	v13 =	vld [tilespmem:s15+$0x30]  }
0x1ad: {  	v11 =	vtrunc.f32 v11;
	v16 =	vld [tilespmem:s17+$0xFFFFFFC0];
	v14 =	vmul.f32 $2.000000000e+03, v14;
	v6 =	vnsel vm0, $0x0, v6  }
0x1ae: {  	v8 =	vtrunc.f32 v8;
	v15 =	vmul.f32 $2.000000000e+03, v15;
	v17 =	vld [tilespmem:s15+$0xFFFFFFC0];
	v18 =	vmin.u32 v6, $0x7CF  }
0x1af: {  	v12 =	vtrunc.f32 v12;
	v19 =	vld [tilespmem:s17+$0xFFFFFFD0];
	v14 =	vtrunc.f32 v14  }
0x1b0: {  	v7 =	vcvt.f32.s32 v7;
	v6 =	vtrunc.f32 v15;
	v15 =	vld [tilespmem:s15+$0xFFFFFFD0]  }
0x1b1: {  	v20 =	vcvt.f32.s32 v6;
	v21 =	vld [tilespmem:s17+$0xFFFFFFE0];
	v9 =	vmul.f32 v13, v9;
	v6 =	vimm.f32 $0.0e+00  }
0x1b2: {  	v10 =	vcvt.f32.s32 v10;
	vm0 =	vgt.s32 v7, $0x0;
	v11 =	vcvt.f32.s32 v11;
	v13 =	vld [tilespmem:s15+$0xFFFFFFE0]  }
0x1b3: {  	v8 =	vcvt.f32.s32 v8;
	v12 =	vcvt.f32.s32 v12;
	vm1 =	vgt.s32 v20, $0x0;
	[tilespmem:v18+s6+$0x0] =	vst.idx.add.f32.msk $0xffff, v9  }
0x1b4: {  	vm2 =	vgt.s32 v10, $0x0;
	vm3 =	vgt.s32 v11, $0x0;
	v14 =	vcvt.f32.s32 v14;
	v9 =	vld [tilespmem:s17+$0xFFFFFFF0]  }
0x1b5: {  	vm4 =	vgt.s32 v12, $0x0;
	v18 =	vnsel vm1, $0x0, v20;
	vm1 =	vgt.s32 v8, $0x0;
	v20 =	vld [tilespmem:s15+$0xFFFFFFF0]  }
0x1b6: {  	v7 =	vnsel vm0, $0x0, v7;
	v10 =	vnsel vm2, $0x0, v10;
	vm0 =	vgt.s32 v14, $0x0;
	v22 =	vld [tilespmem:s17+$0x0]  }
0x1b7: {  	v11 =	vnsel vm3, $0x0, v11;
	v12 =	vnsel vm4, $0x0, v12;
	v8 =	vnsel vm1, $0x0, v8;
	v23 =	vld [tilespmem:s15+$0x0]  }
0x1b8: {  	v16 =	vmul.f32 v17, v16;
	v14 =	vnsel vm0, $0x0, v14;
	v15 =	vmul.f32 v15, v19;
	v17 =	vld [tilespmem:s17+$0x10]  }
0x1b9: {  	v18 =	vmin.u32 v18, $0x7CF;
	v19 =	vmin.u32 v7, $0x7CF;
	v13 =	vmul.f32 v13, v21;
	v21 =	vld [tilespmem:s15+$0x10]  }
0x1ba: {  	v10 =	vmin.u32 v10, $0x7CF;
	v11 =	vmin.u32 v11, $0x7CF;
	v9 =	vmul.f32 v20, v9;
	v20 =	vld [tilespmem:s17+$0x20]  }
0x1bb: {  	v12 =	vmin.u32 v12, $0x7CF;
	v14 =	vmin.u32 v14, $0x7CF;
	v7 =	vmin.u32 v8, $0x7CF;
	v24 =	vld [tilespmem:s15+$0x20]  }
0x1bc: {  	v8 =	vmul.f32 v23, v22;
	[tilespmem:v2+s6+$0x0] =	vst.idx.add.f32.msk $0xffff, v4;
	v2 =	vmov v12  }
.Ltmp1:
0x1bd: {  	[tilespmem:v3+s6+$0x0] =	vst.idx.add.f32.msk $0xffff, v5;
	v3 =	vmov v14;
	(pc) =	sbr.rel @p0 .LBB2_6-.Ltmp1, $4  }
0x1be: {  	[tilespmem:v18+s6+$0x0] =	vst.idx.add.f32.msk $0xffff, v16;
	v4 =	vmul.f32 v21, v17  }
0x1bf: {  	[tilespmem:v19+s6+$0x0] =	vst.idx.add.f32.msk $0xffff, v15  }
0x1c0: {  	[tilespmem:v10+s6+$0x0] =	vst.idx.add.f32.msk $0xffff, v13;
	v5 =	vmul.f32 v24, v20  }
0x1c1: {  	s24 =	sadd.s32 $0x400, s24;
	[tilespmem:v11+s6+$0x0] =	vst.idx.add.f32.msk $0xffff, v9  }
0x1c2: {  	_ =	sdelay $0x3  }
0x1c3: {  	[tilespmem:v7+s6+$0x0] =	vst.idx.add.f32.msk $0xffff, v8  }
0x1c4: {  	[tilespmem:v2+s6+$0x0] =	vst.idx.add.f32.msk $0xffff, v4  }
0x1c5: {  	[tilespmem:v3+s6+$0x0] =	vst.idx.add.f32.msk $0xffff, v5  }
0x1c6: {  	v2 =	vld [tilespmem:s8+$0xFFFFFFC0]  }
0x1c7: {  	v3 =	vld [tilespmem:s21+$0xFFFFFFC0]  }
0x1c8: {  	v4 =	vld [tilespmem:s8+$0xFFFFFFD0]  }
0x1c9: {  	v5 =	vld [tilespmem:s21+$0xFFFFFFD0]  }
0x1ca: {  	[tilespmem:s8+$0xFFFFFFC0] =	vst v0;
	v7 =	vld [tilespmem:s8+$0xFFFFFFE0]  }
0x1cb: {  	[tilespmem:s8+$0xFFFFFFD0] =	vst v0;
	v8 =	vld [tilespmem:s21+$0xFFFFFFE0]  }
0x1cc: {  	[tilespmem:s8+$0xFFFFFFE0] =	vst v0;
	v12 =	vld [tilespmem:s21+$0xFFFFFFF0]  }
0x1cd: {  	[tilespmem:s8+$0xFFFFFFF0] =	vst v0;
	v13 =	vld [tilespmem:s8+$0x0]  }
0x1ce: {  	v15 =	vld [tilespmem:s21+$0x0];
	[tilespmem:s8+$0x0] =	vst v0  }
0x1cf: {  	[tilespmem:s21+$0xFFFFFFC0] =	vst v0;
	v9 =	vmul.f32 v2, v2  }
0x1d0: {  	v10 =	vld [tilespmem:s8+$0xFFFFFFF0];
	[tilespmem:s21+$0xFFFFFFD0] =	vst v0;
	v11 =	vmul.f32 v3, v3;
	v2 =	vmul.f32 v3, v2  }
0x1d1: {  	[tilespmem:s21+$0xFFFFFFE0] =	vst v0;
	v14 =	vmul.f32 v5, v5;
	v3 =	vadd.f32 v9, v6;
	v9 =	vmul.f32 v4, v4  }
0x1d2: {  	[tilespmem:s21+$0xFFFFFFF0] =	vst v0;
	v11 =	vadd.f32 v11, v6;
	v6 =	vadd.f32 v2, v6;
	v4 =	vmul.f32 v5, v4;
	v2 =	vld [tilespmem:s8+$0x10]  }
0x1d3: {  	[tilespmem:s21+$0x0] =	vst v0;
	v16 =	vmul.f32 v8, v8;
	v5 =	vld [tilespmem:s21+$0x10];
	v3 =	vadd.f32 v9, v3;
	v9 =	vmul.f32 v7, v7  }
0x1d4: {  	[tilespmem:s8+$0x10] =	vst v0;
	v11 =	vadd.f32 v14, v11;
	v4 =	vadd.f32 v4, v6;
	v7 =	vmul.f32 v8, v7;
	v6 =	vld [tilespmem:s21+$0x20]  }
0x1d5: {  	v17 =	vmul.f32 v12, v10;
	[tilespmem:s21+$0x10] =	vst v0;
	v8 =	vadd.f32 v9, v3;
	v3 =	vld [tilespmem:s8+$0x20];
	v9 =	vmul.f32 v10, v10  }
0x1d6: {  	v14 =	vmul.f32 v12, v12;
	v11 =	vadd.f32 v16, v11;
	v63 =	vadd.f32 v7, v4;
	[tilespmem:s8+$0x20] =	vst v0;
	v4 =	vld [tilespmem:s8+$0x30]  }
0x1d7: {  	v12 =	vmul.f32 v13, v13;
	v13 =	vmul.f32 v15, v13;
	v7 =	vld [tilespmem:s21+$0x30];
	[tilespmem:s8+$0x30] =	vst v0;
	v10 =	vadd.f32 v9, v8  }
0x1d8: {  	s15 =	simm.s32 $0x0;
	s8 =	simm.s32 $0xC0C0;
	[tilespmem:s21+$0x20] =	vst v0;
	v9 =	vadd.f32 v14, v11;
	v8 =	vmul.f32 v15, v15;
	v11 =	vadd.f32 v17, v63  }
.LBB2_8:
0x1d9: {  	v14 =	vld [tilespmem:s8+$0xFFFFFFC0];
	v10 =	vadd.f32 v12, v10;
	v12 =	vmul.f32 v2, v2;
	v15 =	vmul.f32 v5, v5;
	[tilespmem:s21+$0x30] =	vst v0;
	s21 =	sadd.s32 $0x80, s21  }
0x1da: {  	v2 =	vmul.f32 v5, v2;
	v16 =	vld [tilespmem:s21+$0xFFFFFFC0];
	[tilespmem:s8+$0xFFFFFFC0] =	vst v0;
	v8 =	vadd.f32 v8, v9;
	v9 =	vadd.f32 v13, v11  }
0x1db: {  	s15 =	sadd.s32 $0x80, s15;
	v11 =	vmul.f32 v3, v3;
	[tilespmem:s21+$0xFFFFFFC0] =	vst v0;
	v5 =	vld [tilespmem:s8+$0xFFFFFFD0];
	v10 =	vadd.f32 v12, v10;
	v12 =	vmul.f32 v6, v6  }
0x1dc: {  	p0 =	slt.u32 s15, $0x700;
	v3 =	vmul.f32 v6, v3;
	v13 =	vld [tilespmem:s21+$0xFFFFFFD0];
	[tilespmem:s8+$0xFFFFFFD0] =	vst v0;
	v8 =	vadd.f32 v15, v8;
	v2 =	vadd.f32 v2, v9  }
0x1dd: {  	[tilespmem:s21+$0xFFFFFFD0] =	vst v0;
	v6 =	vld [tilespmem:s8+$0xFFFFFFE0];
	v9 =	vadd.f32 v11, v10;
	v10 =	vmul.f32 v4, v4;
	v11 =	vmul.f32 v7, v7  }
0x1de: {  	v15 =	vld [tilespmem:s21+$0xFFFFFFE0];
	[tilespmem:s8+$0xFFFFFFE0] =	vst v0;
	v8 =	vadd.f32 v12, v8;
	v2 =	vadd.f32 v3, v2;
	v3 =	vmul.f32 v7, v4  }
0x1df: {  	v4 =	vmul.f32 v14, v14;
	v7 =	vmul.f32 v16, v16;
	[tilespmem:s21+$0xFFFFFFE0] =	vst v0;
	v12 =	vld [tilespmem:s8+$0xFFFFFFF0];
	v9 =	vadd.f32 v10, v9  }
0x1e0: {  	s17 =	simm.s32 $0x770;
	s22 =	simm.s32 $0xCF80;
	s24 =	simm.s32 $0xC780;
	v10 =	vmul.f32 v16, v14;
	v14 =	vld [tilespmem:s21+$0xFFFFFFF0];
	[tilespmem:s8+$0xFFFFFFF0] =	vst v0;
	v8 =	vadd.f32 v11, v8;
	v2 =	vadd.f32 v3, v2  }
0x1e1: {  	v3 =	vadd.f32 v4, v9;
	v4 =	vmul.f32 v5, v5;
	v9 =	vmul.f32 v13, v13;
	[tilespmem:s21+$0xFFFFFFF0] =	vst v0;
	v16 =	vld [tilespmem:s8+$0x0]  }
0x1e2: {  	v5 =	vmul.f32 v13, v5;
	v7 =	vadd.f32 v7, v8;
	v8 =	vadd.f32 v10, v2;
	v13 =	vld [tilespmem:s21+$0x0];
	[tilespmem:s8+$0x0] =	vst v0  }
0x1e3: {  	v3 =	vadd.f32 v4, v3;
	v4 =	vmul.f32 v6, v6;
	v10 =	vmul.f32 v15, v15;
	[tilespmem:s21+$0x0] =	vst v0;
	v2 =	vld [tilespmem:s8+$0x10]  }
.Ltmp2:
0x1e4: {  	v6 =	vmul.f32 v15, v6;
	v7 =	vadd.f32 v9, v7;
	v8 =	vadd.f32 v5, v8;
	v5 =	vld [tilespmem:s21+$0x10];
	[tilespmem:s8+$0x10] =	vst v0;
	(pc) =	sbr.rel @p0 .LBB2_8-.Ltmp2, $4  }
0x1e5: {  	v9 =	vmul.f32 v12, v12;
	v4 =	vadd.f32 v4, v3;
	v11 =	vmul.f32 v14, v14;
	[tilespmem:s21+$0x10] =	vst v0;
	v3 =	vld [tilespmem:s8+$0x20]  }
0x1e6: {  	v14 =	vmul.f32 v14, v12;
	v7 =	vadd.f32 v10, v7;
	v15 =	vadd.f32 v6, v8;
	v6 =	vld [tilespmem:s21+$0x20];
	[tilespmem:s8+$0x20] =	vst v0  }
0x1e7: {  	v12 =	vmul.f32 v16, v16;
	v10 =	vadd.f32 v9, v4;
	v8 =	vmul.f32 v13, v13;
	[tilespmem:s21+$0x20] =	vst v0;
	v4 =	vld [tilespmem:s8+$0x30]  }
0x1e8: {  	v13 =	vmul.f32 v13, v16;
	v9 =	vadd.f32 v11, v7;
	v11 =	vadd.f32 v14, v15;
	v7 =	vld [tilespmem:s21+$0x30];
	[tilespmem:s8+$0x30] =	vst v0;
	s8 =	sadd.s32 $0x80, s8  }
0x1e9: {  	v10 =	vadd.f32 v12, v10;
	v59 =	vmul.f32 v2, v2;
	v14 =	vmul.f32 v5, v5  }
0x1ea: {  	v2 =	vmul.f32 v5, v2;
	v8 =	vadd.f32 v8, v9;
	v60 =	vadd.f32 v13, v11  }
0x1eb: {  	v61 =	vmul.f32 v3, v3;
	v5 =	vadd.f32 v59, v10;
	v62 =	vmul.f32 v6, v6  }
0x1ec: {  	v3 =	vmul.f32 v6, v3;
	v8 =	vadd.f32 v14, v8;
	v2 =	vadd.f32 v2, v60  }
0x1ed: {  	v6 =	vmul.f32 v4, v4;
	v5 =	vadd.f32 v61, v5;
	v63 =	vmul.f32 v7, v7  }
0x1ee: {  	v7 =	vmul.f32 v7, v4;
	v8 =	vadd.f32 v62, v8;
	v2 =	vadd.f32 v3, v2  }
0x1ef: {  	v4 =	vadd.f32 v6, v5  }
0x1f0: {  	[tilespmem:s21+$0x30] =	vst v0;
	v3 =	vadd.f32 v63, v8;
	v2 =	vadd.f32 v7, v2  }
.LBB2_10:
0x1f1: {  	v5 =	vld [tilespmem:s24+$0x0]  }
0x1f2: {  	v6 =	vld [tilespmem:s22+$0x0]  }
0x1f3: {  	s17 =	sadd.s32 $0x10, s17  }
0x1f4: {  	p0 =	slt.u32 s17, $0x7C0  }
.Ltmp3:
0x1f5: {  	_ = 	snop;
	(pc) =	sbr.rel @p0 .LBB2_10-.Ltmp3, $4  }
0x1f6: {  	v7 =	vmul.f32 v5, v5  }
0x1f7: {  	v8 =	vmul.f32 v6, v6;
	v5 =	vmul.f32 v6, v5  }
0x1f8: {  	[tilespmem:s24+$0x0] =	vst v0;
	v4 =	vadd.f32 v7, v4  }
0x1f9: {  	s24 =	sadd.s32 $0x10, s24;
	[tilespmem:s22+$0x0] =	vst v0;
	s22 =	sadd.s32 $0x10, s22;
	v3 =	vadd.f32 v8, v3;
	v2 =	vadd.f32 v5, v2  }
0x1fa: {  	s8 =	sshll.u32 s11, $0x7;
	s11 =	sadd.s32 $0x1, s11  }
0x1fb: {  	p0 =	sne.s32 s11, $0x8  }
.Ltmp4:
0x1fc: {  	_ = 	snop;
	(pc) =	sbr.rel @p0 .LBB2_3-.Ltmp4, $4  }
0x1fd: {  	s8 =	sand.u32 $0x3FFFFF80, s8  }
0x1fe: {  	[tilespmem:v1+s8+$0x0 ss:$0x1] =	vst.idx.msk $0xffff, v4  }
0x1ff: {  	s12 =	sadd.s32 $0x80, s12;
	s13 =	sadd.s32 $0x80, s13;
	s14 =	sadd.s32 $0x80, s14;
	[tilespmem:v1+s8+$0x10 ss:$0x1] =	vst.idx.msk $0xffff, v3  }
0x200: {  	s26 =	sadd.s32 $0x80, s26;
	s25 =	sadd.s32 $0x80, s25;
	s18 =	sadd.s32 $0x80, s18;
	[tilespmem:v1+s8+$0x20 ss:$0x1] =	vst.idx.msk $0xffff, v2  }
0x201: {  	p0 =	seq.s32 s23, $0xF  }
0x202: {  	s8 =	sadd.s32 @!p0 s10, s16  }
0x203: {  	s8 =	sshll.u32 @!p0 s8, $0x6  }
0x204: {  	s11 =	simm.s32 @!p0 $0x0;
	s10 =	sadd.s32 @!p0 s0, s8  }
0x205: {  	[tilespmem:s11], [sflag:$0x1] =	stream.linear.gather @!p0 [hbm4b:s10+s11], $0x1000, $0x38;
	[tilespmem:$0x15000] =	vst v63  }
0x206: {  	s12 =	simm.s32 @!p0 $0x2000;
	s10 =	sadd.s32 @!p0 s1, s8  }
0x207: {  	[tilespmem:s12], [sflag:$0x1] =	stream.linear.gather @!p0 [hbm4b:s10+s11], $0x1000, $0x38;
	[tilespmem:$0x15000] =	vst v63  }
0x208: {  	s10 =	sadd.s32 @!p0 s3, s8;
	s12 =	simm.s32 @!p0 $0x4000  }
0x209: {  	[tilespmem:s12], [sflag:$0x1] =	stream.linear.gather @!p0 [hbm4b:s10+s11], $0x1000, $0x38;
	[tilespmem:$0x15000] =	vst v63  }
0x20a: {  	s10 =	sadd.s32 @!p0 s4, s8;
	s12 =	simm.s32 @!p0 $0x6000  }
0x20b: {  	[tilespmem:s12], [sflag:$0x1] =	stream.linear.gather @!p0 [hbm4b:s10+s11], $0x1000, $0x38;
	[tilespmem:$0x15000] =	vst v63  }
0x20c: {  	s10 =	sadd.s32 @!p0 s5, s8;
	s12 =	simm.s32 @!p0 $0x8000  }
0x20d: {  	[tilespmem:s12], [sflag:$0x1] =	stream.linear.gather @!p0 [hbm4b:s10+s11], $0x1000, $0x38;
	[tilespmem:$0x15000] =	vst v63  }
0x20e: {  	s8 =	sadd.s32 @!p0 s7, s8;
	s10 =	simm.s32 @!p0 $0xA000  }
0x20f: {  	[tilespmem:s10], [sflag:$0x1] =	stream.linear.gather @!p0 [hbm4b:s8+s11], $0x1000, $0x38;
	[tilespmem:$0x15000] =	vst v63  }
0x210: {  	_ =	swait.ge [sflag:s19], $0x1000  }
0x211: {  	[sflag:s19] =	ssyncset.done $0x0  }
0x212: {  	[sflag:s19] =	ssyncadd.s32 $0xFFFFF000  }
0x213: {  	_ =	swait.ge [sflag:s19], $0x1000  }
0x214: {  	[sflag:s19] =	ssyncset.done $0x0  }
0x215: {  	[sflag:s19] =	ssyncadd.s32 $0xFFFFF000  }
0x216: {  	_ =	swait.ge [sflag:s19], $0x1000  }
0x217: {  	[sflag:s19] =	ssyncset.done $0x0  }
0x218: {  	[sflag:s19] =	ssyncadd.s32 $0xFFFFF000  }
0x219: {  	_ =	swait.ge [sflag:s19], $0x1000  }
0x21a: {  	[sflag:s19] =	ssyncset.done $0x0  }
0x21b: {  	[sflag:s19] =	ssyncadd.s32 $0xFFFFF000  }
0x21c: {  	_ =	swait.ge [sflag:s19], $0x1000  }
0x21d: {  	[sflag:s19] =	ssyncset.done $0x0  }
0x21e: {  	s13 =	simm.s32 $0x1070;
	[sflag:s19] =	ssyncadd.s32 $0xFFFFF000  }
0x21f: {  	s14 =	simm.s32 $0xB070;
	s15 =	simm.s32 $0x9070;
	_ =	swait.ge [sflag:s19], $0x1000  }
0x220: {  	s17 =	simm.s32 $0x7070;
	s12 =	simm.s32 $0x3070;
	[sflag:s19] =	ssyncset.done $0x0  }
0x221: {  	s10 =	simm.s32 $0x0;
	s11 =	simm.s32 $0x5070;
	[sflag:s19] =	ssyncadd.s32 $0xFFFFF000  }
.LBB2_13:
0x222: {  	v1 =	vld [tilespmem:s13+$0x0]  }
0x223: {  	v2 =	vld [tilespmem:s13+$0xFFFFFFA0]  }
0x224: {  	v3 =	vld [tilespmem:s13+$0xFFFFFFB0]  }
0x225: {  	v4 =	vld [tilespmem:s13+$0xFFFFFFC0]  }
0x226: {  	v5 =	vld [tilespmem:s13+$0xFFFFFFD0]  }
0x227: {  	v6 =	vld [tilespmem:s13+$0xFFFFFFE0]  }
0x228: {  	v7 =	vld [tilespmem:s13+$0xFFFFFFF0]  }
0x229: {  	v8 =	vld [tilespmem:s13+$0xFFFFFF90]  }
0x22a: {  	v9 =	vld [tilespmem:s12+$0x0]  }
0x22b: {  	v10 =	vld [tilespmem:s11+$0x0]  }
0x22c: {  	v1 =	vmul.f32 $2.000000000e+03, v1;
	v2 =	vmul.f32 $2.000000000e+03, v2  }
0x22d: {  	v3 =	vmul.f32 $2.000000000e+03, v3;
	v4 =	vmul.f32 $2.000000000e+03, v4  }
0x22e: {  	v5 =	vmul.f32 $2.000000000e+03, v5;
	v6 =	vmul.f32 $2.000000000e+03, v6  }
0x22f: {  	v11 =	vld [tilespmem:s12+$0xFFFFFF90];
	v8 =	vmul.f32 $2.000000000e+03, v8;
	v7 =	vmul.f32 $2.000000000e+03, v7  }
0x230: {  	v12 =	vld [tilespmem:s11+$0xFFFFFF90];
	v9 =	vmul.f32 v10, v9;
	v1 =	vtrunc.f32 v1  }
0x231: {  	v13 =	vld [tilespmem:s12+$0xFFFFFFA0];
	v2 =	vtrunc.f32 v2;
	v3 =	vtrunc.f32 v3  }
0x232: {  	v14 =	vld [tilespmem:s11+$0xFFFFFFA0];
	v4 =	vtrunc.f32 v4;
	v5 =	vtrunc.f32 v5  }
0x233: {  	v15 =	vld [tilespmem:s12+$0xFFFFFFB0];
	v6 =	vtrunc.f32 v6;
	v8 =	vtrunc.f32 v8  }
0x234: {  	v16 =	vld [tilespmem:s11+$0xFFFFFFB0];
	v7 =	vtrunc.f32 v7;
	v1 =	vcvt.f32.s32 v1  }
0x235: {  	v17 =	vld [tilespmem:s12+$0xFFFFFFC0];
	v2 =	vcvt.f32.s32 v2;
	v8 =	vcvt.f32.s32 v8  }
0x236: {  	v61 =	vld [tilespmem:s11+$0xFFFFFFC0];
	v3 =	vcvt.f32.s32 v3;
	v4 =	vcvt.f32.s32 v4;
	vm0 =	vgt.s32 v1, $0x0  }
0x237: {  	v18 =	vld [tilespmem:s12+$0xFFFFFFD0];
	v5 =	vcvt.f32.s32 v5;
	vm1 =	vgt.s32 v8, $0x0;
	v1 =	vnsel vm0, $0x0, v1  }
0x238: {  	v19 =	vld [tilespmem:s11+$0xFFFFFFD0];
	vm13 =	vgt.s32 v4, $0x0;
	v8 =	vnsel vm1, $0x0, v8;
	v1 =	vmin.u32 v1, $0x7CF  }
0x239: {  	v20 =	vld [tilespmem:s12+$0xFFFFFFE0];
	vm11 =	vgt.s32 v2, $0x0;
	v4 =	vnsel vm13, $0x0, v4;
	v8 =	vmin.u32 v8, $0x7CF  }
0x23a: {  	v22 =	vld [tilespmem:s12+$0xFFFFFFF0];
	vm12 =	vgt.s32 v3, $0x0;
	v2 =	vnsel vm11, $0x0, v2;
	v62 =	vmin.u32 v4, $0x7CF  }
0x23b: {  	v6 =	vcvt.f32.s32 v6;
	v3 =	vnsel vm12, $0x0, v3;
	v2 =	vmin.u32 v2, $0x7CF;
	v4 =	vld [tilespmem:s11+$0xFFFFFFF0]  }
0x23c: {  	v21 =	vld [tilespmem:s11+$0xFFFFFFE0];
	v11 =	vmul.f32 v12, v11;
	v7 =	vcvt.f32.s32 v7;
	v3 =	vmin.u32 v3, $0x7CF  }
0x23d: {  	v63 =	vmul.f32 v61, v17;
	vm14 =	vgt.s32 v5, $0x0;
	vm15 =	vgt.s32 v6, $0x0;
	[tilespmem:v1+s2+$0x0] =	vst.idx.add.f32.msk $0xffff, v9  }
0x23e: {  	vm2 =	vgt.s32 v7, $0x0;
	v5 =	vnsel vm14, $0x0, v5;
	v1 =	vmul.f32 v14, v13;
	[tilespmem:v8+s2+$0x0] =	vst.idx.add.f32.msk $0xffff, v11  }
0x23f: {  	v6 =	vnsel vm15, $0x0, v6;
	v7 =	vnsel vm2, $0x0, v7;
	v8 =	vmul.f32 v16, v15;
	[tilespmem:v62+s2+$0x0] =	vst.idx.add.f32.msk $0xffff, v63  }
0x240: {  	s8 =	simm.s32 $0x0;
	v5 =	vmin.u32 v5, $0x7CF;
	v4 =	vmul.f32 v4, v22;
	[tilespmem:v2+s2+$0x0] =	vst.idx.add.f32.msk $0xffff, v1;
	v1 =	vmin.u32 v6, $0x7CF  }
0x241: {  	s18 =	sadd.s32 $0x400, s13;
	s21 =	smov.u32 s12;
	s22 =	smov.u32 s11;
	v6 =	vmul.f32 v19, v18;
	[tilespmem:v3+s2+$0x0] =	vst.idx.add.f32.msk $0xffff, v8;
	v2 =	vmin.u32 v7, $0x7CF;
	v3 =	vmul.f32 v21, v20  }
.LBB2_14:
0x242: {  	v7 =	vld [tilespmem:s18+$0x0];
	s8 =	sadd.s32 $0x80, s8  }
0x243: {  	v8 =	vld [tilespmem:s18+$0xFFFFFFA0];
	p0 =	slt.u32 s8, $0x180  }
0x244: {  	v9 =	vld [tilespmem:s18+$0xFFFFFFB0]  }
0x245: {  	v10 =	vld [tilespmem:s18+$0xFFFFFFC0]  }
0x246: {  	v11 =	vld [tilespmem:s18+$0xFFFFFFD0]  }
0x247: {  	v12 =	vld [tilespmem:s18+$0xFFFFFFE0];
	v7 =	vmul.f32 $2.000000000e+03, v7  }
0x248: {  	v8 =	vmul.f32 $2.000000000e+03, v8;
	v13 =	vld [tilespmem:s18+$0xFFFFFFF0]  }
0x249: {  	v14 =	vld [tilespmem:s18+$0xFFFFFF90];
	v9 =	vmul.f32 $2.000000000e+03, v9;
	v7 =	vtrunc.f32 v7  }
0x24a: {  	s21 =	sadd.s32 $0x400, s21;
	v10 =	vmul.f32 $2.000000000e+03, v10;
	v7 =	vcvt.f32.s32 v7;
	[tilespmem:v5+s2+$0x0] =	vst.idx.add.f32.msk $0xffff, v6  }
0x24b: {  	s22 =	sadd.s32 $0x400, s22;
	v5 =	vtrunc.f32 v8;
	v6 =	vmul.f32 $2.000000000e+03, v11;
	v8 =	vld [tilespmem:s21+$0x0]  }
0x24c: {  	v9 =	vtrunc.f32 v9;
	v11 =	vmul.f32 $2.000000000e+03, v12;
	vm0 =	vgt.s32 v7, $0x0;
	v12 =	vld [tilespmem:s22+$0x0]  }
0x24d: {  	v10 =	vtrunc.f32 v10;
	v15 =	vld [tilespmem:s21+$0xFFFFFF90];
	v13 =	vmul.f32 $2.000000000e+03, v13;
	v7 =	vnsel vm0, $0x0, v7  }
0x24e: {  	v6 =	vtrunc.f32 v6;
	v14 =	vmul.f32 $2.000000000e+03, v14;
	v16 =	vld [tilespmem:s22+$0xFFFFFF90];
	v7 =	vmin.u32 v7, $0x7CF  }
0x24f: {  	v11 =	vtrunc.f32 v11;
	v17 =	vld [tilespmem:s21+$0xFFFFFFA0];
	v13 =	vtrunc.f32 v13  }
0x250: {  	v5 =	vcvt.f32.s32 v5;
	v14 =	vtrunc.f32 v14;
	v18 =	vld [tilespmem:s22+$0xFFFFFFA0]  }
0x251: {  	v14 =	vcvt.f32.s32 v14;
	v19 =	vld [tilespmem:s21+$0xFFFFFFB0];
	v8 =	vmul.f32 v12, v8  }
0x252: {  	v9 =	vcvt.f32.s32 v9;
	vm0 =	vgt.s32 v5, $0x0;
	v10 =	vcvt.f32.s32 v10;
	v12 =	vld [tilespmem:s22+$0xFFFFFFB0]  }
0x253: {  	v6 =	vcvt.f32.s32 v6;
	v11 =	vcvt.f32.s32 v11;
	vm1 =	vgt.s32 v14, $0x0;
	[tilespmem:v7+s2+$0x0] =	vst.idx.add.f32.msk $0xffff, v8  }
0x254: {  	vm2 =	vgt.s32 v9, $0x0;
	vm3 =	vgt.s32 v10, $0x0;
	v8 =	vcvt.f32.s32 v13;
	v7 =	vld [tilespmem:s21+$0xFFFFFFC0]  }
0x255: {  	vm4 =	vgt.s32 v11, $0x0;
	v13 =	vnsel vm1, $0x0, v14;
	vm1 =	vgt.s32 v6, $0x0;
	v14 =	vld [tilespmem:s22+$0xFFFFFFC0]  }
0x256: {  	v5 =	vnsel vm0, $0x0, v5;
	v9 =	vnsel vm2, $0x0, v9;
	vm0 =	vgt.s32 v8, $0x0;
	v20 =	vld [tilespmem:s21+$0xFFFFFFD0]  }
0x257: {  	v10 =	vnsel vm3, $0x0, v10;
	v11 =	vnsel vm4, $0x0, v11;
	v6 =	vnsel vm1, $0x0, v6;
	v21 =	vld [tilespmem:s22+$0xFFFFFFD0]  }
0x258: {  	v15 =	vmul.f32 v16, v15;
	v16 =	vmul.f32 v18, v17;
	v8 =	vnsel vm0, $0x0, v8;
	v17 =	vld [tilespmem:s21+$0xFFFFFFE0]  }
0x259: {  	v13 =	vmin.u32 v13, $0x7CF;
	v18 =	vmin.u32 v5, $0x7CF;
	v12 =	vmul.f32 v12, v19;
	v19 =	vld [tilespmem:s22+$0xFFFFFFE0]  }
0x25a: {  	v9 =	vmin.u32 v9, $0x7CF;
	v10 =	vmin.u32 v10, $0x7CF;
	v7 =	vmul.f32 v14, v7;
	v14 =	vld [tilespmem:s21+$0xFFFFFFF0]  }
0x25b: {  	v11 =	vmin.u32 v11, $0x7CF;
	v5 =	vmin.u32 v6, $0x7CF;
	v8 =	vmin.u32 v8, $0x7CF;
	v22 =	vld [tilespmem:s22+$0xFFFFFFF0]  }
0x25c: {  	v6 =	vmul.f32 v21, v20;
	[tilespmem:v1+s2+$0x0] =	vst.idx.add.f32.msk $0xffff, v3;
	v1 =	vmov v11  }
.Ltmp5:
0x25d: {  	[tilespmem:v2+s2+$0x0] =	vst.idx.add.f32.msk $0xffff, v4;
	v2 =	vmov v8;
	(pc) =	sbr.rel @p0 .LBB2_14-.Ltmp5, $4  }
0x25e: {  	[tilespmem:v13+s2+$0x0] =	vst.idx.add.f32.msk $0xffff, v15;
	v3 =	vmul.f32 v19, v17  }
0x25f: {  	[tilespmem:v18+s2+$0x0] =	vst.idx.add.f32.msk $0xffff, v16  }
0x260: {  	[tilespmem:v9+s2+$0x0] =	vst.idx.add.f32.msk $0xffff, v12;
	v4 =	vmul.f32 v22, v14  }
0x261: {  	s18 =	sadd.s32 $0x400, s18;
	[tilespmem:v10+s2+$0x0] =	vst.idx.add.f32.msk $0xffff, v7  }
0x262: {  	_ =	sdelay $0x3  }
0x263: {  	[tilespmem:v5+s2+$0x0] =	vst.idx.add.f32.msk $0xffff, v6  }
0x264: {  	[tilespmem:v1+s2+$0x0] =	vst.idx.add.f32.msk $0xffff, v3  }
0x265: {  	[tilespmem:v2+s2+$0x0] =	vst.idx.add.f32.msk $0xffff, v4  }
0x266: {  	v1 =	vld [tilespmem:s17+$0x0]  }
0x267: {  	v2 =	vld [tilespmem:s17+$0xFFFFFFA0]  }
0x268: {  	v3 =	vld [tilespmem:s17+$0xFFFFFFB0]  }
0x269: {  	v4 =	vld [tilespmem:s17+$0xFFFFFFC0]  }
0x26a: {  	v5 =	vld [tilespmem:s17+$0xFFFFFFD0]  }
0x26b: {  	v6 =	vld [tilespmem:s17+$0xFFFFFFE0]  }
0x26c: {  	v7 =	vld [tilespmem:s17+$0xFFFFFFF0]  }
0x26d: {  	v8 =	vld [tilespmem:s17+$0xFFFFFF90]  }
0x26e: {  	v9 =	vld [tilespmem:s15+$0x0]  }
0x26f: {  	v10 =	vld [tilespmem:s14+$0x0]  }
0x270: {  	v1 =	vmul.f32 $2.000000000e+03, v1;
	v2 =	vmul.f32 $2.000000000e+03, v2  }
0x271: {  	v3 =	vmul.f32 $2.000000000e+03, v3;
	v4 =	vmul.f32 $2.000000000e+03, v4  }
0x272: {  	v5 =	vmul.f32 $2.000000000e+03, v5;
	v6 =	vmul.f32 $2.000000000e+03, v6  }
0x273: {  	v11 =	vld [tilespmem:s15+$0xFFFFFF90];
	v8 =	vmul.f32 $2.000000000e+03, v8;
	v7 =	vmul.f32 $2.000000000e+03, v7  }
0x274: {  	v12 =	vld [tilespmem:s14+$0xFFFFFF90];
	v9 =	vmul.f32 v10, v9;
	v1 =	vtrunc.f32 v1  }
0x275: {  	v13 =	vld [tilespmem:s15+$0xFFFFFFA0];
	v2 =	vtrunc.f32 v2;
	v3 =	vtrunc.f32 v3  }
0x276: {  	v14 =	vld [tilespmem:s14+$0xFFFFFFA0];
	v4 =	vtrunc.f32 v4;
	v5 =	vtrunc.f32 v5  }
0x277: {  	v15 =	vld [tilespmem:s15+$0xFFFFFFB0];
	v6 =	vtrunc.f32 v6;
	v8 =	vtrunc.f32 v8  }
0x278: {  	v16 =	vld [tilespmem:s14+$0xFFFFFFB0];
	v7 =	vtrunc.f32 v7;
	v1 =	vcvt.f32.s32 v1  }
0x279: {  	v17 =	vld [tilespmem:s15+$0xFFFFFFC0];
	v2 =	vcvt.f32.s32 v2;
	v8 =	vcvt.f32.s32 v8  }
0x27a: {  	v60 =	vld [tilespmem:s14+$0xFFFFFFC0];
	v3 =	vcvt.f32.s32 v3;
	v4 =	vcvt.f32.s32 v4;
	vm0 =	vgt.s32 v1, $0x0  }
0x27b: {  	v18 =	vld [tilespmem:s15+$0xFFFFFFD0];
	v5 =	vcvt.f32.s32 v5;
	vm1 =	vgt.s32 v8, $0x0;
	v1 =	vnsel vm0, $0x0, v1  }
0x27c: {  	v19 =	vld [tilespmem:s14+$0xFFFFFFD0];
	vm13 =	vgt.s32 v4, $0x0;
	v8 =	vnsel vm1, $0x0, v8;
	v1 =	vmin.u32 v1, $0x7CF  }
0x27d: {  	v20 =	vld [tilespmem:s15+$0xFFFFFFE0];
	vm11 =	vgt.s32 v2, $0x0;
	v4 =	vnsel vm13, $0x0, v4;
	v8 =	vmin.u32 v8, $0x7CF  }
0x27e: {  	v22 =	vld [tilespmem:s15+$0xFFFFFFF0];
	vm12 =	vgt.s32 v3, $0x0;
	v2 =	vnsel vm11, $0x0, v2;
	v61 =	vmin.u32 v4, $0x7CF  }
0x27f: {  	v6 =	vcvt.f32.s32 v6;
	v3 =	vnsel vm12, $0x0, v3;
	v2 =	vmin.u32 v2, $0x7CF;
	v4 =	vld [tilespmem:s14+$0xFFFFFFF0]  }
0x280: {  	v21 =	vld [tilespmem:s14+$0xFFFFFFE0];
	v11 =	vmul.f32 v12, v11;
	v7 =	vcvt.f32.s32 v7;
	v3 =	vmin.u32 v3, $0x7CF  }
0x281: {  	v10 =	vmul.f32 v60, v17;
	vm14 =	vgt.s32 v5, $0x0;
	vm15 =	vgt.s32 v6, $0x0;
	[tilespmem:v1+s6+$0x0] =	vst.idx.add.f32.msk $0xffff, v9  }
0x282: {  	vm2 =	vgt.s32 v7, $0x0;
	v5 =	vnsel vm14, $0x0, v5;
	v1 =	vmul.f32 v14, v13;
	[tilespmem:v8+s6+$0x0] =	vst.idx.add.f32.msk $0xffff, v11  }
0x283: {  	v62 =	vnsel vm15, $0x0, v6;
	v63 =	vnsel vm2, $0x0, v7;
	v8 =	vmul.f32 v16, v15;
	[tilespmem:v61+s6+$0x0] =	vst.idx.add.f32.msk $0xffff, v10  }
0x284: {  	s8 =	simm.s32 $0x0;
	v7 =	vmul.f32 v19, v18;
	v6 =	vmin.u32 v5, $0x7CF;
	v4 =	vmul.f32 v4, v22;
	[tilespmem:v2+s6+$0x0] =	vst.idx.add.f32.msk $0xffff, v1  }
0x285: {  	s21 =	sadd.s32 $0x400, s17;
	s22 =	smov.u32 s15;
	s24 =	smov.u32 s14;
	v1 =	vmin.u32 v62, $0x7CF;
	[tilespmem:v3+s6+$0x0] =	vst.idx.add.f32.msk $0xffff, v8;
	v2 =	vmin.u32 v63, $0x7CF;
	v3 =	vmul.f32 v21, v20  }
.LBB2_16:
0x286: {  	v5 =	vld [tilespmem:s21+$0x0];
	s8 =	sadd.s32 $0x80, s8  }
0x287: {  	v8 =	vld [tilespmem:s21+$0xFFFFFFA0];
	p0 =	slt.u32 s8, $0x180  }
0x288: {  	v9 =	vld [tilespmem:s21+$0xFFFFFFB0]  }
0x289: {  	v10 =	vld [tilespmem:s21+$0xFFFFFFC0]  }
0x28a: {  	v11 =	vld [tilespmem:s21+$0xFFFFFFD0]  }
0x28b: {  	v12 =	vld [tilespmem:s21+$0xFFFFFFE0];
	v5 =	vmul.f32 $2.000000000e+03, v5  }
0x28c: {  	v8 =	vmul.f32 $2.000000000e+03, v8;
	v13 =	vld [tilespmem:s21+$0xFFFFFFF0]  }
0x28d: {  	v14 =	vld [tilespmem:s21+$0xFFFFFF90];
	v9 =	vmul.f32 $2.000000000e+03, v9;
	v5 =	vtrunc.f32 v5  }
0x28e: {  	s22 =	sadd.s32 $0x400, s22;
	v10 =	vmul.f32 $2.000000000e+03, v10;
	v5 =	vcvt.f32.s32 v5;
	[tilespmem:v6+s6+$0x0] =	vst.idx.add.f32.msk $0xffff, v7  }
0x28f: {  	s24 =	sadd.s32 $0x400, s24;
	v6 =	vtrunc.f32 v8;
	v7 =	vmul.f32 $2.000000000e+03, v11;
	v8 =	vld [tilespmem:s22+$0x0]  }
0x290: {  	v9 =	vtrunc.f32 v9;
	v11 =	vmul.f32 $2.000000000e+03, v12;
	vm0 =	vgt.s32 v5, $0x0;
	v12 =	vld [tilespmem:s24+$0x0]  }
0x291: {  	v10 =	vtrunc.f32 v10;
	v15 =	vld [tilespmem:s22+$0xFFFFFF90];
	v13 =	vmul.f32 $2.000000000e+03, v13;
	v5 =	vnsel vm0, $0x0, v5  }
0x292: {  	v7 =	vtrunc.f32 v7;
	v14 =	vmul.f32 $2.000000000e+03, v14;
	v16 =	vld [tilespmem:s24+$0xFFFFFF90];
	v17 =	vmin.u32 v5, $0x7CF  }
0x293: {  	v11 =	vtrunc.f32 v11;
	v18 =	vld [tilespmem:s22+$0xFFFFFFA0];
	v13 =	vtrunc.f32 v13  }
0x294: {  	v6 =	vcvt.f32.s32 v6;
	v5 =	vtrunc.f32 v14;
	v14 =	vld [tilespmem:s24+$0xFFFFFFA0]  }
0x295: {  	v19 =	vcvt.f32.s32 v5;
	v20 =	vld [tilespmem:s22+$0xFFFFFFB0];
	v8 =	vmul.f32 v12, v8;
	v5 =	vimm.f32 $0.0e+00  }
0x296: {  	v9 =	vcvt.f32.s32 v9;
	vm0 =	vgt.s32 v6, $0x0;
	v10 =	vcvt.f32.s32 v10;
	v12 =	vld [tilespmem:s24+$0xFFFFFFB0]  }
0x297: {  	s25 =	simm.s32 $0xC040;
	s18 =	simm.s32 $0xC840;
	v7 =	vcvt.f32.s32 v7;
	v11 =	vcvt.f32.s32 v11;
	vm1 =	vgt.s32 v19, $0x0;
	[tilespmem:v17+s6+$0x0] =	vst.idx.add.f32.msk $0xffff, v8  }
0x298: {  	vm2 =	vgt.s32 v9, $0x0;
	vm3 =	vgt.s32 v10, $0x0;
	v13 =	vcvt.f32.s32 v13;
	v8 =	vld [tilespmem:s22+$0xFFFFFFC0]  }
0x299: {  	vm4 =	vgt.s32 v11, $0x0;
	v17 =	vnsel vm1, $0x0, v19;
	vm1 =	vgt.s32 v7, $0x0;
	v19 =	vld [tilespmem:s24+$0xFFFFFFC0]  }
0x29a: {  	v6 =	vnsel vm0, $0x0, v6;
	v9 =	vnsel vm2, $0x0, v9;
	vm0 =	vgt.s32 v13, $0x0;
	v21 =	vld [tilespmem:s22+$0xFFFFFFD0]  }
0x29b: {  	v10 =	vnsel vm3, $0x0, v10;
	v11 =	vnsel vm4, $0x0, v11;
	v7 =	vnsel vm1, $0x0, v7;
	v22 =	vld [tilespmem:s24+$0xFFFFFFD0]  }
0x29c: {  	v15 =	vmul.f32 v16, v15;
	v13 =	vnsel vm0, $0x0, v13;
	v14 =	vmul.f32 v14, v18;
	v16 =	vld [tilespmem:s22+$0xFFFFFFE0]  }
0x29d: {  	v17 =	vmin.u32 v17, $0x7CF;
	v18 =	vmin.u32 v6, $0x7CF;
	v12 =	vmul.f32 v12, v20;
	v20 =	vld [tilespmem:s24+$0xFFFFFFE0]  }
0x29e: {  	v9 =	vmin.u32 v9, $0x7CF;
	v10 =	vmin.u32 v10, $0x7CF;
	v8 =	vmul.f32 v19, v8;
	v19 =	vld [tilespmem:s22+$0xFFFFFFF0]  }
0x29f: {  	v11 =	vmin.u32 v11, $0x7CF;
	v13 =	vmin.u32 v13, $0x7CF;
	v6 =	vmin.u32 v7, $0x7CF;
	v23 =	vld [tilespmem:s24+$0xFFFFFFF0]  }
0x2a0: {  	v7 =	vmul.f32 v22, v21;
	[tilespmem:v1+s6+$0x0] =	vst.idx.add.f32.msk $0xffff, v3;
	v1 =	vmov v11  }
.Ltmp6:
0x2a1: {  	[tilespmem:v2+s6+$0x0] =	vst.idx.add.f32.msk $0xffff, v4;
	v2 =	vmov v13;
	(pc) =	sbr.rel @p0 .LBB2_16-.Ltmp6, $4  }
0x2a2: {  	[tilespmem:v17+s6+$0x0] =	vst.idx.add.f32.msk $0xffff, v15;
	v3 =	vmul.f32 v20, v16  }
0x2a3: {  	[tilespmem:v18+s6+$0x0] =	vst.idx.add.f32.msk $0xffff, v14  }
0x2a4: {  	[tilespmem:v9+s6+$0x0] =	vst.idx.add.f32.msk $0xffff, v12;
	v4 =	vmul.f32 v23, v19  }
0x2a5: {  	s21 =	sadd.s32 $0x400, s21;
	[tilespmem:v10+s6+$0x0] =	vst.idx.add.f32.msk $0xffff, v8  }
0x2a6: {  	_ =	sdelay $0x3  }
0x2a7: {  	[tilespmem:v6+s6+$0x0] =	vst.idx.add.f32.msk $0xffff, v7  }
0x2a8: {  	[tilespmem:v1+s6+$0x0] =	vst.idx.add.f32.msk $0xffff, v3  }
0x2a9: {  	[tilespmem:v2+s6+$0x0] =	vst.idx.add.f32.msk $0xffff, v4  }
0x2aa: {  	v1 =	vld [tilespmem:s25+$0xFFFFFFC0]  }
0x2ab: {  	v2 =	vld [tilespmem:s18+$0xFFFFFFC0]  }
0x2ac: {  	v3 =	vld [tilespmem:s25+$0xFFFFFFD0]  }
0x2ad: {  	v4 =	vld [tilespmem:s18+$0xFFFFFFD0]  }
0x2ae: {  	[tilespmem:s25+$0xFFFFFFC0] =	vst v0;
	v6 =	vld [tilespmem:s25+$0xFFFFFFE0]  }
0x2af: {  	[tilespmem:s25+$0xFFFFFFD0] =	vst v0;
	v7 =	vld [tilespmem:s18+$0xFFFFFFE0]  }
0x2b0: {  	[tilespmem:s25+$0xFFFFFFE0] =	vst v0;
	v11 =	vld [tilespmem:s18+$0xFFFFFFF0]  }
0x2b1: {  	[tilespmem:s25+$0xFFFFFFF0] =	vst v0;
	v12 =	vld [tilespmem:s25+$0x0]  }
0x2b2: {  	v14 =	vld [tilespmem:s18+$0x0];
	[tilespmem:s25+$0x0] =	vst v0  }
0x2b3: {  	[tilespmem:s18+$0xFFFFFFC0] =	vst v0;
	v8 =	vmul.f32 v1, v1  }
0x2b4: {  	v9 =	vld [tilespmem:s25+$0xFFFFFFF0];
	[tilespmem:s18+$0xFFFFFFD0] =	vst v0;
	v10 =	vmul.f32 v2, v2;
	v1 =	vmul.f32 v2, v1  }
0x2b5: {  	[tilespmem:s18+$0xFFFFFFE0] =	vst v0;
	v13 =	vmul.f32 v4, v4;
	v2 =	vadd.f32 v8, v5;
	v8 =	vmul.f32 v3, v3  }
0x2b6: {  	[tilespmem:s18+$0xFFFFFFF0] =	vst v0;
	v10 =	vadd.f32 v10, v5;
	v5 =	vadd.f32 v1, v5;
	v3 =	vmul.f32 v4, v3;
	v1 =	vld [tilespmem:s25+$0x10]  }
0x2b7: {  	[tilespmem:s18+$0x0] =	vst v0;
	v15 =	vmul.f32 v7, v7;
	v4 =	vld [tilespmem:s18+$0x10];
	v2 =	vadd.f32 v8, v2;
	v8 =	vmul.f32 v6, v6  }
0x2b8: {  	[tilespmem:s25+$0x10] =	vst v0;
	v10 =	vadd.f32 v13, v10;
	v3 =	vadd.f32 v3, v5;
	v6 =	vmul.f32 v7, v6;
	v5 =	vld [tilespmem:s18+$0x20]  }
0x2b9: {  	v16 =	vmul.f32 v11, v9;
	[tilespmem:s18+$0x10] =	vst v0;
	v7 =	vadd.f32 v8, v2;
	v2 =	vld [tilespmem:s25+$0x20];
	v8 =	vmul.f32 v9, v9  }
0x2ba: {  	v13 =	vmul.f32 v11, v11;
	v10 =	vadd.f32 v15, v10;
	v15 =	vadd.f32 v6, v3;
	[tilespmem:s25+$0x20] =	vst v0;
	v3 =	vld [tilespmem:s25+$0x30]  }
0x2bb: {  	v11 =	vmul.f32 v12, v12;
	v12 =	vmul.f32 v14, v12;
	v6 =	vld [tilespmem:s18+$0x30];
	[tilespmem:s25+$0x30] =	vst v0;
	v9 =	vadd.f32 v8, v7  }
0x2bc: {  	s8 =	simm.s32 $0x0;
	s21 =	simm.s32 $0xC0C0;
	[tilespmem:s18+$0x20] =	vst v0;
	v8 =	vadd.f32 v13, v10;
	v7 =	vmul.f32 v14, v14;
	v10 =	vadd.f32 v16, v15  }
.LBB2_18:
0x2bd: {  	v13 =	vld [tilespmem:s21+$0xFFFFFFC0];
	v9 =	vadd.f32 v11, v9;
	v11 =	vmul.f32 v1, v1;
	v14 =	vmul.f32 v4, v4;
	[tilespmem:s18+$0x30] =	vst v0;
	s18 =	sadd.s32 $0x80, s18  }
0x2be: {  	v1 =	vmul.f32 v4, v1;
	v15 =	vld [tilespmem:s18+$0xFFFFFFC0];
	[tilespmem:s21+$0xFFFFFFC0] =	vst v0;
	v7 =	vadd.f32 v7, v8;
	v8 =	vadd.f32 v12, v10  }
0x2bf: {  	s8 =	sadd.s32 $0x80, s8;
	v10 =	vmul.f32 v2, v2;
	[tilespmem:s18+$0xFFFFFFC0] =	vst v0;
	v4 =	vld [tilespmem:s21+$0xFFFFFFD0];
	v9 =	vadd.f32 v11, v9;
	v11 =	vmul.f32 v5, v5  }
0x2c0: {  	p0 =	slt.u32 s8, $0x700;
	v2 =	vmul.f32 v5, v2;
	v12 =	vld [tilespmem:s18+$0xFFFFFFD0];
	[tilespmem:s21+$0xFFFFFFD0] =	vst v0;
	v7 =	vadd.f32 v14, v7;
	v1 =	vadd.f32 v1, v8  }
0x2c1: {  	[tilespmem:s18+$0xFFFFFFD0] =	vst v0;
	v5 =	vld [tilespmem:s21+$0xFFFFFFE0];
	v8 =	vadd.f32 v10, v9;
	v9 =	vmul.f32 v3, v3;
	v10 =	vmul.f32 v6, v6  }
0x2c2: {  	v14 =	vld [tilespmem:s18+$0xFFFFFFE0];
	[tilespmem:s21+$0xFFFFFFE0] =	vst v0;
	v7 =	vadd.f32 v11, v7;
	v1 =	vadd.f32 v2, v1;
	v2 =	vmul.f32 v6, v3  }
0x2c3: {  	v3 =	vmul.f32 v13, v13;
	v6 =	vmul.f32 v15, v15;
	[tilespmem:s18+$0xFFFFFFE0] =	vst v0;
	v11 =	vld [tilespmem:s21+$0xFFFFFFF0];
	v8 =	vadd.f32 v9, v8  }
0x2c4: {  	v9 =	vmul.f32 v15, v13;
	v13 =	vld [tilespmem:s18+$0xFFFFFFF0];
	[tilespmem:s21+$0xFFFFFFF0] =	vst v0;
	v7 =	vadd.f32 v10, v7;
	v1 =	vadd.f32 v2, v1  }
0x2c5: {  	v2 =	vadd.f32 v3, v8;
	v3 =	vmul.f32 v4, v4;
	v8 =	vmul.f32 v12, v12;
	[tilespmem:s18+$0xFFFFFFF0] =	vst v0;
	v15 =	vld [tilespmem:s21+$0x0]  }
0x2c6: {  	v4 =	vmul.f32 v12, v4;
	v6 =	vadd.f32 v6, v7;
	v7 =	vadd.f32 v9, v1;
	v12 =	vld [tilespmem:s18+$0x0];
	[tilespmem:s21+$0x0] =	vst v0  }
0x2c7: {  	v2 =	vadd.f32 v3, v2;
	v3 =	vmul.f32 v5, v5;
	v9 =	vmul.f32 v14, v14;
	[tilespmem:s18+$0x0] =	vst v0;
	v1 =	vld [tilespmem:s21+$0x10]  }
.Ltmp7:
0x2c8: {  	v5 =	vmul.f32 v14, v5;
	v6 =	vadd.f32 v8, v6;
	v7 =	vadd.f32 v4, v7;
	v4 =	vld [tilespmem:s18+$0x10];
	[tilespmem:s21+$0x10] =	vst v0;
	(pc) =	sbr.rel @p0 .LBB2_18-.Ltmp7, $4  }
0x2c9: {  	v8 =	vmul.f32 v11, v11;
	v3 =	vadd.f32 v3, v2;
	v10 =	vmul.f32 v13, v13;
	[tilespmem:s18+$0x10] =	vst v0;
	v2 =	vld [tilespmem:s21+$0x20]  }
0x2ca: {  	v13 =	vmul.f32 v13, v11;
	v6 =	vadd.f32 v9, v6;
	v14 =	vadd.f32 v5, v7;
	v5 =	vld [tilespmem:s18+$0x20];
	[tilespmem:s21+$0x20] =	vst v0  }
0x2cb: {  	v11 =	vmul.f32 v15, v15;
	v9 =	vadd.f32 v8, v3;
	v7 =	vmul.f32 v12, v12;
	[tilespmem:s18+$0x20] =	vst v0;
	v3 =	vld [tilespmem:s21+$0x30]  }
0x2cc: {  	v12 =	vmul.f32 v12, v15;
	v8 =	vadd.f32 v10, v6;
	v10 =	vadd.f32 v13, v14;
	v6 =	vld [tilespmem:s18+$0x30];
	[tilespmem:s21+$0x30] =	vst v0;
	s21 =	sadd.s32 $0x80, s21  }
0x2cd: {  	v9 =	vadd.f32 v11, v9;
	v58 =	vmul.f32 v1, v1;
	v13 =	vmul.f32 v4, v4  }
0x2ce: {  	v1 =	vmul.f32 v4, v1;
	v7 =	vadd.f32 v7, v8;
	v59 =	vadd.f32 v12, v10  }
0x2cf: {  	v60 =	vmul.f32 v2, v2;
	v4 =	vadd.f32 v58, v9;
	v61 =	vmul.f32 v5, v5  }
0x2d0: {  	v2 =	vmul.f32 v5, v2;
	v7 =	vadd.f32 v13, v7;
	v1 =	vadd.f32 v1, v59  }
0x2d1: {  	v5 =	vmul.f32 v3, v3;
	v4 =	vadd.f32 v60, v4;
	v62 =	vmul.f32 v6, v6  }
0x2d2: {  	v63 =	vmul.f32 v6, v3;
	v7 =	vadd.f32 v61, v7;
	v1 =	vadd.f32 v2, v1  }
0x2d3: {  	v3 =	vadd.f32 v5, v4  }
0x2d4: {  	[tilespmem:s18+$0x30] =	vst v0;
	s8 =	simm.s32 $0x770;
	s18 =	simm.s32 $0xCF80;
	s21 =	simm.s32 $0xC780;
	v2 =	vadd.f32 v62, v7;
	v1 =	vadd.f32 v63, v1  }
.LBB2_20:
0x2d5: {  	v4 =	vld [tilespmem:s21+$0x0]  }
0x2d6: {  	v5 =	vld [tilespmem:s18+$0x0]  }
0x2d7: {  	s8 =	sadd.s32 $0x10, s8  }
0x2d8: {  	p0 =	slt.u32 s8, $0x7C0  }
.Ltmp8:
0x2d9: {  	_ = 	snop;
	(pc) =	sbr.rel @p0 .LBB2_20-.Ltmp8, $4  }
0x2da: {  	v6 =	vmul.f32 v4, v4  }
0x2db: {  	v7 =	vmul.f32 v5, v5;
	v4 =	vmul.f32 v5, v4  }
0x2dc: {  	[tilespmem:s21+$0x0] =	vst v0;
	v3 =	vadd.f32 v6, v3  }
0x2dd: {  	s21 =	sadd.s32 $0x10, s21;
	[tilespmem:s18+$0x0] =	vst v0;
	s18 =	sadd.s32 $0x10, s18;
	v2 =	vadd.f32 v7, v2;
	v1 =	vadd.f32 v4, v1  }
0x2de: {  	s8 =	sadd.s32 s20, s10;
	s10 =	sadd.s32 $0x1, s10  }
0x2df: {  	p0 =	sne.s32 s10, $0x8  }
.Ltmp9:
0x2e0: {  	s8 =	sshll.u32 s8, $0x7;
	(pc) =	sbr.rel @p0 .LBB2_13-.Ltmp9, $4  }
0x2e1: {  	s8 =	sand.u32 $0x3FFFFF80, s8  }
0x2e2: {  	[tilespmem:s8+$0xD000] =	vst v3  }
0x2e3: {  	s11 =	sadd.s32 $0x80, s11;
	s12 =	sadd.s32 $0x80, s12;
	s13 =	sadd.s32 $0x80, s13;
	[tilespmem:s8+$0xD010] =	vst v2  }
0x2e4: {  	s14 =	sadd.s32 $0x80, s14;
	s15 =	sadd.s32 $0x80, s15;
	s17 =	sadd.s32 $0x80, s17;
	[tilespmem:s8+$0xD020] =	vst v1  }
0x2e5: {  	s23 =	sadd.s32 $0x1, s23  }
0x2e6: {  	p0 =	sne.s32 s23, $0x10  }
.Ltmp10:
0x2e7: {  	_ = 	snop;
	(pc) =	sbr.rel @p0 .LBB2_2-.Ltmp10, $1  }
0x2e8: {  	_ =	sdelay $0x3  }
0x2e9: {  	s11 =	simm.s32 $0x0  }
0x2ea: {  	s8 =	rddreg [dreg:$0xe];
	s10 =	simm.s32 $0xD000;
	s25 =	simm.s32 $0x3  }
0x2eb: {  	[hbm4b:s8+s11] =	stream.linear.scatter [tilespmem:s10], [sflag:$0x3], $0x8000, $0x38;
	[tilespmem:$0x15000] =	vst v63  }
0x2ec: {  	_ =	swait.ge [sflag:s25], $0x8000  }
0x2ed: {  	s12 =	rddreg [dreg:$0x10]  }
0x2ee: {  	s26 =	rddreg [dreg:$0xf];
	s12 =	sadd.s32 $0x1, s12  }
0x2ef: {  	p0 =	sne.s32 s12, s26  }
.Ltmp11:
0x2f0: {  	_ = 	snop;
	(pc) =	sbr.rel @p0 .LBB2_1-.Ltmp11, $3  }
0x2f1: {  	_ =	sdelay $0x1  }
0x2f2: {  	[sflag:s25] =	ssyncset.done $0x0  }
0x2f3: {  	[sflag:s25] =	ssyncadd.s32 $0xFFFF8000  }
0x2f4: {  	_ =	sfence.sel $0x180000  }
0x2f5: {  	[bflag:$0x0] =	sbarrier.arrive $0xFFFF  }
0x2f6: {  	_ =	strace $0x90000047  }
0x2f7: {  	s0 =	stileid.u32;
	[bflag:$0x2] =	sbarrier.arrive $0xFFFF  }
0x2f8: {  	p0 =	sne.s32 s0, $0x0;
	s0 =	rddreg [dreg:$0x7]  }
0x2f9: {  	s0 =	sadd.s32 @!p0 $0x100000, s0  }
0x2fa: {  	[sflag:s0] =	ssyncadd.tile.s32 @!p0 $0x1;
	_ =	shalt  }
.Lfunc_end2:
_tile_overlayer_lowered:
.L_overlay_start_2:
0x2fb: {  	(tag) =	ssettag $0x2  }
0x2fc: {  	s0 =	rddreg [dreg:$0x0];
	s2 =	stileid.u32  }
0x2fd: {  	s1 =	rddreg [dreg:$0x1];
	p0 =	sne.s32 s2, $0x0  }
0x2fe: {  	s3 =	rddreg [dreg:$0x2];
	[bflag:$0x3] =	sbarrier.arrive $0xFFFF;
	s2 =	simm.s32 @!p0 $0x1C03  }
0x2ff: {  	[timem:s3], [sflag:s2] =	dma.local @!p0 [hbm:s0], s1  }
0x300: {  	s0 =	simm.s32 @!p0 $0x3  }
0x301: {  	_ =	swait.ge @!p0 [sflag:s0], s1  }
0x302: {  	s1 =	ssub.s32 @!p0 $0x0, s1;
	[sflag:s0] =	ssyncset.done @!p0 $0x0  }
0x303: {  	[sflag:s0] =	ssyncadd.s32 @!p0 s1  }
0x304: {  	[bflag:$0x3] =	sbarrier.arrive $0xFFFF  }
0x305: {  	_ =	shalt  }

</sc_bundles>
